<compile_context>
chip_gen: v7x
topology: tpu7x:2x2x1
jax: 0.10.2.dev20260603
libtpu: 0.0.44.dev20260713+nightly
codegen_flags: <defaults>
</compile_context>

<pallas_src>
import jax
import jax.numpy as jnp
from jax import lax
from jax.experimental import pallas as pl
from jax.experimental.pallas import tpu as pltpu
from jax.experimental.pallas import tpu_sc as plsc

N = 10000
E = 160000
IN_CH = 256
HID = 512
OUT_CH = 16
HALF = IN_CH // 2
LW = 128

NC, NS = 2, 16
CHUNK = 128
PAD_ROWS = 240
NP_ROWS = 10240
E_PAD = 163840

INIT_ROWS_PER_TILE = NP_ROWS // NS
ROWS_A, ROWS_B = 632, N - 15 * 632

_MESH = plsc.VectorSubcoreMesh(
    core_axis_name="c", subcore_axis_name="s", num_cores=NC, num_subcores=NS
)


def _al8(v):
    return pl.multiple_of(v, 8)


def _tile_rows_copy(s, get_src, get_dst):

    @pl.when(s < NS - 1)
    def _():
        pltpu.sync_copy(get_src(pl.ds(_al8(s * ROWS_A), ROWS_A)),
                        get_dst(pl.ds(_al8(s * ROWS_A), ROWS_A)))

    @pl.when(s == NS - 1)
    def _():
        pltpu.sync_copy(get_src(pl.ds((NS - 1) * ROWS_A, ROWS_B)),
                        get_dst(pl.ds((NS - 1) * ROWS_A, ROWS_B)))


def _init_zero(s, zeros_hbm, acc_sh):
    r0 = _al8(s * INIT_ROWS_PER_TILE)
    pltpu.sync_copy(zeros_hbm.at[pl.ds(r0, INIT_ROWS_PER_TILE)],
                    acc_sh.at[pl.ds(r0, INIT_ROWS_PER_TILE)])


_NW_CHUNKS = E_PAD // (NC * NS) // CHUNK
_NS_CHUNKS = E_PAD // NS // CHUNK


def _deg_body(dst_hbm, ones_hbm, zeros_hbm, deg0_hbm, deg1_hbm,
              idxs, ones_v, acc_sh, sem0, sem1):
    c = lax.axis_index("c")
    s = lax.axis_index("s")
    _init_zero(s, zeros_hbm, acc_sh)
    pltpu.sync_copy(ones_hbm, ones_v)
    pltpu.sync_copy(dst_hbm.at[c * NS + s], idxs)
    plsc.subcore_barrier()

    sems = (sem0, sem1)

    def wait(b):
        pltpu.make_async_copy(ones_v, acc_sh.at[idxs.at[0]], sems[b]).wait()

    def body(t, carry):
        for p in (0, 1):
            @pl.when(t > 0)
            def _():
                wait(p)

            pltpu.async_copy(ones_v, acc_sh.at[idxs.at[2 * t + p]],
                             sems[p], add=True)
        return carry

    lax.fori_loop(0, _NW_CHUNKS // 2, body, 0)
    wait(0)
    wait(1)
    plsc.subcore_barrier()

    @pl.when(c == 0)
    def _():
        _tile_rows_copy(s, lambda d: acc_sh.at[d], lambda d: deg0_hbm.at[d])

    @pl.when(c == 1)
    def _():
        _tile_rows_copy(s, lambda d: acc_sh.at[d], lambda d: deg1_hbm.at[d])


_deg_kernel = pl.kernel(
    _deg_body,
    out_type=(
        jax.ShapeDtypeStruct((N, LW), jnp.float32),
        jax.ShapeDtypeStruct((N, LW), jnp.float32),
    ),
    mesh=_MESH,
    scratch_types=[
        pltpu.VMEM((_NW_CHUNKS, CHUNK), jnp.int32),
        pltpu.VMEM((CHUNK, LW), jnp.float32),
        pltpu.VMEM_SHARED((NP_ROWS, LW), jnp.float32),
        pltpu.SemaphoreType.DMA,
        pltpu.SemaphoreType.DMA,
    ],
)


_CH = 64
_NR = 5


def _edge_sweep(n, base, srcf_hbm, dstf_hbm, gbufs, sbufs, rows,
                gi, si, sg, ss, acc_sh, gsrc_start, gsrc_wait):
    R = _NR

    def gidx_load(j, b):
        off = _al8(base + j * _CH)
        pltpu.async_copy(srcf_hbm.at[pl.ds(off, _CH)], gbufs[b], gi[b])

    def gidx_wait(b):
        pltpu.make_async_copy(srcf_hbm.at[pl.ds(0, _CH)], gbufs[b],
                              gi[b]).wait()

    def sidx_load(j, b):
        off = _al8(base + j * _CH)
        pltpu.async_copy(dstf_hbm.at[pl.ds(off, _CH)], sbufs[b], si[b])

    def sidx_wait(b):
        pltpu.make_async_copy(dstf_hbm.at[pl.ds(0, _CH)], sbufs[b],
                              si[b]).wait()

    def gather_start(b):
        gsrc_start(gbufs[b], rows[b], sg[b])

    def gather_wait(b):
        gsrc_wait(gbufs[b], rows[b], sg[b])

    def scat_start(b):
        pltpu.async_copy(rows[b], acc_sh.at[sbufs[b]], ss[b], add=True)

    def scat_wait(b):
        pltpu.make_async_copy(rows[b], acc_sh.at[sbufs[b]], ss[b]).wait()

    for k in range(R):
        gidx_load(k, k)
    for k in range(R - 1):
        sidx_load(k, k)
    for k in range(R - 1):
        gidx_wait(k)
        gather_start(k)

    def step(j, b):
        gather_wait(b)
        sidx_wait(b)
        scat_start(b)
        nb = (b + R - 1) % R

        @pl.when(j >= 1)
        def _():
            scat_wait(nb)

        @pl.when(j + R - 1 < n)
        def _():
            gidx_wait(nb)
            gather_start(nb)
            sidx_load(j + R - 1, nb)

        @pl.when(j + R < n)
        def _():
            gidx_load(j + R, b)

    def body(t, carry):
        for b in range(R):
            step(R * t + b, b)
        return carry

    lax.fori_loop(0, n // R, body, 0)
    scat_wait((n - 1) % R)


def _agg1_body(y_lo_hbm, y_hi_hbm, srcf_hbm, dstf_hbm, agg_lo_hbm, agg_hi_hbm,
               gbufs, sbufs, rows, acc_sh, gi, si, sg, ss):
    c = lax.axis_index("c")
    s = lax.axis_index("s")

    @pl.when(c == 0)
    def _():
        _tile_rows_copy(s, lambda d: y_lo_hbm.at[d], lambda d: acc_sh.at[d])

    @pl.when(c == 1)
    def _():
        _tile_rows_copy(s, lambda d: y_hi_hbm.at[d], lambda d: acc_sh.at[d])

    plsc.subcore_barrier()

    def gsrc_start(idx_ref, row_ref, sem):
        @pl.when(c == 0)
        def _():
            pltpu.async_copy(y_lo_hbm.at[idx_ref], row_ref, sem)

        @pl.when(c == 1)
        def _():
            pltpu.async_copy(y_hi_hbm.at[idx_ref], row_ref, sem)

    def gsrc_wait(idx_ref, row_ref, sem):
        pltpu.make_async_copy(y_lo_hbm.at[idx_ref], row_ref, sem).wait()

    base = s * (E_PAD // NS)
    _edge_sweep(E_PAD // NS // _CH, base, srcf_hbm, dstf_hbm,
                gbufs, sbufs, rows, gi, si, sg, ss,
                acc_sh, gsrc_start, gsrc_wait)
    plsc.subcore_barrier()

    @pl.when(c == 0)
    def _():
        _tile_rows_copy(s, lambda d: acc_sh.at[d], lambda d: agg_lo_hbm.at[d])

    @pl.when(c == 1)
    def _():
        _tile_rows_copy(s, lambda d: acc_sh.at[d], lambda d: agg_hi_hbm.at[d])


_agg1_kernel = pl.kernel(
    _agg1_body,
    out_type=(
        jax.ShapeDtypeStruct((N, HALF), jnp.float32),
        jax.ShapeDtypeStruct((N, HALF), jnp.float32),
    ),
    mesh=_MESH,
    scratch_types=[
        [pltpu.VMEM((_CH,), jnp.int32)] * _NR,
        [pltpu.VMEM((_CH,), jnp.int32)] * _NR,
        [pltpu.VMEM((_CH, HALF), jnp.float32)] * _NR,
        pltpu.VMEM_SHARED((NP_ROWS, HALF), jnp.float32),
        [pltpu.SemaphoreType.DMA] * _NR,
        [pltpu.SemaphoreType.DMA] * _NR,
        [pltpu.SemaphoreType.DMA] * _NR,
        [pltpu.SemaphoreType.DMA] * _NR,
    ],
)


def _agg2_body(z_hbm, zeros_hbm, srcf_hbm, dstf_hbm, s0_hbm, s1_hbm,
               gbufs, sbufs, rows, acc_sh, gi, si, sg, ss):
    c = lax.axis_index("c")
    s = lax.axis_index("s")
    _init_zero(s, zeros_hbm, acc_sh)
    plsc.subcore_barrier()

    def gsrc_start(idx_ref, row_ref, sem):
        pltpu.async_copy(z_hbm.at[idx_ref], row_ref, sem)

    def gsrc_wait(idx_ref, row_ref, sem):
        pltpu.make_async_copy(z_hbm.at[idx_ref], row_ref, sem).wait()

    base = (c * NS + s) * (E_PAD // (NC * NS))
    _edge_sweep(E_PAD // (NC * NS) // _CH, base, srcf_hbm, dstf_hbm,
                gbufs, sbufs, rows, gi, si, sg, ss,
                acc_sh, gsrc_start, gsrc_wait)
    plsc.subcore_barrier()

    @pl.when(c == 0)
    def _():
        _tile_rows_copy(s, lambda d: acc_sh.at[d], lambda d: s0_hbm.at[d])

    @pl.when(c == 1)
    def _():
        _tile_rows_copy(s, lambda d: acc_sh.at[d], lambda d: s1_hbm.at[d])


_agg2_kernel = pl.kernel(
    _agg2_body,
    out_type=(
        jax.ShapeDtypeStruct((N, LW), jnp.float32),
        jax.ShapeDtypeStruct((N, LW), jnp.float32),
    ),
    mesh=_MESH,
    scratch_types=[
        [pltpu.VMEM((_CH,), jnp.int32)] * _NR,
        [pltpu.VMEM((_CH,), jnp.int32)] * _NR,
        [pltpu.VMEM((_CH, LW), jnp.float32)] * _NR,
        pltpu.VMEM_SHARED((NP_ROWS, LW), jnp.float32),
        [pltpu.SemaphoreType.DMA] * _NR,
        [pltpu.SemaphoreType.DMA] * _NR,
        [pltpu.SemaphoreType.DMA] * _NR,
        [pltpu.SemaphoreType.DMA] * _NR,
    ],
)


_BM = 1000


def _prep_body(deg0, deg1, x, y_lo, y_hi, dinv2):
    deg = deg0[:, :1] + deg1[:, :1] + 1.0
    dinv = lax.rsqrt(deg)
    y = x[...] * dinv
    y_lo[...] = y[:, :HALF]
    y_hi[...] = y[:, HALF:]
    dinv2[...] = dinv


def _prep_call(deg0, deg1, x):
    return pl.pallas_call(
        _prep_body,
        grid=(N // _BM,),
        in_specs=[
            pl.BlockSpec((_BM, LW), lambda i: (i, 0)),
            pl.BlockSpec((_BM, LW), lambda i: (i, 0)),
            pl.BlockSpec((_BM, IN_CH), lambda i: (i, 0)),
        ],
        out_specs=[
            pl.BlockSpec((_BM, HALF), lambda i: (i, 0)),
            pl.BlockSpec((_BM, HALF), lambda i: (i, 0)),
            pl.BlockSpec((_BM, 1), lambda i: (i, 0)),
        ],
        out_shape=[
            jax.ShapeDtypeStruct((N, HALF), jnp.float32),
            jax.ShapeDtypeStruct((N, HALF), jnp.float32),
            jax.ShapeDtypeStruct((N, 1), jnp.float32),
        ],
    )(deg0, deg1, x)


def _bf(v):
    return v.astype(jnp.bfloat16)


def _main_body(agg_lo, agg_hi, dinv2, w1l, w1h, b1r, w2p, z_out):
    d = dinv2[...]
    h = (jnp.dot(_bf(agg_lo[...] * d), _bf(w1l[...]),
                 preferred_element_type=jnp.float32)
         + jnp.dot(_bf(agg_hi[...] * d), _bf(w1h[...]),
                   preferred_element_type=jnp.float32)
         + b1r[...])
    h = jnp.maximum(h, 0.0)
    z_out[...] = jnp.dot(_bf(h), _bf(w2p[...]),
                         preferred_element_type=jnp.float32) * d


def _main_call(agg_lo, agg_hi, dinv2, w1l, w1h, b1r, w2p):
    return pl.pallas_call(
        _main_body,
        grid=(N // _BM,),
        in_specs=[
            pl.BlockSpec((_BM, HALF), lambda i: (i, 0)),
            pl.BlockSpec((_BM, HALF), lambda i: (i, 0)),
            pl.BlockSpec((_BM, 1), lambda i: (i, 0)),
            pl.BlockSpec((HALF, HID), lambda i: (0, 0)),
            pl.BlockSpec((HALF, HID), lambda i: (0, 0)),
            pl.BlockSpec((1, HID), lambda i: (0, 0)),
            pl.BlockSpec((HID, LW), lambda i: (0, 0)),
        ],
        out_specs=pl.BlockSpec((_BM, LW), lambda i: (i, 0)),
        out_shape=jax.ShapeDtypeStruct((N, LW), jnp.float32),
    )(agg_lo, agg_hi, dinv2, w1l, w1h, b1r, w2p)


def _final_body(z, s0, s1, dinv2, b2r, out):
    res = (z[...] + s0[...] + s1[...]) * dinv2[...]
    out[...] = res[:, :OUT_CH] + b2r[...]


def _final_call(z, s0, s1, dinv2, b2r):
    return pl.pallas_call(
        _final_body,
        grid=(N // _BM,),
        in_specs=[
            pl.BlockSpec((_BM, LW), lambda i: (i, 0)),
            pl.BlockSpec((_BM, LW), lambda i: (i, 0)),
            pl.BlockSpec((_BM, LW), lambda i: (i, 0)),
            pl.BlockSpec((_BM, 1), lambda i: (i, 0)),
            pl.BlockSpec((1, OUT_CH), lambda i: (0, 0)),
        ],
        out_specs=pl.BlockSpec((_BM, OUT_CH), lambda i: (i, 0)),
        out_shape=jax.ShapeDtypeStruct((N, OUT_CH), jnp.float32),
    )(z, s0, s1, dinv2, b2r)


def kernel(x, edge_index, W1, b1, W2, b2):
    ei = edge_index.astype(jnp.int32)
    pad_n = E_PAD - E
    pad_iota = jnp.arange(pad_n, dtype=jnp.int32)
    src = jnp.concatenate([ei[0], pad_iota % N])
    dst = jnp.concatenate([ei[1], N + pad_iota % PAD_ROWS])

    onehot = jnp.zeros((CHUNK, LW), jnp.float32).at[:, 0].set(1.0)
    zeros_np = jnp.zeros((NP_ROWS, LW), jnp.float32)
    w2p = jnp.zeros((HID, LW), jnp.float32).at[:, :OUT_CH].set(W2)

    dst_w = dst.reshape(NC * NS, _NW_CHUNKS, CHUNK)

    deg0, deg1 = _deg_kernel(dst_w, onehot, zeros_np)
    y_lo, y_hi, dinv2 = _prep_call(deg0, deg1, x)
    agg_lo, agg_hi = _agg1_kernel(y_lo, y_hi, src, dst)
    z = _main_call(agg_lo, agg_hi, dinv2,
                   W1[:HALF], W1[HALF:], b1.reshape(1, HID), w2p)
    s0, s1 = _agg2_kernel(z, zeros_np, src, dst)
    return _final_call(z, s0, s1, dinv2, b2.reshape(1, OUT_CH))

# --- scband reference (transcript-rebuilt; emitter-appended) ---
"""Pipeline reference for scband-gnnexplainer-46943992545648 (READ-ONLY COPY).

The authoritative reference and input builder live on the scoring server;
editing this copy changes nothing except your own understanding.
"""

import jax, jax.numpy as jnp
import numpy as np

N_NODES = 10000
N_EDGES = 160000
IN_CH = 256
HID_CH = 512
NUM_CLASSES = 16


def setup_inputs(seed: int = 0) -> dict:
    key = jax.random.key(seed)
    k1, k2, k3, k4, k5, k6 = jax.random.split(key, 6)
    x = jax.random.normal(k1, (N_NODES, IN_CH), dtype=jnp.float32)
    edge_index = jax.random.randint(k2, (2, N_EDGES), 0, N_NODES, dtype=jnp.int64)
    # Glorot-style init for GCN linear layers
    W1 = jax.random.normal(k3, (IN_CH, HID_CH), dtype=jnp.float32) * (1.0 / np.sqrt(IN_CH))
    b1 = jnp.zeros((HID_CH,), dtype=jnp.float32)
    W2 = jax.random.normal(k4, (HID_CH, NUM_CLASSES), dtype=jnp.float32) * (1.0 / np.sqrt(HID_CH))
    b2 = jnp.zeros((NUM_CLASSES,), dtype=jnp.float32)
    return {"x": x, "edge_index": edge_index, "W1": W1, "b1": b1, "W2": W2, "b2": b2}


def gcn_conv(x, src, dst, W, b):
    # x' = D^{-1/2} (A + I) D^{-1/2} (x W) + b, matching PyG GCNConv defaults
    N = x.shape[0]
    h = x @ W
    deg = jnp.zeros((N,), dtype=x.dtype).at[dst].add(1.0)
    deg_inv_sqrt = jnp.where(deg > 0, deg ** -0.5, 0.0)
    norm = deg_inv_sqrt[src] * deg_inv_sqrt[dst]
    msg = h[src] * norm[:, None]
    out = jnp.zeros((N, W.shape[1]), dtype=x.dtype).at[dst].add(msg)
    return out + b


def reference(x, edge_index, W1, b1, W2, b2):
    N = x.shape[0]
    loop = jnp.arange(N, dtype=edge_index.dtype)
    src = jnp.concatenate([edge_index[0], loop])
    dst = jnp.concatenate([edge_index[1], loop])
    h = gcn_conv(x, src, dst, W1, b1)
    h = jax.nn.relu(h)
    out = gcn_conv(h, src, dst, W2, b2)
    return out

if __name__ == "__main__":
    import jax
    _d = setup_inputs()
    print(jax.jit(kernel)(*tuple(_d.values())))

</pallas_src>

<mosaic_0001>
#map = affine_map<(d0, d1) -> (0, 0)>
#map1 = affine_map<(d0, d1) -> (0)>
module attributes {stable_mosaic.version = 14 : i64} {
  func.func @_agg2_body(%arg0: i32, %arg1: i32, %arg2: memref<10000x128xf32, #tpu.memory_space<hbm>>, %arg3: memref<10240x128xf32, #tpu.memory_space<hbm>>, %arg4: memref<163840xi32, #tpu.memory_space<hbm>>, %arg5: memref<163840xi32, #tpu.memory_space<hbm>>, %arg6: memref<10000x128xf32, #tpu.memory_space<hbm>>, %arg7: memref<10000x128xf32, #tpu.memory_space<hbm>>, %arg8: memref<64xi32, #tpu.memory_space<vmem>>, %arg9: memref<64xi32, #tpu.memory_space<vmem>>, %arg10: memref<64xi32, #tpu.memory_space<vmem>>, %arg11: memref<64xi32, #tpu.memory_space<vmem>>, %arg12: memref<64xi32, #tpu.memory_space<vmem>>, %arg13: memref<64xi32, #tpu.memory_space<vmem>>, %arg14: memref<64xi32, #tpu.memory_space<vmem>>, %arg15: memref<64xi32, #tpu.memory_space<vmem>>, %arg16: memref<64xi32, #tpu.memory_space<vmem>>, %arg17: memref<64xi32, #tpu.memory_space<vmem>>, %arg18: memref<64x128xf32, #tpu.memory_space<vmem>>, %arg19: memref<64x128xf32, #tpu.memory_space<vmem>>, %arg20: memref<64x128xf32, #tpu.memory_space<vmem>>, %arg21: memref<64x128xf32, #tpu.memory_space<vmem>>, %arg22: memref<64x128xf32, #tpu.memory_space<vmem>>, %arg23: memref<10240x128xf32, #tpu.memory_space<vmem_shared>>, %arg24: memref<!tpu.dma_semaphore, #tpu.memory_space<semaphore_mem>>, %arg25: memref<!tpu.dma_semaphore, #tpu.memory_space<semaphore_mem>>, %arg26: memref<!tpu.dma_semaphore, #tpu.memory_space<semaphore_mem>>, %arg27: memref<!tpu.dma_semaphore, #tpu.memory_space<semaphore_mem>>, %arg28: memref<!tpu.dma_semaphore, #tpu.memory_space<semaphore_mem>>, %arg29: memref<!tpu.dma_semaphore, #tpu.memory_space<semaphore_mem>>, %arg30: memref<!tpu.dma_semaphore, #tpu.memory_space<semaphore_mem>>, %arg31: memref<!tpu.dma_semaphore, #tpu.memory_space<semaphore_mem>>, %arg32: memref<!tpu.dma_semaphore, #tpu.memory_space<semaphore_mem>>, %arg33: memref<!tpu.dma_semaphore, #tpu.memory_space<semaphore_mem>>, %arg34: memref<!tpu.dma_semaphore, #tpu.memory_space<semaphore_mem>>, %arg35: memref<!tpu.dma_semaphore, #tpu.memory_space<semaphore_mem>>, %arg36: memref<!tpu.dma_semaphore, #tpu.memory_space<semaphore_mem>>, %arg37: memref<!tpu.dma_semaphore, #tpu.memory_space<semaphore_mem>>, %arg38: memref<!tpu.dma_semaphore, #tpu.memory_space<semaphore_mem>>, %arg39: memref<!tpu.dma_semaphore, #tpu.memory_space<semaphore_mem>>, %arg40: memref<!tpu.dma_semaphore, #tpu.memory_space<semaphore_mem>>, %arg41: memref<!tpu.dma_semaphore, #tpu.memory_space<semaphore_mem>>, %arg42: memref<!tpu.dma_semaphore, #tpu.memory_space<semaphore_mem>>, %arg43: memref<!tpu.dma_semaphore, #tpu.memory_space<semaphore_mem>>) attributes {dimension_semantics = [#tpu.dimension_semantics<core_parallel>, #tpu.dimension_semantics<subcore_parallel>], iteration_bounds = array<i64: 2, 16>, scalar_prefetch = 0 : i64, scratch_operands = 36 : i64, tpu.core_type = #tpu.core_type<sc_vector_subcore>, window_params = [{transform_indices = #map}, {transform_indices = #map}, {transform_indices = #map1}, {transform_indices = #map1}, {transform_indices = #map}, {transform_indices = #map}]} {
    %mul3A = arith.constant 640 : i32
    %mul3A_0 = arith.muli %arg1, %mul3A : i32
    %multiple_of3A = tpu.assume_multiple %mul3A_0, 8 : i32
    "tpu.region"() ({
      %run_scoped3A = tpu.sem_alloc : memref<!tpu.dma_semaphore, #tpu.memory_space<semaphore_mem>>
      %dma_start3A_92 = arith.constant 0 : i32
      %dma_start3A_93 = tpu.memref_slice %arg23[%multiple_of3A, %dma_start3A_92] : memref<10240x128xf32, #tpu.memory_space<vmem_shared>> -> memref<640x128xf32, #tpu.memory_space<vmem_shared>>
      %dma_start3A_94 = arith.constant 0 : i32
      %dma_start3A_95 = tpu.memref_slice %arg3[%multiple_of3A, %dma_start3A_94] : memref<10240x128xf32, #tpu.memory_space<hbm>> -> memref<640x128xf32, #tpu.memory_space<hbm>>
      tpu.enqueue_dma source(%dma_start3A_95 : memref<640x128xf32, #tpu.memory_space<hbm>>) target(%dma_start3A_93 : memref<640x128xf32, #tpu.memory_space<vmem_shared>>) target_semaphore(%run_scoped3A : memref<!tpu.dma_semaphore, #tpu.memory_space<semaphore_mem>>)
      %dma_wait3A_96 = arith.constant 0 : i32
      %dma_wait3A_97 = tpu.memref_slice %arg23[%multiple_of3A, %dma_wait3A_96] : memref<10240x128xf32, #tpu.memory_space<vmem_shared>> -> memref<640x128xf32, #tpu.memory_space<vmem_shared>>
      %dma_wait3A_98 = arith.constant 0 : i32
      %dma_wait3A_99 = tpu.memref_slice %arg3[%multiple_of3A, %dma_wait3A_98] : memref<10240x128xf32, #tpu.memory_space<hbm>> -> memref<640x128xf32, #tpu.memory_space<hbm>>
      tpu.wait_dma2 semaphore(%run_scoped3A : memref<!tpu.dma_semaphore, #tpu.memory_space<semaphore_mem>>) src(%dma_wait3A_99 : memref<640x128xf32, #tpu.memory_space<hbm>>) dst(%dma_wait3A_97 : memref<640x128xf32, #tpu.memory_space<vmem_shared>>)
      tpu.yield
    }) : () -> ()
    %barrier3A = arith.constant 0 : index
    tpu.barrier barrier_id(%barrier3A)
    %mul3A_1 = arith.constant 16 : i32
    %mul3A_2 = arith.muli %arg0, %mul3A_1 : i32
    %add3A = arith.addi %mul3A_2, %arg1 : i32
    %mul3A_3 = arith.constant 5120 : i32
    %mul3A_4 = arith.muli %add3A, %mul3A_3 : i32
    %add3A_5 = arith.constant 0 : i32
    %add3A_6 = arith.addi %mul3A_4, %add3A_5 : i32
    %multiple_of3A_7 = tpu.assume_multiple %add3A_6, 8 : i32
    %dma_start3A = tpu.memref_slice %arg4[%multiple_of3A_7] : memref<163840xi32, #tpu.memory_space<hbm>> -> memref<64xi32, #tpu.memory_space<hbm>>
    %dma_start3A_8 = tpu.memref_slice %arg4[%multiple_of3A_7] : memref<163840xi32, #tpu.memory_space<hbm>> -> memref<64xi32, #tpu.memory_space<hbm>>
    tpu.enqueue_dma source(%dma_start3A_8 : memref<64xi32, #tpu.memory_space<hbm>>) target(%arg8 : memref<64xi32, #tpu.memory_space<vmem>>) target_semaphore(%arg24 : memref<!tpu.dma_semaphore, #tpu.memory_space<semaphore_mem>>)
    %add3A_9 = arith.constant 64 : i32
    %add3A_10 = arith.addi %mul3A_4, %add3A_9 : i32
    %multiple_of3A_11 = tpu.assume_multiple %add3A_10, 8 : i32
    %dma_start3A_12 = tpu.memref_slice %arg4[%multiple_of3A_11] : memref<163840xi32, #tpu.memory_space<hbm>> -> memref<64xi32, #tpu.memory_space<hbm>>
    %dma_start3A_13 = tpu.memref_slice %arg4[%multiple_of3A_11] : memref<163840xi32, #tpu.memory_space<hbm>> -> memref<64xi32, #tpu.memory_space<hbm>>
    tpu.enqueue_dma source(%dma_start3A_13 : memref<64xi32, #tpu.memory_space<hbm>>) target(%arg9 : memref<64xi32, #tpu.memory_space<vmem>>) target_semaphore(%arg25 : memref<!tpu.dma_semaphore, #tpu.memory_space<semaphore_mem>>)
    %add3A_14 = arith.constant 128 : i32
    %add3A_15 = arith.addi %mul3A_4, %add3A_14 : i32
    %multiple_of3A_16 = tpu.assume_multiple %add3A_15, 8 : i32
    %dma_start3A_17 = tpu.memref_slice %arg4[%multiple_of3A_16] : memref<163840xi32, #tpu.memory_space<hbm>> -> memref<64xi32, #tpu.memory_space<hbm>>
    %dma_start3A_18 = tpu.memref_slice %arg4[%multiple_of3A_16] : memref<163840xi32, #tpu.memory_space<hbm>> -> memref<64xi32, #tpu.memory_space<hbm>>
    tpu.enqueue_dma source(%dma_start3A_18 : memref<64xi32, #tpu.memory_space<hbm>>) target(%arg10 : memref<64xi32, #tpu.memory_space<vmem>>) target_semaphore(%arg26 : memref<!tpu.dma_semaphore, #tpu.memory_space<semaphore_mem>>)
    %add3A_19 = arith.constant 192 : i32
    %add3A_20 = arith.addi %mul3A_4, %add3A_19 : i32
    %multiple_of3A_21 = tpu.assume_multiple %add3A_20, 8 : i32
    %dma_start3A_22 = tpu.memref_slice %arg4[%multiple_of3A_21] : memref<163840xi32, #tpu.memory_space<hbm>> -> memref<64xi32, #tpu.memory_space<hbm>>
    %dma_start3A_23 = tpu.memref_slice %arg4[%multiple_of3A_21] : memref<163840xi32, #tpu.memory_space<hbm>> -> memref<64xi32, #tpu.memory_space<hbm>>
    tpu.enqueue_dma source(%dma_start3A_23 : memref<64xi32, #tpu.memory_space<hbm>>) target(%arg11 : memref<64xi32, #tpu.memory_space<vmem>>) target_semaphore(%arg27 : memref<!tpu.dma_semaphore, #tpu.memory_space<semaphore_mem>>)
    %add3A_24 = arith.constant 256 : i32
    %add3A_25 = arith.addi %mul3A_4, %add3A_24 : i32
    %multiple_of3A_26 = tpu.assume_multiple %add3A_25, 8 : i32
    %dma_start3A_27 = tpu.memref_slice %arg4[%multiple_of3A_26] : memref<163840xi32, #tpu.memory_space<hbm>> -> memref<64xi32, #tpu.memory_space<hbm>>
    %dma_start3A_28 = tpu.memref_slice %arg4[%multiple_of3A_26] : memref<163840xi32, #tpu.memory_space<hbm>> -> memref<64xi32, #tpu.memory_space<hbm>>
    tpu.enqueue_dma source(%dma_start3A_28 : memref<64xi32, #tpu.memory_space<hbm>>) target(%arg12 : memref<64xi32, #tpu.memory_space<vmem>>) target_semaphore(%arg28 : memref<!tpu.dma_semaphore, #tpu.memory_space<semaphore_mem>>)
    %add3A_29 = arith.constant 0 : i32
    %add3A_30 = arith.addi %mul3A_4, %add3A_29 : i32
    %multiple_of3A_31 = tpu.assume_multiple %add3A_30, 8 : i32
    %dma_start3A_32 = tpu.memref_slice %arg5[%multiple_of3A_31] : memref<163840xi32, #tpu.memory_space<hbm>> -> memref<64xi32, #tpu.memory_space<hbm>>
    %dma_start3A_33 = tpu.memref_slice %arg5[%multiple_of3A_31] : memref<163840xi32, #tpu.memory_space<hbm>> -> memref<64xi32, #tpu.memory_space<hbm>>
    tpu.enqueue_dma source(%dma_start3A_33 : memref<64xi32, #tpu.memory_space<hbm>>) target(%arg13 : memref<64xi32, #tpu.memory_space<vmem>>) target_semaphore(%arg29 : memref<!tpu.dma_semaphore, #tpu.memory_space<semaphore_mem>>)
    %add3A_34 = arith.constant 64 : i32
    %add3A_35 = arith.addi %mul3A_4, %add3A_34 : i32
    %multiple_of3A_36 = tpu.assume_multiple %add3A_35, 8 : i32
    %dma_start3A_37 = tpu.memref_slice %arg5[%multiple_of3A_36] : memref<163840xi32, #tpu.memory_space<hbm>> -> memref<64xi32, #tpu.memory_space<hbm>>
    %dma_start3A_38 = tpu.memref_slice %arg5[%multiple_of3A_36] : memref<163840xi32, #tpu.memory_space<hbm>> -> memref<64xi32, #tpu.memory_space<hbm>>
    tpu.enqueue_dma source(%dma_start3A_38 : memref<64xi32, #tpu.memory_space<hbm>>) target(%arg14 : memref<64xi32, #tpu.memory_space<vmem>>) target_semaphore(%arg30 : memref<!tpu.dma_semaphore, #tpu.memory_space<semaphore_mem>>)
    %add3A_39 = arith.constant 128 : i32
    %add3A_40 = arith.addi %mul3A_4, %add3A_39 : i32
    %multiple_of3A_41 = tpu.assume_multiple %add3A_40, 8 : i32
    %dma_start3A_42 = tpu.memref_slice %arg5[%multiple_of3A_41] : memref<163840xi32, #tpu.memory_space<hbm>> -> memref<64xi32, #tpu.memory_space<hbm>>
    %dma_start3A_43 = tpu.memref_slice %arg5[%multiple_of3A_41] : memref<163840xi32, #tpu.memory_space<hbm>> -> memref<64xi32, #tpu.memory_space<hbm>>
    tpu.enqueue_dma source(%dma_start3A_43 : memref<64xi32, #tpu.memory_space<hbm>>) target(%arg15 : memref<64xi32, #tpu.memory_space<vmem>>) target_semaphore(%arg31 : memref<!tpu.dma_semaphore, #tpu.memory_space<semaphore_mem>>)
    %add3A_44 = arith.constant 192 : i32
    %add3A_45 = arith.addi %mul3A_4, %add3A_44 : i32
    %multiple_of3A_46 = tpu.assume_multiple %add3A_45, 8 : i32
    %dma_start3A_47 = tpu.memref_slice %arg5[%multiple_of3A_46] : memref<163840xi32, #tpu.memory_space<hbm>> -> memref<64xi32, #tpu.memory_space<hbm>>
    %dma_start3A_48 = tpu.memref_slice %arg5[%multiple_of3A_46] : memref<163840xi32, #tpu.memory_space<hbm>> -> memref<64xi32, #tpu.memory_space<hbm>>
    tpu.enqueue_dma source(%dma_start3A_48 : memref<64xi32, #tpu.memory_space<hbm>>) target(%arg16 : memref<64xi32, #tpu.memory_space<vmem>>) target_semaphore(%arg32 : memref<!tpu.dma_semaphore, #tpu.memory_space<semaphore_mem>>)
    %dma_wait3A = arith.constant 0 : i32
    %dma_wait3A_49 = tpu.memref_slice %arg4[%dma_wait3A] : memref<163840xi32, #tpu.memory_space<hbm>> -> memref<64xi32, #tpu.memory_space<hbm>>
    %dma_wait3A_50 = arith.constant 0 : i32
    %dma_wait3A_51 = tpu.memref_slice %arg4[%dma_wait3A_50] : memref<163840xi32, #tpu.memory_space<hbm>> -> memref<64xi32, #tpu.memory_space<hbm>>
    tpu.wait_dma2 semaphore(%arg24 : memref<!tpu.dma_semaphore, #tpu.memory_space<semaphore_mem>>) src(%dma_wait3A_51 : memref<64xi32, #tpu.memory_space<hbm>>) dst(%arg8 : memref<64xi32, #tpu.memory_space<vmem>>)
    %dma_start3A_52 = arith.constant 0 : i32
    %dma_start3A_53 = arith.constant 0 : i32
    %dma_start3A_54 = tpu.memref_slice %arg2[%dma_start3A_52, %dma_start3A_53] : memref<10000x128xf32, #tpu.memory_space<hbm>> -> memref<10000x128xf32, #tpu.memory_space<hbm>>
    tpu.enqueue_indirect_dma source(%dma_start3A_54 : memref<10000x128xf32, #tpu.memory_space<hbm>>) target(%arg18 : memref<64x128xf32, #tpu.memory_space<vmem>>) offsets(%arg8 : memref<64xi32, #tpu.memory_space<vmem>>) semaphore(%arg34 : memref<!tpu.dma_semaphore, #tpu.memory_space<semaphore_mem>>)
    %dma_wait3A_55 = arith.constant 0 : i32
    %dma_wait3A_56 = tpu.memref_slice %arg4[%dma_wait3A_55] : memref<163840xi32, #tpu.memory_space<hbm>> -> memref<64xi32, #tpu.memory_space<hbm>>
    %dma_wait3A_57 = arith.constant 0 : i32
    %dma_wait3A_58 = tpu.memref_slice %arg4[%dma_wait3A_57] : memref<163840xi32, #tpu.memory_space<hbm>> -> memref<64xi32, #tpu.memory_space<hbm>>
    tpu.wait_dma2 semaphore(%arg25 : memref<!tpu.dma_semaphore, #tpu.memory_space<semaphore_mem>>) src(%dma_wait3A_58 : memref<64xi32, #tpu.memory_space<hbm>>) dst(%arg9 : memref<64xi32, #tpu.memory_space<vmem>>)
    %dma_start3A_59 = arith.constant 0 : i32
    %dma_start3A_60 = arith.constant 0 : i32
    %dma_start3A_61 = tpu.memref_slice %arg2[%dma_start3A_59, %dma_start3A_60] : memref<10000x128xf32, #tpu.memory_space<hbm>> -> memref<10000x128xf32, #tpu.memory_space<hbm>>
    tpu.enqueue_indirect_dma source(%dma_start3A_61 : memref<10000x128xf32, #tpu.memory_space<hbm>>) target(%arg19 : memref<64x128xf32, #tpu.memory_space<vmem>>) offsets(%arg9 : memref<64xi32, #tpu.memory_space<vmem>>) semaphore(%arg35 : memref<!tpu.dma_semaphore, #tpu.memory_space<semaphore_mem>>)
    %dma_wait3A_62 = arith.constant 0 : i32
    %dma_wait3A_63 = tpu.memref_slice %arg4[%dma_wait3A_62] : memref<163840xi32, #tpu.memory_space<hbm>> -> memref<64xi32, #tpu.memory_space<hbm>>
    %dma_wait3A_64 = arith.constant 0 : i32
    %dma_wait3A_65 = tpu.memref_slice %arg4[%dma_wait3A_64] : memref<163840xi32, #tpu.memory_space<hbm>> -> memref<64xi32, #tpu.memory_space<hbm>>
    tpu.wait_dma2 semaphore(%arg26 : memref<!tpu.dma_semaphore, #tpu.memory_space<semaphore_mem>>) src(%dma_wait3A_65 : memref<64xi32, #tpu.memory_space<hbm>>) dst(%arg10 : memref<64xi32, #tpu.memory_space<vmem>>)
    %dma_start3A_66 = arith.constant 0 : i32
    %dma_start3A_67 = arith.constant 0 : i32
    %dma_start3A_68 = tpu.memref_slice %arg2[%dma_start3A_66, %dma_start3A_67] : memref<10000x128xf32, #tpu.memory_space<hbm>> -> memref<10000x128xf32, #tpu.memory_space<hbm>>
    tpu.enqueue_indirect_dma source(%dma_start3A_68 : memref<10000x128xf32, #tpu.memory_space<hbm>>) target(%arg20 : memref<64x128xf32, #tpu.memory_space<vmem>>) offsets(%arg10 : memref<64xi32, #tpu.memory_space<vmem>>) semaphore(%arg36 : memref<!tpu.dma_semaphore, #tpu.memory_space<semaphore_mem>>)
    %dma_wait3A_69 = arith.constant 0 : i32
    %dma_wait3A_70 = tpu.memref_slice %arg4[%dma_wait3A_69] : memref<163840xi32, #tpu.memory_space<hbm>> -> memref<64xi32, #tpu.memory_space<hbm>>
    %dma_wait3A_71 = arith.constant 0 : i32
    %dma_wait3A_72 = tpu.memref_slice %arg4[%dma_wait3A_71] : memref<163840xi32, #tpu.memory_space<hbm>> -> memref<64xi32, #tpu.memory_space<hbm>>
    tpu.wait_dma2 semaphore(%arg27 : memref<!tpu.dma_semaphore, #tpu.memory_space<semaphore_mem>>) src(%dma_wait3A_72 : memref<64xi32, #tpu.memory_space<hbm>>) dst(%arg11 : memref<64xi32, #tpu.memory_space<vmem>>)
    %dma_start3A_73 = arith.constant 0 : i32
    %dma_start3A_74 = arith.constant 0 : i32
    %dma_start3A_75 = tpu.memref_slice %arg2[%dma_start3A_73, %dma_start3A_74] : memref<10000x128xf32, #tpu.memory_space<hbm>> -> memref<10000x128xf32, #tpu.memory_space<hbm>>
    tpu.enqueue_indirect_dma source(%dma_start3A_75 : memref<10000x128xf32, #tpu.memory_space<hbm>>) target(%arg21 : memref<64x128xf32, #tpu.memory_space<vmem>>) offsets(%arg11 : memref<64xi32, #tpu.memory_space<vmem>>) semaphore(%arg37 : memref<!tpu.dma_semaphore, #tpu.memory_space<semaphore_mem>>)
    %scan3A = arith.constant 0 : i32
    %scan3A_76 = arith.constant 0 : i32
    %scan3A_77 = arith.constant 16 : i32
    %scan3A_78 = arith.addi %scan3A_76, %scan3A_77 : i32
    %scan3A_79 = arith.constant 1 : i32
    scf.for %scan3A_92 = %scan3A_76 to %scan3A_78 step %scan3A_79  : i32 {
      %mul3A_93 = arith.constant 5 : i32
      %mul3A_94 = arith.muli %mul3A_93, %scan3A_92 : i32
      %add3A_95 = arith.constant 0 : i32
      %add3A_96 = arith.addi %mul3A_94, %add3A_95 : i32
      %dma_wait3A_97 = arith.constant 0 : i32
      %dma_wait3A_98 = arith.constant 0 : i32
      %dma_wait3A_99 = tpu.memref_slice %arg2[%dma_wait3A_97, %dma_wait3A_98] : memref<10000x128xf32, #tpu.memory_space<hbm>> -> memref<10000x128xf32, #tpu.memory_space<hbm>>
      tpu.wait_indirect_dma semaphore(%arg34 : memref<!tpu.dma_semaphore, #tpu.memory_space<semaphore_mem>>) src(%dma_wait3A_99 : memref<10000x128xf32, #tpu.memory_space<hbm>>) dst(%arg18 : memref<64x128xf32, #tpu.memory_space<vmem>>)
      %dma_wait3A_100 = arith.constant 0 : i32
      %dma_wait3A_101 = tpu.memref_slice %arg5[%dma_wait3A_100] : memref<163840xi32, #tpu.memory_space<hbm>> -> memref<64xi32, #tpu.memory_space<hbm>>
      %dma_wait3A_102 = arith.constant 0 : i32
      %dma_wait3A_103 = tpu.memref_slice %arg5[%dma_wait3A_102] : memref<163840xi32, #tpu.memory_space<hbm>> -> memref<64xi32, #tpu.memory_space<hbm>>
      tpu.wait_dma2 semaphore(%arg29 : memref<!tpu.dma_semaphore, #tpu.memory_space<semaphore_mem>>) src(%dma_wait3A_103 : memref<64xi32, #tpu.memory_space<hbm>>) dst(%arg13 : memref<64xi32, #tpu.memory_space<vmem>>)
      %dma_start3A_104 = arith.constant 0 : i32
      %dma_start3A_105 = arith.constant 0 : i32
      %dma_start3A_106 = tpu.memref_slice %arg23[%dma_start3A_104, %dma_start3A_105] : memref<10240x128xf32, #tpu.memory_space<vmem_shared>> -> memref<10240x128xf32, #tpu.memory_space<vmem_shared>>
      tpu.enqueue_indirect_dma source(%arg18 : memref<64x128xf32, #tpu.memory_space<vmem>>) target(%dma_start3A_106 : memref<10240x128xf32, #tpu.memory_space<vmem_shared>>) offsets(%arg13 : memref<64xi32, #tpu.memory_space<vmem>>) semaphore(%arg39 : memref<!tpu.dma_semaphore, #tpu.memory_space<semaphore_mem>>) {add = true}
      %ge3A = arith.constant 1 : i32
      %ge3A_107 = arith.cmpi sge, %add3A_96, %ge3A : i32
      %convert_element_type3A_108 = arith.extui %ge3A_107 : i1 to i32
      %cond3A_109 = arith.constant 0 : i32
      %cond3A_110 = arith.cmpi ne, %convert_element_type3A_108, %cond3A_109 : i32
      scf.if %cond3A_110 {
        %dma_wait3A_265 = arith.constant 0 : i32
        %dma_wait3A_266 = arith.constant 0 : i32
        %dma_wait3A_267 = tpu.memref_slice %arg23[%dma_wait3A_265, %dma_wait3A_266] : memref<10240x128xf32, #tpu.memory_space<vmem_shared>> -> memref<10240x128xf32, #tpu.memory_space<vmem_shared>>
        tpu.wait_indirect_dma semaphore(%arg43 : memref<!tpu.dma_semaphore, #tpu.memory_space<semaphore_mem>>) src(%arg22 : memref<64x128xf32, #tpu.memory_space<vmem>>) dst(%dma_wait3A_267 : memref<10240x128xf32, #tpu.memory_space<vmem_shared>>)
      } else {
      }
      %add3A_111 = arith.constant 5 : i32
      %add3A_112 = arith.addi %add3A_96, %add3A_111 : i32
      %sub3A = arith.constant 1 : i32
      %sub3A_113 = arith.subi %add3A_112, %sub3A : i32
      %lt3A = arith.constant 80 : i32
      %lt3A_114 = arith.cmpi slt, %sub3A_113, %lt3A : i32
      %convert_element_type3A_115 = arith.extui %lt3A_114 : i1 to i32
      %cond3A_116 = arith.constant 0 : i32
      %cond3A_117 = arith.cmpi ne, %convert_element_type3A_115, %cond3A_116 : i32
      scf.if %cond3A_117 {
        %dma_wait3A_265 = arith.constant 0 : i32
        %dma_wait3A_266 = tpu.memref_slice %arg4[%dma_wait3A_265] : memref<163840xi32, #tpu.memory_space<hbm>> -> memref<64xi32, #tpu.memory_space<hbm>>
        %dma_wait3A_267 = arith.constant 0 : i32
        %dma_wait3A_268 = tpu.memref_slice %arg4[%dma_wait3A_267] : memref<163840xi32, #tpu.memory_space<hbm>> -> memref<64xi32, #tpu.memory_space<hbm>>
        tpu.wait_dma2 semaphore(%arg28 : memref<!tpu.dma_semaphore, #tpu.memory_space<semaphore_mem>>) src(%dma_wait3A_268 : memref<64xi32, #tpu.memory_space<hbm>>) dst(%arg12 : memref<64xi32, #tpu.memory_space<vmem>>)
        %dma_start3A_269 = arith.constant 0 : i32
        %dma_start3A_270 = arith.constant 0 : i32
        %dma_start3A_271 = tpu.memref_slice %arg2[%dma_start3A_269, %dma_start3A_270] : memref<10000x128xf32, #tpu.memory_space<hbm>> -> memref<10000x128xf32, #tpu.memory_space<hbm>>
        tpu.enqueue_indirect_dma source(%dma_start3A_271 : memref<10000x128xf32, #tpu.memory_space<hbm>>) target(%arg22 : memref<64x128xf32, #tpu.memory_space<vmem>>) offsets(%arg12 : memref<64xi32, #tpu.memory_space<vmem>>) semaphore(%arg38 : memref<!tpu.dma_semaphore, #tpu.memory_space<semaphore_mem>>)
        %add3A_272 = arith.constant 5 : i32
        %add3A_273 = arith.addi %add3A_96, %add3A_272 : i32
        %sub3A_274 = arith.constant 1 : i32
        %sub3A_275 = arith.subi %add3A_273, %sub3A_274 : i32
        %mul3A_276 = arith.constant 64 : i32
        %mul3A_277 = arith.muli %sub3A_275, %mul3A_276 : i32
        %add3A_278 = arith.addi %mul3A_4, %mul3A_277 : i32
        %multiple_of3A_279 = tpu.assume_multiple %add3A_278, 8 : i32
        %dma_start3A_280 = tpu.memref_slice %arg5[%multiple_of3A_279] : memref<163840xi32, #tpu.memory_space<hbm>> -> memref<64xi32, #tpu.memory_space<hbm>>
        %dma_start3A_281 = tpu.memref_slice %arg5[%multiple_of3A_279] : memref<163840xi32, #tpu.memory_space<hbm>> -> memref<64xi32, #tpu.memory_space<hbm>>
        tpu.enqueue_dma source(%dma_start3A_281 : memref<64xi32, #tpu.memory_space<hbm>>) target(%arg17 : memref<64xi32, #tpu.memory_space<vmem>>) target_semaphore(%arg33 : memref<!tpu.dma_semaphore, #tpu.memory_space<semaphore_mem>>)
      } else {
      }
      %add3A_118 = arith.constant 5 : i32
      %add3A_119 = arith.addi %add3A_96, %add3A_118 : i32
      %lt3A_120 = arith.constant 80 : i32
      %lt3A_121 = arith.cmpi slt, %add3A_119, %lt3A_120 : i32
      %convert_element_type3A_122 = arith.extui %lt3A_121 : i1 to i32
      %cond3A_123 = arith.constant 0 : i32
      %cond3A_124 = arith.cmpi ne, %convert_element_type3A_122, %cond3A_123 : i32
      scf.if %cond3A_124 {
        %add3A_265 = arith.constant 5 : i32
        %add3A_266 = arith.addi %add3A_96, %add3A_265 : i32
        %mul3A_267 = arith.constant 64 : i32
        %mul3A_268 = arith.muli %add3A_266, %mul3A_267 : i32
        %add3A_269 = arith.addi %mul3A_4, %mul3A_268 : i32
        %multiple_of3A_270 = tpu.assume_multiple %add3A_269, 8 : i32
        %dma_start3A_271 = tpu.memref_slice %arg4[%multiple_of3A_270] : memref<163840xi32, #tpu.memory_space<hbm>> -> memref<64xi32, #tpu.memory_space<hbm>>
        %dma_start3A_272 = tpu.memref_slice %arg4[%multiple_of3A_270] : memref<163840xi32, #tpu.memory_space<hbm>> -> memref<64xi32, #tpu.memory_space<hbm>>
        tpu.enqueue_dma source(%dma_start3A_272 : memref<64xi32, #tpu.memory_space<hbm>>) target(%arg8 : memref<64xi32, #tpu.memory_space<vmem>>) target_semaphore(%arg24 : memref<!tpu.dma_semaphore, #tpu.memory_space<semaphore_mem>>)
      } else {
      }
      %mul3A_125 = arith.constant 5 : i32
      %mul3A_126 = arith.muli %mul3A_125, %scan3A_92 : i32
      %add3A_127 = arith.constant 1 : i32
      %add3A_128 = arith.addi %mul3A_126, %add3A_127 : i32
      %dma_wait3A_129 = arith.constant 0 : i32
      %dma_wait3A_130 = arith.constant 0 : i32
      %dma_wait3A_131 = tpu.memref_slice %arg2[%dma_wait3A_129, %dma_wait3A_130] : memref<10000x128xf32, #tpu.memory_space<hbm>> -> memref<10000x128xf32, #tpu.memory_space<hbm>>
      tpu.wait_indirect_dma semaphore(%arg35 : memref<!tpu.dma_semaphore, #tpu.memory_space<semaphore_mem>>) src(%dma_wait3A_131 : memref<10000x128xf32, #tpu.memory_space<hbm>>) dst(%arg19 : memref<64x128xf32, #tpu.memory_space<vmem>>)
      %dma_wait3A_132 = arith.constant 0 : i32
      %dma_wait3A_133 = tpu.memref_slice %arg5[%dma_wait3A_132] : memref<163840xi32, #tpu.memory_space<hbm>> -> memref<64xi32, #tpu.memory_space<hbm>>
      %dma_wait3A_134 = arith.constant 0 : i32
      %dma_wait3A_135 = tpu.memref_slice %arg5[%dma_wait3A_134] : memref<163840xi32, #tpu.memory_space<hbm>> -> memref<64xi32, #tpu.memory_space<hbm>>
      tpu.wait_dma2 semaphore(%arg30 : memref<!tpu.dma_semaphore, #tpu.memory_space<semaphore_mem>>) src(%dma_wait3A_135 : memref<64xi32, #tpu.memory_space<hbm>>) dst(%arg14 : memref<64xi32, #tpu.memory_space<vmem>>)
      %dma_start3A_136 = arith.constant 0 : i32
      %dma_start3A_137 = arith.constant 0 : i32
      %dma_start3A_138 = tpu.memref_slice %arg23[%dma_start3A_136, %dma_start3A_137] : memref<10240x128xf32, #tpu.memory_space<vmem_shared>> -> memref<10240x128xf32, #tpu.memory_space<vmem_shared>>
      tpu.enqueue_indirect_dma source(%arg19 : memref<64x128xf32, #tpu.memory_space<vmem>>) target(%dma_start3A_138 : memref<10240x128xf32, #tpu.memory_space<vmem_shared>>) offsets(%arg14 : memref<64xi32, #tpu.memory_space<vmem>>) semaphore(%arg40 : memref<!tpu.dma_semaphore, #tpu.memory_space<semaphore_mem>>) {add = true}
      %ge3A_139 = arith.constant 1 : i32
      %ge3A_140 = arith.cmpi sge, %add3A_128, %ge3A_139 : i32
      %convert_element_type3A_141 = arith.extui %ge3A_140 : i1 to i32
      %cond3A_142 = arith.constant 0 : i32
      %cond3A_143 = arith.cmpi ne, %convert_element_type3A_141, %cond3A_142 : i32
      scf.if %cond3A_143 {
        %dma_wait3A_265 = arith.constant 0 : i32
        %dma_wait3A_266 = arith.constant 0 : i32
        %dma_wait3A_267 = tpu.memref_slice %arg23[%dma_wait3A_265, %dma_wait3A_266] : memref<10240x128xf32, #tpu.memory_space<vmem_shared>> -> memref<10240x128xf32, #tpu.memory_space<vmem_shared>>
        tpu.wait_indirect_dma semaphore(%arg39 : memref<!tpu.dma_semaphore, #tpu.memory_space<semaphore_mem>>) src(%arg18 : memref<64x128xf32, #tpu.memory_space<vmem>>) dst(%dma_wait3A_267 : memref<10240x128xf32, #tpu.memory_space<vmem_shared>>)
      } else {
      }
      %add3A_144 = arith.constant 5 : i32
      %add3A_145 = arith.addi %add3A_128, %add3A_144 : i32
      %sub3A_146 = arith.constant 1 : i32
      %sub3A_147 = arith.subi %add3A_145, %sub3A_146 : i32
      %lt3A_148 = arith.constant 80 : i32
      %lt3A_149 = arith.cmpi slt, %sub3A_147, %lt3A_148 : i32
      %convert_element_type3A_150 = arith.extui %lt3A_149 : i1 to i32
      %cond3A_151 = arith.constant 0 : i32
      %cond3A_152 = arith.cmpi ne, %convert_element_type3A_150, %cond3A_151 : i32
      scf.if %cond3A_152 {
        %dma_wait3A_265 = arith.constant 0 : i32
        %dma_wait3A_266 = tpu.memref_slice %arg4[%dma_wait3A_265] : memref<163840xi32, #tpu.memory_space<hbm>> -> memref<64xi32, #tpu.memory_space<hbm>>
        %dma_wait3A_267 = arith.constant 0 : i32
        %dma_wait3A_268 = tpu.memref_slice %arg4[%dma_wait3A_267] : memref<163840xi32, #tpu.memory_space<hbm>> -> memref<64xi32, #tpu.memory_space<hbm>>
        tpu.wait_dma2 semaphore(%arg24 : memref<!tpu.dma_semaphore, #tpu.memory_space<semaphore_mem>>) src(%dma_wait3A_268 : memref<64xi32, #tpu.memory_space<hbm>>) dst(%arg8 : memref<64xi32, #tpu.memory_space<vmem>>)
        %dma_start3A_269 = arith.constant 0 : i32
        %dma_start3A_270 = arith.constant 0 : i32
        %dma_start3A_271 = tpu.memref_slice %arg2[%dma_start3A_269, %dma_start3A_270] : memref<10000x128xf32, #tpu.memory_space<hbm>> -> memref<10000x128xf32, #tpu.memory_space<hbm>>
        tpu.enqueue_indirect_dma source(%dma_start3A_271 : memref<10000x128xf32, #tpu.memory_space<hbm>>) target(%arg18 : memref<64x128xf32, #tpu.memory_space<vmem>>) offsets(%arg8 : memref<64xi32, #tpu.memory_space<vmem>>) semaphore(%arg34 : memref<!tpu.dma_semaphore, #tpu.memory_space<semaphore_mem>>)
        %add3A_272 = arith.constant 5 : i32
        %add3A_273 = arith.addi %add3A_128, %add3A_272 : i32
        %sub3A_274 = arith.constant 1 : i32
        %sub3A_275 = arith.subi %add3A_273, %sub3A_274 : i32
        %mul3A_276 = arith.constant 64 : i32
        %mul3A_277 = arith.muli %sub3A_275, %mul3A_276 : i32
        %add3A_278 = arith.addi %mul3A_4, %mul3A_277 : i32
        %multiple_of3A_279 = tpu.assume_multiple %add3A_278, 8 : i32
        %dma_start3A_280 = tpu.memref_slice %arg5[%multiple_of3A_279] : memref<163840xi32, #tpu.memory_space<hbm>> -> memref<64xi32, #tpu.memory_space<hbm>>
        %dma_start3A_281 = tpu.memref_slice %arg5[%multiple_of3A_279] : memref<163840xi32, #tpu.memory_space<hbm>> -> memref<64xi32, #tpu.memory_space<hbm>>
        tpu.enqueue_dma source(%dma_start3A_281 : memref<64xi32, #tpu.memory_space<hbm>>) target(%arg13 : memref<64xi32, #tpu.memory_space<vmem>>) target_semaphore(%arg29 : memref<!tpu.dma_semaphore, #tpu.memory_space<semaphore_mem>>)
      } else {
      }
      %add3A_153 = arith.constant 5 : i32
      %add3A_154 = arith.addi %add3A_128, %add3A_153 : i32
      %lt3A_155 = arith.constant 80 : i32
      %lt3A_156 = arith.cmpi slt, %add3A_154, %lt3A_155 : i32
      %convert_element_type3A_157 = arith.extui %lt3A_156 : i1 to i32
      %cond3A_158 = arith.constant 0 : i32
      %cond3A_159 = arith.cmpi ne, %convert_element_type3A_157, %cond3A_158 : i32
      scf.if %cond3A_159 {
        %add3A_265 = arith.constant 5 : i32
        %add3A_266 = arith.addi %add3A_128, %add3A_265 : i32
        %mul3A_267 = arith.constant 64 : i32
        %mul3A_268 = arith.muli %add3A_266, %mul3A_267 : i32
        %add3A_269 = arith.addi %mul3A_4, %mul3A_268 : i32
        %multiple_of3A_270 = tpu.assume_multiple %add3A_269, 8 : i32
        %dma_start3A_271 = tpu.memref_slice %arg4[%multiple_of3A_270] : memref<163840xi32, #tpu.memory_space<hbm>> -> memref<64xi32, #tpu.memory_space<hbm>>
        %dma_start3A_272 = tpu.memref_slice %arg4[%multiple_of3A_270] : memref<163840xi32, #tpu.memory_space<hbm>> -> memref<64xi32, #tpu.memory_space<hbm>>
        tpu.enqueue_dma source(%dma_start3A_272 : memref<64xi32, #tpu.memory_space<hbm>>) target(%arg9 : memref<64xi32, #tpu.memory_space<vmem>>) target_semaphore(%arg25 : memref<!tpu.dma_semaphore, #tpu.memory_space<semaphore_mem>>)
      } else {
      }
      %mul3A_160 = arith.constant 5 : i32
      %mul3A_161 = arith.muli %mul3A_160, %scan3A_92 : i32
      %add3A_162 = arith.constant 2 : i32
      %add3A_163 = arith.addi %mul3A_161, %add3A_162 : i32
      %dma_wait3A_164 = arith.constant 0 : i32
      %dma_wait3A_165 = arith.constant 0 : i32
      %dma_wait3A_166 = tpu.memref_slice %arg2[%dma_wait3A_164, %dma_wait3A_165] : memref<10000x128xf32, #tpu.memory_space<hbm>> -> memref<10000x128xf32, #tpu.memory_space<hbm>>
      tpu.wait_indirect_dma semaphore(%arg36 : memref<!tpu.dma_semaphore, #tpu.memory_space<semaphore_mem>>) src(%dma_wait3A_166 : memref<10000x128xf32, #tpu.memory_space<hbm>>) dst(%arg20 : memref<64x128xf32, #tpu.memory_space<vmem>>)
      %dma_wait3A_167 = arith.constant 0 : i32
      %dma_wait3A_168 = tpu.memref_slice %arg5[%dma_wait3A_167] : memref<163840xi32, #tpu.memory_space<hbm>> -> memref<64xi32, #tpu.memory_space<hbm>>
      %dma_wait3A_169 = arith.constant 0 : i32
      %dma_wait3A_170 = tpu.memref_slice %arg5[%dma_wait3A_169] : memref<163840xi32, #tpu.memory_space<hbm>> -> memref<64xi32, #tpu.memory_space<hbm>>
      tpu.wait_dma2 semaphore(%arg31 : memref<!tpu.dma_semaphore, #tpu.memory_space<semaphore_mem>>) src(%dma_wait3A_170 : memref<64xi32, #tpu.memory_space<hbm>>) dst(%arg15 : memref<64xi32, #tpu.memory_space<vmem>>)
      %dma_start3A_171 = arith.constant 0 : i32
      %dma_start3A_172 = arith.constant 0 : i32
      %dma_start3A_173 = tpu.memref_slice %arg23[%dma_start3A_171, %dma_start3A_172] : memref<10240x128xf32, #tpu.memory_space<vmem_shared>> -> memref<10240x128xf32, #tpu.memory_space<vmem_shared>>
      tpu.enqueue_indirect_dma source(%arg20 : memref<64x128xf32, #tpu.memory_space<vmem>>) target(%dma_start3A_173 : memref<10240x128xf32, #tpu.memory_space<vmem_shared>>) offsets(%arg15 : memref<64xi32, #tpu.memory_space<vmem>>) semaphore(%arg41 : memref<!tpu.dma_semaphore, #tpu.memory_space<semaphore_mem>>) {add = true}
      %ge3A_174 = arith.constant 1 : i32
      %ge3A_175 = arith.cmpi sge, %add3A_163, %ge3A_174 : i32
      %convert_element_type3A_176 = arith.extui %ge3A_175 : i1 to i32
      %cond3A_177 = arith.constant 0 : i32
      %cond3A_178 = arith.cmpi ne, %convert_element_type3A_176, %cond3A_177 : i32
      scf.if %cond3A_178 {
        %dma_wait3A_265 = arith.constant 0 : i32
        %dma_wait3A_266 = arith.constant 0 : i32
        %dma_wait3A_267 = tpu.memref_slice %arg23[%dma_wait3A_265, %dma_wait3A_266] : memref<10240x128xf32, #tpu.memory_space<vmem_shared>> -> memref<10240x128xf32, #tpu.memory_space<vmem_shared>>
        tpu.wait_indirect_dma semaphore(%arg40 : memref<!tpu.dma_semaphore, #tpu.memory_space<semaphore_mem>>) src(%arg19 : memref<64x128xf32, #tpu.memory_space<vmem>>) dst(%dma_wait3A_267 : memref<10240x128xf32, #tpu.memory_space<vmem_shared>>)
      } else {
      }
      %add3A_179 = arith.constant 5 : i32
      %add3A_180 = arith.addi %add3A_163, %add3A_179 : i32
      %sub3A_181 = arith.constant 1 : i32
      %sub3A_182 = arith.subi %add3A_180, %sub3A_181 : i32
      %lt3A_183 = arith.constant 80 : i32
      %lt3A_184 = arith.cmpi slt, %sub3A_182, %lt3A_183 : i32
      %convert_element_type3A_185 = arith.extui %lt3A_184 : i1 to i32
      %cond3A_186 = arith.constant 0 : i32
      %cond3A_187 = arith.cmpi ne, %convert_element_type3A_185, %cond3A_186 : i32
      scf.if %cond3A_187 {
        %dma_wait3A_265 = arith.constant 0 : i32
        %dma_wait3A_266 = tpu.memref_slice %arg4[%dma_wait3A_265] : memref<163840xi32, #tpu.memory_space<hbm>> -> memref<64xi32, #tpu.memory_space<hbm>>
        %dma_wait3A_267 = arith.constant 0 : i32
        %dma_wait3A_268 = tpu.memref_slice %arg4[%dma_wait3A_267] : memref<163840xi32, #tpu.memory_space<hbm>> -> memref<64xi32, #tpu.memory_space<hbm>>
        tpu.wait_dma2 semaphore(%arg25 : memref<!tpu.dma_semaphore, #tpu.memory_space<semaphore_mem>>) src(%dma_wait3A_268 : memref<64xi32, #tpu.memory_space<hbm>>) dst(%arg9 : memref<64xi32, #tpu.memory_space<vmem>>)
        %dma_start3A_269 = arith.constant 0 : i32
        %dma_start3A_270 = arith.constant 0 : i32
        %dma_start3A_271 = tpu.memref_slice %arg2[%dma_start3A_269, %dma_start3A_270] : memref<10000x128xf32, #tpu.memory_space<hbm>> -> memref<10000x128xf32, #tpu.memory_space<hbm>>
        tpu.enqueue_indirect_dma source(%dma_start3A_271 : memref<10000x128xf32, #tpu.memory_space<hbm>>) target(%arg19 : memref<64x128xf32, #tpu.memory_space<vmem>>) offsets(%arg9 : memref<64xi32, #tpu.memory_space<vmem>>) semaphore(%arg35 : memref<!tpu.dma_semaphore, #tpu.memory_space<semaphore_mem>>)
        %add3A_272 = arith.constant 5 : i32
        %add3A_273 = arith.addi %add3A_163, %add3A_272 : i32
        %sub3A_274 = arith.constant 1 : i32
        %sub3A_275 = arith.subi %add3A_273, %sub3A_274 : i32
        %mul3A_276 = arith.constant 64 : i32
        %mul3A_277 = arith.muli %sub3A_275, %mul3A_276 : i32
        %add3A_278 = arith.addi %mul3A_4, %mul3A_277 : i32
        %multiple_of3A_279 = tpu.assume_multiple %add3A_278, 8 : i32
        %dma_start3A_280 = tpu.memref_slice %arg5[%multiple_of3A_279] : memref<163840xi32, #tpu.memory_space<hbm>> -> memref<64xi32, #tpu.memory_space<hbm>>
        %dma_start3A_281 = tpu.memref_slice %arg5[%multiple_of3A_279] : memref<163840xi32, #tpu.memory_space<hbm>> -> memref<64xi32, #tpu.memory_space<hbm>>
        tpu.enqueue_dma source(%dma_start3A_281 : memref<64xi32, #tpu.memory_space<hbm>>) target(%arg14 : memref<64xi32, #tpu.memory_space<vmem>>) target_semaphore(%arg30 : memref<!tpu.dma_semaphore, #tpu.memory_space<semaphore_mem>>)
      } else {
      }
      %add3A_188 = arith.constant 5 : i32
      %add3A_189 = arith.addi %add3A_163, %add3A_188 : i32
      %lt3A_190 = arith.constant 80 : i32
      %lt3A_191 = arith.cmpi slt, %add3A_189, %lt3A_190 : i32
      %convert_element_type3A_192 = arith.extui %lt3A_191 : i1 to i32
      %cond3A_193 = arith.constant 0 : i32
      %cond3A_194 = arith.cmpi ne, %convert_element_type3A_192, %cond3A_193 : i32
      scf.if %cond3A_194 {
        %add3A_265 = arith.constant 5 : i32
        %add3A_266 = arith.addi %add3A_163, %add3A_265 : i32
        %mul3A_267 = arith.constant 64 : i32
        %mul3A_268 = arith.muli %add3A_266, %mul3A_267 : i32
        %add3A_269 = arith.addi %mul3A_4, %mul3A_268 : i32
        %multiple_of3A_270 = tpu.assume_multiple %add3A_269, 8 : i32
        %dma_start3A_271 = tpu.memref_slice %arg4[%multiple_of3A_270] : memref<163840xi32, #tpu.memory_space<hbm>> -> memref<64xi32, #tpu.memory_space<hbm>>
        %dma_start3A_272 = tpu.memref_slice %arg4[%multiple_of3A_270] : memref<163840xi32, #tpu.memory_space<hbm>> -> memref<64xi32, #tpu.memory_space<hbm>>
        tpu.enqueue_dma source(%dma_start3A_272 : memref<64xi32, #tpu.memory_space<hbm>>) target(%arg10 : memref<64xi32, #tpu.memory_space<vmem>>) target_semaphore(%arg26 : memref<!tpu.dma_semaphore, #tpu.memory_space<semaphore_mem>>)
      } else {
      }
      %mul3A_195 = arith.constant 5 : i32
      %mul3A_196 = arith.muli %mul3A_195, %scan3A_92 : i32
      %add3A_197 = arith.constant 3 : i32
      %add3A_198 = arith.addi %mul3A_196, %add3A_197 : i32
      %dma_wait3A_199 = arith.constant 0 : i32
      %dma_wait3A_200 = arith.constant 0 : i32
      %dma_wait3A_201 = tpu.memref_slice %arg2[%dma_wait3A_199, %dma_wait3A_200] : memref<10000x128xf32, #tpu.memory_space<hbm>> -> memref<10000x128xf32, #tpu.memory_space<hbm>>
      tpu.wait_indirect_dma semaphore(%arg37 : memref<!tpu.dma_semaphore, #tpu.memory_space<semaphore_mem>>) src(%dma_wait3A_201 : memref<10000x128xf32, #tpu.memory_space<hbm>>) dst(%arg21 : memref<64x128xf32, #tpu.memory_space<vmem>>)
      %dma_wait3A_202 = arith.constant 0 : i32
      %dma_wait3A_203 = tpu.memref_slice %arg5[%dma_wait3A_202] : memref<163840xi32, #tpu.memory_space<hbm>> -> memref<64xi32, #tpu.memory_space<hbm>>
      %dma_wait3A_204 = arith.constant 0 : i32
      %dma_wait3A_205 = tpu.memref_slice %arg5[%dma_wait3A_204] : memref<163840xi32, #tpu.memory_space<hbm>> -> memref<64xi32, #tpu.memory_space<hbm>>
      tpu.wait_dma2 semaphore(%arg32 : memref<!tpu.dma_semaphore, #tpu.memory_space<semaphore_mem>>) src(%dma_wait3A_205 : memref<64xi32, #tpu.memory_space<hbm>>) dst(%arg16 : memref<64xi32, #tpu.memory_space<vmem>>)
      %dma_start3A_206 = arith.constant 0 : i32
      %dma_start3A_207 = arith.constant 0 : i32
      %dma_start3A_208 = tpu.memref_slice %arg23[%dma_start3A_206, %dma_start3A_207] : memref<10240x128xf32, #tpu.memory_space<vmem_shared>> -> memref<10240x128xf32, #tpu.memory_space<vmem_shared>>
      tpu.enqueue_indirect_dma source(%arg21 : memref<64x128xf32, #tpu.memory_space<vmem>>) target(%dma_start3A_208 : memref<10240x128xf32, #tpu.memory_space<vmem_shared>>) offsets(%arg16 : memref<64xi32, #tpu.memory_space<vmem>>) semaphore(%arg42 : memref<!tpu.dma_semaphore, #tpu.memory_space<semaphore_mem>>) {add = true}
      %ge3A_209 = arith.constant 1 : i32
      %ge3A_210 = arith.cmpi sge, %add3A_198, %ge3A_209 : i32
      %convert_element_type3A_211 = arith.extui %ge3A_210 : i1 to i32
      %cond3A_212 = arith.constant 0 : i32
      %cond3A_213 = arith.cmpi ne, %convert_element_type3A_211, %cond3A_212 : i32
      scf.if %cond3A_213 {
        %dma_wait3A_265 = arith.constant 0 : i32
        %dma_wait3A_266 = arith.constant 0 : i32
        %dma_wait3A_267 = tpu.memref_slice %arg23[%dma_wait3A_265, %dma_wait3A_266] : memref<10240x128xf32, #tpu.memory_space<vmem_shared>> -> memref<10240x128xf32, #tpu.memory_space<vmem_shared>>
        tpu.wait_indirect_dma semaphore(%arg41 : memref<!tpu.dma_semaphore, #tpu.memory_space<semaphore_mem>>) src(%arg20 : memref<64x128xf32, #tpu.memory_space<vmem>>) dst(%dma_wait3A_267 : memref<10240x128xf32, #tpu.memory_space<vmem_shared>>)
      } else {
      }
      %add3A_214 = arith.constant 5 : i32
      %add3A_215 = arith.addi %add3A_198, %add3A_214 : i32
      %sub3A_216 = arith.constant 1 : i32
      %sub3A_217 = arith.subi %add3A_215, %sub3A_216 : i32
      %lt3A_218 = arith.constant 80 : i32
      %lt3A_219 = arith.cmpi slt, %sub3A_217, %lt3A_218 : i32
      %convert_element_type3A_220 = arith.extui %lt3A_219 : i1 to i32
      %cond3A_221 = arith.constant 0 : i32
      %cond3A_222 = arith.cmpi ne, %convert_element_type3A_220, %cond3A_221 : i32
      scf.if %cond3A_222 {
        %dma_wait3A_265 = arith.constant 0 : i32
        %dma_wait3A_266 = tpu.memref_slice %arg4[%dma_wait3A_265] : memref<163840xi32, #tpu.memory_space<hbm>> -> memref<64xi32, #tpu.memory_space<hbm>>
        %dma_wait3A_267 = arith.constant 0 : i32
        %dma_wait3A_268 = tpu.memref_slice %arg4[%dma_wait3A_267] : memref<163840xi32, #tpu.memory_space<hbm>> -> memref<64xi32, #tpu.memory_space<hbm>>
        tpu.wait_dma2 semaphore(%arg26 : memref<!tpu.dma_semaphore, #tpu.memory_space<semaphore_mem>>) src(%dma_wait3A_268 : memref<64xi32, #tpu.memory_space<hbm>>) dst(%arg10 : memref<64xi32, #tpu.memory_space<vmem>>)
        %dma_start3A_269 = arith.constant 0 : i32
        %dma_start3A_270 = arith.constant 0 : i32
        %dma_start3A_271 = tpu.memref_slice %arg2[%dma_start3A_269, %dma_start3A_270] : memref<10000x128xf32, #tpu.memory_space<hbm>> -> memref<10000x128xf32, #tpu.memory_space<hbm>>
        tpu.enqueue_indirect_dma source(%dma_start3A_271 : memref<10000x128xf32, #tpu.memory_space<hbm>>) target(%arg20 : memref<64x128xf32, #tpu.memory_space<vmem>>) offsets(%arg10 : memref<64xi32, #tpu.memory_space<vmem>>) semaphore(%arg36 : memref<!tpu.dma_semaphore, #tpu.memory_space<semaphore_mem>>)
        %add3A_272 = arith.constant 5 : i32
        %add3A_273 = arith.addi %add3A_198, %add3A_272 : i32
        %sub3A_274 = arith.constant 1 : i32
        %sub3A_275 = arith.subi %add3A_273, %sub3A_274 : i32
        %mul3A_276 = arith.constant 64 : i32
        %mul3A_277 = arith.muli %sub3A_275, %mul3A_276 : i32
        %add3A_278 = arith.addi %mul3A_4, %mul3A_277 : i32
        %multiple_of3A_279 = tpu.assume_multiple %add3A_278, 8 : i32
        %dma_start3A_280 = tpu.memref_slice %arg5[%multiple_of3A_279] : memref<163840xi32, #tpu.memory_space<hbm>> -> memref<64xi32, #tpu.memory_space<hbm>>
        %dma_start3A_281 = tpu.memref_slice %arg5[%multiple_of3A_279] : memref<163840xi32, #tpu.memory_space<hbm>> -> memref<64xi32, #tpu.memory_space<hbm>>
        tpu.enqueue_dma source(%dma_start3A_281 : memref<64xi32, #tpu.memory_space<hbm>>) target(%arg15 : memref<64xi32, #tpu.memory_space<vmem>>) target_semaphore(%arg31 : memref<!tpu.dma_semaphore, #tpu.memory_space<semaphore_mem>>)
      } else {
      }
      %add3A_223 = arith.constant 5 : i32
      %add3A_224 = arith.addi %add3A_198, %add3A_223 : i32
      %lt3A_225 = arith.constant 80 : i32
      %lt3A_226 = arith.cmpi slt, %add3A_224, %lt3A_225 : i32
      %convert_element_type3A_227 = arith.extui %lt3A_226 : i1 to i32
      %cond3A_228 = arith.constant 0 : i32
      %cond3A_229 = arith.cmpi ne, %convert_element_type3A_227, %cond3A_228 : i32
      scf.if %cond3A_229 {
        %add3A_265 = arith.constant 5 : i32
        %add3A_266 = arith.addi %add3A_198, %add3A_265 : i32
        %mul3A_267 = arith.constant 64 : i32
        %mul3A_268 = arith.muli %add3A_266, %mul3A_267 : i32
        %add3A_269 = arith.addi %mul3A_4, %mul3A_268 : i32
        %multiple_of3A_270 = tpu.assume_multiple %add3A_269, 8 : i32
        %dma_start3A_271 = tpu.memref_slice %arg4[%multiple_of3A_270] : memref<163840xi32, #tpu.memory_space<hbm>> -> memref<64xi32, #tpu.memory_space<hbm>>
        %dma_start3A_272 = tpu.memref_slice %arg4[%multiple_of3A_270] : memref<163840xi32, #tpu.memory_space<hbm>> -> memref<64xi32, #tpu.memory_space<hbm>>
        tpu.enqueue_dma source(%dma_start3A_272 : memref<64xi32, #tpu.memory_space<hbm>>) target(%arg11 : memref<64xi32, #tpu.memory_space<vmem>>) target_semaphore(%arg27 : memref<!tpu.dma_semaphore, #tpu.memory_space<semaphore_mem>>)
      } else {
      }
      %mul3A_230 = arith.constant 5 : i32
      %mul3A_231 = arith.muli %mul3A_230, %scan3A_92 : i32
      %add3A_232 = arith.constant 4 : i32
      %add3A_233 = arith.addi %mul3A_231, %add3A_232 : i32
      %dma_wait3A_234 = arith.constant 0 : i32
      %dma_wait3A_235 = arith.constant 0 : i32
      %dma_wait3A_236 = tpu.memref_slice %arg2[%dma_wait3A_234, %dma_wait3A_235] : memref<10000x128xf32, #tpu.memory_space<hbm>> -> memref<10000x128xf32, #tpu.memory_space<hbm>>
      tpu.wait_indirect_dma semaphore(%arg38 : memref<!tpu.dma_semaphore, #tpu.memory_space<semaphore_mem>>) src(%dma_wait3A_236 : memref<10000x128xf32, #tpu.memory_space<hbm>>) dst(%arg22 : memref<64x128xf32, #tpu.memory_space<vmem>>)
      %dma_wait3A_237 = arith.constant 0 : i32
      %dma_wait3A_238 = tpu.memref_slice %arg5[%dma_wait3A_237] : memref<163840xi32, #tpu.memory_space<hbm>> -> memref<64xi32, #tpu.memory_space<hbm>>
      %dma_wait3A_239 = arith.constant 0 : i32
      %dma_wait3A_240 = tpu.memref_slice %arg5[%dma_wait3A_239] : memref<163840xi32, #tpu.memory_space<hbm>> -> memref<64xi32, #tpu.memory_space<hbm>>
      tpu.wait_dma2 semaphore(%arg33 : memref<!tpu.dma_semaphore, #tpu.memory_space<semaphore_mem>>) src(%dma_wait3A_240 : memref<64xi32, #tpu.memory_space<hbm>>) dst(%arg17 : memref<64xi32, #tpu.memory_space<vmem>>)
      %dma_start3A_241 = arith.constant 0 : i32
      %dma_start3A_242 = arith.constant 0 : i32
      %dma_start3A_243 = tpu.memref_slice %arg23[%dma_start3A_241, %dma_start3A_242] : memref<10240x128xf32, #tpu.memory_space<vmem_shared>> -> memref<10240x128xf32, #tpu.memory_space<vmem_shared>>
      tpu.enqueue_indirect_dma source(%arg22 : memref<64x128xf32, #tpu.memory_space<vmem>>) target(%dma_start3A_243 : memref<10240x128xf32, #tpu.memory_space<vmem_shared>>) offsets(%arg17 : memref<64xi32, #tpu.memory_space<vmem>>) semaphore(%arg43 : memref<!tpu.dma_semaphore, #tpu.memory_space<semaphore_mem>>) {add = true}
      %ge3A_244 = arith.constant 1 : i32
      %ge3A_245 = arith.cmpi sge, %add3A_233, %ge3A_244 : i32
      %convert_element_type3A_246 = arith.extui %ge3A_245 : i1 to i32
      %cond3A_247 = arith.constant 0 : i32
      %cond3A_248 = arith.cmpi ne, %convert_element_type3A_246, %cond3A_247 : i32
      scf.if %cond3A_248 {
        %dma_wait3A_265 = arith.constant 0 : i32
        %dma_wait3A_266 = arith.constant 0 : i32
        %dma_wait3A_267 = tpu.memref_slice %arg23[%dma_wait3A_265, %dma_wait3A_266] : memref<10240x128xf32, #tpu.memory_space<vmem_shared>> -> memref<10240x128xf32, #tpu.memory_space<vmem_shared>>
        tpu.wait_indirect_dma semaphore(%arg42 : memref<!tpu.dma_semaphore, #tpu.memory_space<semaphore_mem>>) src(%arg21 : memref<64x128xf32, #tpu.memory_space<vmem>>) dst(%dma_wait3A_267 : memref<10240x128xf32, #tpu.memory_space<vmem_shared>>)
      } else {
      }
      %add3A_249 = arith.constant 5 : i32
      %add3A_250 = arith.addi %add3A_233, %add3A_249 : i32
      %sub3A_251 = arith.constant 1 : i32
      %sub3A_252 = arith.subi %add3A_250, %sub3A_251 : i32
      %lt3A_253 = arith.constant 80 : i32
      %lt3A_254 = arith.cmpi slt, %sub3A_252, %lt3A_253 : i32
      %convert_element_type3A_255 = arith.extui %lt3A_254 : i1 to i32
      %cond3A_256 = arith.constant 0 : i32
      %cond3A_257 = arith.cmpi ne, %convert_element_type3A_255, %cond3A_256 : i32
      scf.if %cond3A_257 {
        %dma_wait3A_265 = arith.constant 0 : i32
        %dma_wait3A_266 = tpu.memref_slice %arg4[%dma_wait3A_265] : memref<163840xi32, #tpu.memory_space<hbm>> -> memref<64xi32, #tpu.memory_space<hbm>>
        %dma_wait3A_267 = arith.constant 0 : i32
        %dma_wait3A_268 = tpu.memref_slice %arg4[%dma_wait3A_267] : memref<163840xi32, #tpu.memory_space<hbm>> -> memref<64xi32, #tpu.memory_space<hbm>>
        tpu.wait_dma2 semaphore(%arg27 : memref<!tpu.dma_semaphore, #tpu.memory_space<semaphore_mem>>) src(%dma_wait3A_268 : memref<64xi32, #tpu.memory_space<hbm>>) dst(%arg11 : memref<64xi32, #tpu.memory_space<vmem>>)
        %dma_start3A_269 = arith.constant 0 : i32
        %dma_start3A_270 = arith.constant 0 : i32
        %dma_start3A_271 = tpu.memref_slice %arg2[%dma_start3A_269, %dma_start3A_270] : memref<10000x128xf32, #tpu.memory_space<hbm>> -> memref<10000x128xf32, #tpu.memory_space<hbm>>
        tpu.enqueue_indirect_dma source(%dma_start3A_271 : memref<10000x128xf32, #tpu.memory_space<hbm>>) target(%arg21 : memref<64x128xf32, #tpu.memory_space<vmem>>) offsets(%arg11 : memref<64xi32, #tpu.memory_space<vmem>>) semaphore(%arg37 : memref<!tpu.dma_semaphore, #tpu.memory_space<semaphore_mem>>)
        %add3A_272 = arith.constant 5 : i32
        %add3A_273 = arith.addi %add3A_233, %add3A_272 : i32
        %sub3A_274 = arith.constant 1 : i32
        %sub3A_275 = arith.subi %add3A_273, %sub3A_274 : i32
        %mul3A_276 = arith.constant 64 : i32
        %mul3A_277 = arith.muli %sub3A_275, %mul3A_276 : i32
        %add3A_278 = arith.addi %mul3A_4, %mul3A_277 : i32
        %multiple_of3A_279 = tpu.assume_multiple %add3A_278, 8 : i32
        %dma_start3A_280 = tpu.memref_slice %arg5[%multiple_of3A_279] : memref<163840xi32, #tpu.memory_space<hbm>> -> memref<64xi32, #tpu.memory_space<hbm>>
        %dma_start3A_281 = tpu.memref_slice %arg5[%multiple_of3A_279] : memref<163840xi32, #tpu.memory_space<hbm>> -> memref<64xi32, #tpu.memory_space<hbm>>
        tpu.enqueue_dma source(%dma_start3A_281 : memref<64xi32, #tpu.memory_space<hbm>>) target(%arg16 : memref<64xi32, #tpu.memory_space<vmem>>) target_semaphore(%arg32 : memref<!tpu.dma_semaphore, #tpu.memory_space<semaphore_mem>>)
      } else {
      }
      %add3A_258 = arith.constant 5 : i32
      %add3A_259 = arith.addi %add3A_233, %add3A_258 : i32
      %lt3A_260 = arith.constant 80 : i32
      %lt3A_261 = arith.cmpi slt, %add3A_259, %lt3A_260 : i32
      %convert_element_type3A_262 = arith.extui %lt3A_261 : i1 to i32
      %cond3A_263 = arith.constant 0 : i32
      %cond3A_264 = arith.cmpi ne, %convert_element_type3A_262, %cond3A_263 : i32
      scf.if %cond3A_264 {
        %add3A_265 = arith.constant 5 : i32
        %add3A_266 = arith.addi %add3A_233, %add3A_265 : i32
        %mul3A_267 = arith.constant 64 : i32
        %mul3A_268 = arith.muli %add3A_266, %mul3A_267 : i32
        %add3A_269 = arith.addi %mul3A_4, %mul3A_268 : i32
        %multiple_of3A_270 = tpu.assume_multiple %add3A_269, 8 : i32
        %dma_start3A_271 = tpu.memref_slice %arg4[%multiple_of3A_270] : memref<163840xi32, #tpu.memory_space<hbm>> -> memref<64xi32, #tpu.memory_space<hbm>>
        %dma_start3A_272 = tpu.memref_slice %arg4[%multiple_of3A_270] : memref<163840xi32, #tpu.memory_space<hbm>> -> memref<64xi32, #tpu.memory_space<hbm>>
        tpu.enqueue_dma source(%dma_start3A_272 : memref<64xi32, #tpu.memory_space<hbm>>) target(%arg12 : memref<64xi32, #tpu.memory_space<vmem>>) target_semaphore(%arg28 : memref<!tpu.dma_semaphore, #tpu.memory_space<semaphore_mem>>)
      } else {
      }
    }
    %scan3A_80 = arith.constant 16 : i32
    %dma_wait3A_81 = arith.constant 0 : i32
    %dma_wait3A_82 = arith.constant 0 : i32
    %dma_wait3A_83 = tpu.memref_slice %arg23[%dma_wait3A_81, %dma_wait3A_82] : memref<10240x128xf32, #tpu.memory_space<vmem_shared>> -> memref<10240x128xf32, #tpu.memory_space<vmem_shared>>
    tpu.wait_indirect_dma semaphore(%arg43 : memref<!tpu.dma_semaphore, #tpu.memory_space<semaphore_mem>>) src(%arg22 : memref<64x128xf32, #tpu.memory_space<vmem>>) dst(%dma_wait3A_83 : memref<10240x128xf32, #tpu.memory_space<vmem_shared>>)
    %barrier3A_84 = arith.constant 0 : index
    tpu.barrier barrier_id(%barrier3A_84)
    %eq3A = arith.constant 0 : i32
    %eq3A_85 = arith.cmpi eq, %arg0, %eq3A : i32
    %convert_element_type3A = arith.extui %eq3A_85 : i1 to i32
    %cond3A = arith.constant 0 : i32
    %cond3A_86 = arith.cmpi ne, %convert_element_type3A, %cond3A : i32
    scf.if %cond3A_86 {
      %lt3A = arith.constant 15 : i32
      %lt3A_92 = arith.cmpi slt, %arg1, %lt3A : i32
      %convert_element_type3A_93 = arith.extui %lt3A_92 : i1 to i32
      %cond3A_94 = arith.constant 0 : i32
      %cond3A_95 = arith.cmpi ne, %convert_element_type3A_93, %cond3A_94 : i32
      scf.if %cond3A_95 {
        %mul3A_101 = arith.constant 632 : i32
        %mul3A_102 = arith.muli %arg1, %mul3A_101 : i32
        %multiple_of3A_103 = tpu.assume_multiple %mul3A_102, 8 : i32
        %mul3A_104 = arith.constant 632 : i32
        %mul3A_105 = arith.muli %arg1, %mul3A_104 : i32
        %multiple_of3A_106 = tpu.assume_multiple %mul3A_105, 8 : i32
        "tpu.region"() ({
          %run_scoped3A = tpu.sem_alloc : memref<!tpu.dma_semaphore, #tpu.memory_space<semaphore_mem>>
          %dma_start3A_107 = arith.constant 0 : i32
          %dma_start3A_108 = tpu.memref_slice %arg6[%multiple_of3A_106, %dma_start3A_107] : memref<10000x128xf32, #tpu.memory_space<hbm>> -> memref<632x128xf32, #tpu.memory_space<hbm>>
          %dma_start3A_109 = arith.constant 0 : i32
          %dma_start3A_110 = tpu.memref_slice %arg23[%multiple_of3A_103, %dma_start3A_109] : memref<10240x128xf32, #tpu.memory_space<vmem_shared>> -> memref<632x128xf32, #tpu.memory_space<vmem_shared>>
          tpu.enqueue_dma source(%dma_start3A_110 : memref<632x128xf32, #tpu.memory_space<vmem_shared>>) target(%dma_start3A_108 : memref<632x128xf32, #tpu.memory_space<hbm>>) target_semaphore(%run_scoped3A : memref<!tpu.dma_semaphore, #tpu.memory_space<semaphore_mem>>)
          %dma_wait3A_111 = arith.constant 0 : i32
          %dma_wait3A_112 = tpu.memref_slice %arg6[%multiple_of3A_106, %dma_wait3A_111] : memref<10000x128xf32, #tpu.memory_space<hbm>> -> memref<632x128xf32, #tpu.memory_space<hbm>>
          %dma_wait3A_113 = arith.constant 0 : i32
          %dma_wait3A_114 = tpu.memref_slice %arg23[%multiple_of3A_103, %dma_wait3A_113] : memref<10240x128xf32, #tpu.memory_space<vmem_shared>> -> memref<632x128xf32, #tpu.memory_space<vmem_shared>>
          tpu.wait_dma2 semaphore(%run_scoped3A : memref<!tpu.dma_semaphore, #tpu.memory_space<semaphore_mem>>) src(%dma_wait3A_114 : memref<632x128xf32, #tpu.memory_space<vmem_shared>>) dst(%dma_wait3A_112 : memref<632x128xf32, #tpu.memory_space<hbm>>)
          tpu.yield
        }) : () -> ()
      } else {
      }
      %eq3A_96 = arith.constant 15 : i32
      %eq3A_97 = arith.cmpi eq, %arg1, %eq3A_96 : i32
      %convert_element_type3A_98 = arith.extui %eq3A_97 : i1 to i32
      %cond3A_99 = arith.constant 0 : i32
      %cond3A_100 = arith.cmpi ne, %convert_element_type3A_98, %cond3A_99 : i32
      scf.if %cond3A_100 {
        "tpu.region"() ({
          %run_scoped3A = tpu.sem_alloc : memref<!tpu.dma_semaphore, #tpu.memory_space<semaphore_mem>>
          %dma_start3A_101 = arith.constant 9480 : i32
          %dma_start3A_102 = arith.constant 0 : i32
          %dma_start3A_103 = tpu.memref_slice %arg6[%dma_start3A_101, %dma_start3A_102] : memref<10000x128xf32, #tpu.memory_space<hbm>> -> memref<520x128xf32, #tpu.memory_space<hbm>>
          %dma_start3A_104 = arith.constant 9480 : i32
          %dma_start3A_105 = arith.constant 0 : i32
          %dma_start3A_106 = tpu.memref_slice %arg23[%dma_start3A_104, %dma_start3A_105] : memref<10240x128xf32, #tpu.memory_space<vmem_shared>> -> memref<520x128xf32, #tpu.memory_space<vmem_shared>>
          tpu.enqueue_dma source(%dma_start3A_106 : memref<520x128xf32, #tpu.memory_space<vmem_shared>>) target(%dma_start3A_103 : memref<520x128xf32, #tpu.memory_space<hbm>>) target_semaphore(%run_scoped3A : memref<!tpu.dma_semaphore, #tpu.memory_space<semaphore_mem>>)
          %dma_wait3A_107 = arith.constant 9480 : i32
          %dma_wait3A_108 = arith.constant 0 : i32
          %dma_wait3A_109 = tpu.memref_slice %arg6[%dma_wait3A_107, %dma_wait3A_108] : memref<10000x128xf32, #tpu.memory_space<hbm>> -> memref<520x128xf32, #tpu.memory_space<hbm>>
          %dma_wait3A_110 = arith.constant 9480 : i32
          %dma_wait3A_111 = arith.constant 0 : i32
          %dma_wait3A_112 = tpu.memref_slice %arg23[%dma_wait3A_110, %dma_wait3A_111] : memref<10240x128xf32, #tpu.memory_space<vmem_shared>> -> memref<520x128xf32, #tpu.memory_space<vmem_shared>>
          tpu.wait_dma2 semaphore(%run_scoped3A : memref<!tpu.dma_semaphore, #tpu.memory_space<semaphore_mem>>) src(%dma_wait3A_112 : memref<520x128xf32, #tpu.memory_space<vmem_shared>>) dst(%dma_wait3A_109 : memref<520x128xf32, #tpu.memory_space<hbm>>)
          tpu.yield
        }) : () -> ()
      } else {
      }
    } else {
    }
    %eq3A_87 = arith.constant 1 : i32
    %eq3A_88 = arith.cmpi eq, %arg0, %eq3A_87 : i32
    %convert_element_type3A_89 = arith.extui %eq3A_88 : i1 to i32
    %cond3A_90 = arith.constant 0 : i32
    %cond3A_91 = arith.cmpi ne, %convert_element_type3A_89, %cond3A_90 : i32
    scf.if %cond3A_91 {
      %lt3A = arith.constant 15 : i32
      %lt3A_92 = arith.cmpi slt, %arg1, %lt3A : i32
      %convert_element_type3A_93 = arith.extui %lt3A_92 : i1 to i32
      %cond3A_94 = arith.constant 0 : i32
      %cond3A_95 = arith.cmpi ne, %convert_element_type3A_93, %cond3A_94 : i32
      scf.if %cond3A_95 {
        %mul3A_101 = arith.constant 632 : i32
        %mul3A_102 = arith.muli %arg1, %mul3A_101 : i32
        %multiple_of3A_103 = tpu.assume_multiple %mul3A_102, 8 : i32
        %mul3A_104 = arith.constant 632 : i32
        %mul3A_105 = arith.muli %arg1, %mul3A_104 : i32
        %multiple_of3A_106 = tpu.assume_multiple %mul3A_105, 8 : i32
        "tpu.region"() ({
          %run_scoped3A = tpu.sem_alloc : memref<!tpu.dma_semaphore, #tpu.memory_space<semaphore_mem>>
          %dma_start3A_107 = arith.constant 0 : i32
          %dma_start3A_108 = tpu.memref_slice %arg7[%multiple_of3A_106, %dma_start3A_107] : memref<10000x128xf32, #tpu.memory_space<hbm>> -> memref<632x128xf32, #tpu.memory_space<hbm>>
          %dma_start3A_109 = arith.constant 0 : i32
          %dma_start3A_110 = tpu.memref_slice %arg23[%multiple_of3A_103, %dma_start3A_109] : memref<10240x128xf32, #tpu.memory_space<vmem_shared>> -> memref<632x128xf32, #tpu.memory_space<vmem_shared>>
          tpu.enqueue_dma source(%dma_start3A_110 : memref<632x128xf32, #tpu.memory_space<vmem_shared>>) target(%dma_start3A_108 : memref<632x128xf32, #tpu.memory_space<hbm>>) target_semaphore(%run_scoped3A : memref<!tpu.dma_semaphore, #tpu.memory_space<semaphore_mem>>)
          %dma_wait3A_111 = arith.constant 0 : i32
          %dma_wait3A_112 = tpu.memref_slice %arg7[%multiple_of3A_106, %dma_wait3A_111] : memref<10000x128xf32, #tpu.memory_space<hbm>> -> memref<632x128xf32, #tpu.memory_space<hbm>>
          %dma_wait3A_113 = arith.constant 0 : i32
          %dma_wait3A_114 = tpu.memref_slice %arg23[%multiple_of3A_103, %dma_wait3A_113] : memref<10240x128xf32, #tpu.memory_space<vmem_shared>> -> memref<632x128xf32, #tpu.memory_space<vmem_shared>>
          tpu.wait_dma2 semaphore(%run_scoped3A : memref<!tpu.dma_semaphore, #tpu.memory_space<semaphore_mem>>) src(%dma_wait3A_114 : memref<632x128xf32, #tpu.memory_space<vmem_shared>>) dst(%dma_wait3A_112 : memref<632x128xf32, #tpu.memory_space<hbm>>)
          tpu.yield
        }) : () -> ()
      } else {
      }
      %eq3A_96 = arith.constant 15 : i32
      %eq3A_97 = arith.cmpi eq, %arg1, %eq3A_96 : i32
      %convert_element_type3A_98 = arith.extui %eq3A_97 : i1 to i32
      %cond3A_99 = arith.constant 0 : i32
      %cond3A_100 = arith.cmpi ne, %convert_element_type3A_98, %cond3A_99 : i32
      scf.if %cond3A_100 {
        "tpu.region"() ({
          %run_scoped3A = tpu.sem_alloc : memref<!tpu.dma_semaphore, #tpu.memory_space<semaphore_mem>>
          %dma_start3A_101 = arith.constant 9480 : i32
          %dma_start3A_102 = arith.constant 0 : i32
          %dma_start3A_103 = tpu.memref_slice %arg7[%dma_start3A_101, %dma_start3A_102] : memref<10000x128xf32, #tpu.memory_space<hbm>> -> memref<520x128xf32, #tpu.memory_space<hbm>>
          %dma_start3A_104 = arith.constant 9480 : i32
          %dma_start3A_105 = arith.constant 0 : i32
          %dma_start3A_106 = tpu.memref_slice %arg23[%dma_start3A_104, %dma_start3A_105] : memref<10240x128xf32, #tpu.memory_space<vmem_shared>> -> memref<520x128xf32, #tpu.memory_space<vmem_shared>>
          tpu.enqueue_dma source(%dma_start3A_106 : memref<520x128xf32, #tpu.memory_space<vmem_shared>>) target(%dma_start3A_103 : memref<520x128xf32, #tpu.memory_space<hbm>>) target_semaphore(%run_scoped3A : memref<!tpu.dma_semaphore, #tpu.memory_space<semaphore_mem>>)
          %dma_wait3A_107 = arith.constant 9480 : i32
          %dma_wait3A_108 = arith.constant 0 : i32
          %dma_wait3A_109 = tpu.memref_slice %arg7[%dma_wait3A_107, %dma_wait3A_108] : memref<10000x128xf32, #tpu.memory_space<hbm>> -> memref<520x128xf32, #tpu.memory_space<hbm>>
          %dma_wait3A_110 = arith.constant 9480 : i32
          %dma_wait3A_111 = arith.constant 0 : i32
          %dma_wait3A_112 = tpu.memref_slice %arg23[%dma_wait3A_110, %dma_wait3A_111] : memref<10240x128xf32, #tpu.memory_space<vmem_shared>> -> memref<520x128xf32, #tpu.memory_space<vmem_shared>>
          tpu.wait_dma2 semaphore(%run_scoped3A : memref<!tpu.dma_semaphore, #tpu.memory_space<semaphore_mem>>) src(%dma_wait3A_112 : memref<520x128xf32, #tpu.memory_space<vmem_shared>>) dst(%dma_wait3A_109 : memref<520x128xf32, #tpu.memory_space<hbm>>)
          tpu.yield
        }) : () -> ()
      } else {
      }
    } else {
    }
    return
  }
}

#map = affine_map<(d0, d1) -> (0, 0, 0)>
#map1 = affine_map<(d0, d1) -> (0, 0)>
module attributes {stable_mosaic.version = 14 : i64} {
  func.func @_deg_body(%arg0: i32, %arg1: i32, %arg2: memref<32x40x128xi32, #tpu.memory_space<hbm>>, %arg3: memref<128x128xf32, #tpu.memory_space<hbm>>, %arg4: memref<10240x128xf32, #tpu.memory_space<hbm>>, %arg5: memref<10000x128xf32, #tpu.memory_space<hbm>>, %arg6: memref<10000x128xf32, #tpu.memory_space<hbm>>, %arg7: memref<40x128xi32, #tpu.memory_space<vmem>>, %arg8: memref<128x128xf32, #tpu.memory_space<vmem>>, %arg9: memref<10240x128xf32, #tpu.memory_space<vmem_shared>>, %arg10: memref<!tpu.dma_semaphore, #tpu.memory_space<semaphore_mem>>, %arg11: memref<!tpu.dma_semaphore, #tpu.memory_space<semaphore_mem>>) attributes {dimension_semantics = [#tpu.dimension_semantics<core_parallel>, #tpu.dimension_semantics<subcore_parallel>], iteration_bounds = array<i64: 2, 16>, scalar_prefetch = 0 : i64, scratch_operands = 5 : i64, tpu.core_type = #tpu.core_type<sc_vector_subcore>, window_params = [{transform_indices = #map}, {transform_indices = #map1}, {transform_indices = #map1}, {transform_indices = #map1}, {transform_indices = #map1}]} {
    %mul3A = arith.constant 640 : i32
    %mul3A_0 = arith.muli %arg1, %mul3A : i32
    %multiple_of3A = tpu.assume_multiple %mul3A_0, 8 : i32
    "tpu.region"() ({
      %run_scoped3A = tpu.sem_alloc : memref<!tpu.dma_semaphore, #tpu.memory_space<semaphore_mem>>
      %dma_start3A = arith.constant 0 : i32
      %dma_start3A_29 = tpu.memref_slice %arg9[%multiple_of3A, %dma_start3A] : memref<10240x128xf32, #tpu.memory_space<vmem_shared>> -> memref<640x128xf32, #tpu.memory_space<vmem_shared>>
      %dma_start3A_30 = arith.constant 0 : i32
      %dma_start3A_31 = tpu.memref_slice %arg4[%multiple_of3A, %dma_start3A_30] : memref<10240x128xf32, #tpu.memory_space<hbm>> -> memref<640x128xf32, #tpu.memory_space<hbm>>
      tpu.enqueue_dma source(%dma_start3A_31 : memref<640x128xf32, #tpu.memory_space<hbm>>) target(%dma_start3A_29 : memref<640x128xf32, #tpu.memory_space<vmem_shared>>) target_semaphore(%run_scoped3A : memref<!tpu.dma_semaphore, #tpu.memory_space<semaphore_mem>>)
      %dma_wait3A_32 = arith.constant 0 : i32
      %dma_wait3A_33 = tpu.memref_slice %arg9[%multiple_of3A, %dma_wait3A_32] : memref<10240x128xf32, #tpu.memory_space<vmem_shared>> -> memref<640x128xf32, #tpu.memory_space<vmem_shared>>
      %dma_wait3A_34 = arith.constant 0 : i32
      %dma_wait3A_35 = tpu.memref_slice %arg4[%multiple_of3A, %dma_wait3A_34] : memref<10240x128xf32, #tpu.memory_space<hbm>> -> memref<640x128xf32, #tpu.memory_space<hbm>>
      tpu.wait_dma2 semaphore(%run_scoped3A : memref<!tpu.dma_semaphore, #tpu.memory_space<semaphore_mem>>) src(%dma_wait3A_35 : memref<640x128xf32, #tpu.memory_space<hbm>>) dst(%dma_wait3A_33 : memref<640x128xf32, #tpu.memory_space<vmem_shared>>)
      tpu.yield
    }) : () -> ()
    "tpu.region"() ({
      %run_scoped3A = tpu.sem_alloc : memref<!tpu.dma_semaphore, #tpu.memory_space<semaphore_mem>>
      tpu.enqueue_dma source(%arg3 : memref<128x128xf32, #tpu.memory_space<hbm>>) target(%arg8 : memref<128x128xf32, #tpu.memory_space<vmem>>) target_semaphore(%run_scoped3A : memref<!tpu.dma_semaphore, #tpu.memory_space<semaphore_mem>>)
      tpu.wait_dma2 semaphore(%run_scoped3A : memref<!tpu.dma_semaphore, #tpu.memory_space<semaphore_mem>>) src(%arg3 : memref<128x128xf32, #tpu.memory_space<hbm>>) dst(%arg8 : memref<128x128xf32, #tpu.memory_space<vmem>>)
      tpu.yield
    }) : () -> ()
    %mul3A_1 = arith.constant 16 : i32
    %mul3A_2 = arith.muli %arg0, %mul3A_1 : i32
    %add3A = arith.addi %mul3A_2, %arg1 : i32
    "tpu.region"() ({
      %run_scoped3A = tpu.sem_alloc : memref<!tpu.dma_semaphore, #tpu.memory_space<semaphore_mem>>
      %dma_start3A = arith.constant 0 : i32
      %dma_start3A_29 = arith.constant 0 : i32
      %dma_start3A_30 = tpu.memref_slice %arg2[%add3A, %dma_start3A, %dma_start3A_29] : memref<32x40x128xi32, #tpu.memory_space<hbm>> -> memref<1x40x128xi32, #tpu.memory_space<hbm>>
      %dma_start3A_31 = tpu.memref_squeeze %dma_start3A_30 : memref<1x40x128xi32, #tpu.memory_space<hbm>> -> memref<40x128xi32, #tpu.memory_space<hbm>>
      %dma_start3A_32 = arith.constant 0 : i32
      %dma_start3A_33 = arith.constant 0 : i32
      %dma_start3A_34 = tpu.memref_slice %arg2[%add3A, %dma_start3A_32, %dma_start3A_33] : memref<32x40x128xi32, #tpu.memory_space<hbm>> -> memref<1x40x128xi32, #tpu.memory_space<hbm>>
      %dma_start3A_35 = tpu.memref_squeeze %dma_start3A_34 : memref<1x40x128xi32, #tpu.memory_space<hbm>> -> memref<40x128xi32, #tpu.memory_space<hbm>>
      tpu.enqueue_dma source(%dma_start3A_35 : memref<40x128xi32, #tpu.memory_space<hbm>>) target(%arg7 : memref<40x128xi32, #tpu.memory_space<vmem>>) target_semaphore(%run_scoped3A : memref<!tpu.dma_semaphore, #tpu.memory_space<semaphore_mem>>)
      %dma_wait3A_36 = arith.constant 0 : i32
      %dma_wait3A_37 = arith.constant 0 : i32
      %dma_wait3A_38 = tpu.memref_slice %arg2[%add3A, %dma_wait3A_36, %dma_wait3A_37] : memref<32x40x128xi32, #tpu.memory_space<hbm>> -> memref<1x40x128xi32, #tpu.memory_space<hbm>>
      %dma_wait3A_39 = tpu.memref_squeeze %dma_wait3A_38 : memref<1x40x128xi32, #tpu.memory_space<hbm>> -> memref<40x128xi32, #tpu.memory_space<hbm>>
      %dma_wait3A_40 = arith.constant 0 : i32
      %dma_wait3A_41 = arith.constant 0 : i32
      %dma_wait3A_42 = tpu.memref_slice %arg2[%add3A, %dma_wait3A_40, %dma_wait3A_41] : memref<32x40x128xi32, #tpu.memory_space<hbm>> -> memref<1x40x128xi32, #tpu.memory_space<hbm>>
      %dma_wait3A_43 = tpu.memref_squeeze %dma_wait3A_42 : memref<1x40x128xi32, #tpu.memory_space<hbm>> -> memref<40x128xi32, #tpu.memory_space<hbm>>
      tpu.wait_dma2 semaphore(%run_scoped3A : memref<!tpu.dma_semaphore, #tpu.memory_space<semaphore_mem>>) src(%dma_wait3A_43 : memref<40x128xi32, #tpu.memory_space<hbm>>) dst(%arg7 : memref<40x128xi32, #tpu.memory_space<vmem>>)
      tpu.yield
    }) : () -> ()
    %barrier3A = arith.constant 0 : index
    tpu.barrier barrier_id(%barrier3A)
    %scan3A = arith.constant 0 : i32
    %scan3A_3 = arith.constant 0 : i32
    %scan3A_4 = arith.constant 20 : i32
    %scan3A_5 = arith.addi %scan3A_3, %scan3A_4 : i32
    %scan3A_6 = arith.constant 1 : i32
    scf.for %scan3A_29 = %scan3A_3 to %scan3A_5 step %scan3A_6  : i32 {
      %gt3A = arith.constant 0 : i32
      %gt3A_30 = arith.cmpi sgt, %scan3A_29, %gt3A : i32
      %convert_element_type3A_31 = arith.extui %gt3A_30 : i1 to i32
      %cond3A_32 = arith.constant 0 : i32
      %cond3A_33 = arith.cmpi ne, %convert_element_type3A_31, %cond3A_32 : i32
      scf.if %cond3A_33 {
        %dma_wait3A_58 = arith.constant 0 : i32
        %dma_wait3A_59 = arith.constant 0 : i32
        %dma_wait3A_60 = tpu.memref_slice %arg7[%dma_wait3A_58, %dma_wait3A_59] : memref<40x128xi32, #tpu.memory_space<vmem>> -> memref<1x128xi32, #tpu.memory_space<vmem>>
        %dma_wait3A_61 = tpu.memref_squeeze %dma_wait3A_60 : memref<1x128xi32, #tpu.memory_space<vmem>> -> memref<128xi32, #tpu.memory_space<vmem>>
        %dma_wait3A_62 = arith.constant 0 : i32
        %dma_wait3A_63 = arith.constant 0 : i32
        %dma_wait3A_64 = tpu.memref_slice %arg9[%dma_wait3A_62, %dma_wait3A_63] : memref<10240x128xf32, #tpu.memory_space<vmem_shared>> -> memref<10240x128xf32, #tpu.memory_space<vmem_shared>>
        tpu.wait_indirect_dma semaphore(%arg10 : memref<!tpu.dma_semaphore, #tpu.memory_space<semaphore_mem>>) src(%arg8 : memref<128x128xf32, #tpu.memory_space<vmem>>) dst(%dma_wait3A_64 : memref<10240x128xf32, #tpu.memory_space<vmem_shared>>)
      } else {
      }
      %mul3A_34 = arith.constant 2 : i32
      %mul3A_35 = arith.muli %mul3A_34, %scan3A_29 : i32
      %add3A_36 = arith.constant 0 : i32
      %add3A_37 = arith.addi %mul3A_35, %add3A_36 : i32
      %dma_start3A = arith.constant 0 : i32
      %dma_start3A_38 = tpu.memref_slice %arg7[%add3A_37, %dma_start3A] : memref<40x128xi32, #tpu.memory_space<vmem>> -> memref<1x128xi32, #tpu.memory_space<vmem>>
      %dma_start3A_39 = tpu.memref_squeeze %dma_start3A_38 : memref<1x128xi32, #tpu.memory_space<vmem>> -> memref<128xi32, #tpu.memory_space<vmem>>
      %dma_start3A_40 = arith.constant 0 : i32
      %dma_start3A_41 = arith.constant 0 : i32
      %dma_start3A_42 = tpu.memref_slice %arg9[%dma_start3A_40, %dma_start3A_41] : memref<10240x128xf32, #tpu.memory_space<vmem_shared>> -> memref<10240x128xf32, #tpu.memory_space<vmem_shared>>
      tpu.enqueue_indirect_dma source(%arg8 : memref<128x128xf32, #tpu.memory_space<vmem>>) target(%dma_start3A_42 : memref<10240x128xf32, #tpu.memory_space<vmem_shared>>) offsets(%dma_start3A_39 : memref<128xi32, #tpu.memory_space<vmem>>) semaphore(%arg10 : memref<!tpu.dma_semaphore, #tpu.memory_space<semaphore_mem>>) {add = true}
      %gt3A_43 = arith.constant 0 : i32
      %gt3A_44 = arith.cmpi sgt, %scan3A_29, %gt3A_43 : i32
      %convert_element_type3A_45 = arith.extui %gt3A_44 : i1 to i32
      %cond3A_46 = arith.constant 0 : i32
      %cond3A_47 = arith.cmpi ne, %convert_element_type3A_45, %cond3A_46 : i32
      scf.if %cond3A_47 {
        %dma_wait3A_58 = arith.constant 0 : i32
        %dma_wait3A_59 = arith.constant 0 : i32
        %dma_wait3A_60 = tpu.memref_slice %arg7[%dma_wait3A_58, %dma_wait3A_59] : memref<40x128xi32, #tpu.memory_space<vmem>> -> memref<1x128xi32, #tpu.memory_space<vmem>>
        %dma_wait3A_61 = tpu.memref_squeeze %dma_wait3A_60 : memref<1x128xi32, #tpu.memory_space<vmem>> -> memref<128xi32, #tpu.memory_space<vmem>>
        %dma_wait3A_62 = arith.constant 0 : i32
        %dma_wait3A_63 = arith.constant 0 : i32
        %dma_wait3A_64 = tpu.memref_slice %arg9[%dma_wait3A_62, %dma_wait3A_63] : memref<10240x128xf32, #tpu.memory_space<vmem_shared>> -> memref<10240x128xf32, #tpu.memory_space<vmem_shared>>
        tpu.wait_indirect_dma semaphore(%arg11 : memref<!tpu.dma_semaphore, #tpu.memory_space<semaphore_mem>>) src(%arg8 : memref<128x128xf32, #tpu.memory_space<vmem>>) dst(%dma_wait3A_64 : memref<10240x128xf32, #tpu.memory_space<vmem_shared>>)
      } else {
      }
      %mul3A_48 = arith.constant 2 : i32
      %mul3A_49 = arith.muli %mul3A_48, %scan3A_29 : i32
      %add3A_50 = arith.constant 1 : i32
      %add3A_51 = arith.addi %mul3A_49, %add3A_50 : i32
      %dma_start3A_52 = arith.constant 0 : i32
      %dma_start3A_53 = tpu.memref_slice %arg7[%add3A_51, %dma_start3A_52] : memref<40x128xi32, #tpu.memory_space<vmem>> -> memref<1x128xi32, #tpu.memory_space<vmem>>
      %dma_start3A_54 = tpu.memref_squeeze %dma_start3A_53 : memref<1x128xi32, #tpu.memory_space<vmem>> -> memref<128xi32, #tpu.memory_space<vmem>>
      %dma_start3A_55 = arith.constant 0 : i32
      %dma_start3A_56 = arith.constant 0 : i32
      %dma_start3A_57 = tpu.memref_slice %arg9[%dma_start3A_55, %dma_start3A_56] : memref<10240x128xf32, #tpu.memory_space<vmem_shared>> -> memref<10240x128xf32, #tpu.memory_space<vmem_shared>>
      tpu.enqueue_indirect_dma source(%arg8 : memref<128x128xf32, #tpu.memory_space<vmem>>) target(%dma_start3A_57 : memref<10240x128xf32, #tpu.memory_space<vmem_shared>>) offsets(%dma_start3A_54 : memref<128xi32, #tpu.memory_space<vmem>>) semaphore(%arg11 : memref<!tpu.dma_semaphore, #tpu.memory_space<semaphore_mem>>) {add = true}
    }
    %scan3A_7 = arith.constant 20 : i32
    %dma_wait3A = arith.constant 0 : i32
    %dma_wait3A_8 = arith.constant 0 : i32
    %dma_wait3A_9 = tpu.memref_slice %arg7[%dma_wait3A, %dma_wait3A_8] : memref<40x128xi32, #tpu.memory_space<vmem>> -> memref<1x128xi32, #tpu.memory_space<vmem>>
    %dma_wait3A_10 = tpu.memref_squeeze %dma_wait3A_9 : memref<1x128xi32, #tpu.memory_space<vmem>> -> memref<128xi32, #tpu.memory_space<vmem>>
    %dma_wait3A_11 = arith.constant 0 : i32
    %dma_wait3A_12 = arith.constant 0 : i32
    %dma_wait3A_13 = tpu.memref_slice %arg9[%dma_wait3A_11, %dma_wait3A_12] : memref<10240x128xf32, #tpu.memory_space<vmem_shared>> -> memref<10240x128xf32, #tpu.memory_space<vmem_shared>>
    tpu.wait_indirect_dma semaphore(%arg10 : memref<!tpu.dma_semaphore, #tpu.memory_space<semaphore_mem>>) src(%arg8 : memref<128x128xf32, #tpu.memory_space<vmem>>) dst(%dma_wait3A_13 : memref<10240x128xf32, #tpu.memory_space<vmem_shared>>)
    %dma_wait3A_14 = arith.constant 0 : i32
    %dma_wait3A_15 = arith.constant 0 : i32
    %dma_wait3A_16 = tpu.memref_slice %arg7[%dma_wait3A_14, %dma_wait3A_15] : memref<40x128xi32, #tpu.memory_space<vmem>> -> memref<1x128xi32, #tpu.memory_space<vmem>>
    %dma_wait3A_17 = tpu.memref_squeeze %dma_wait3A_16 : memref<1x128xi32, #tpu.memory_space<vmem>> -> memref<128xi32, #tpu.memory_space<vmem>>
    %dma_wait3A_18 = arith.constant 0 : i32
    %dma_wait3A_19 = arith.constant 0 : i32
    %dma_wait3A_20 = tpu.memref_slice %arg9[%dma_wait3A_18, %dma_wait3A_19] : memref<10240x128xf32, #tpu.memory_space<vmem_shared>> -> memref<10240x128xf32, #tpu.memory_space<vmem_shared>>
    tpu.wait_indirect_dma semaphore(%arg11 : memref<!tpu.dma_semaphore, #tpu.memory_space<semaphore_mem>>) src(%arg8 : memref<128x128xf32, #tpu.memory_space<vmem>>) dst(%dma_wait3A_20 : memref<10240x128xf32, #tpu.memory_space<vmem_shared>>)
    %barrier3A_21 = arith.constant 0 : index
    tpu.barrier barrier_id(%barrier3A_21)
    %eq3A = arith.constant 0 : i32
    %eq3A_22 = arith.cmpi eq, %arg0, %eq3A : i32
    %convert_element_type3A = arith.extui %eq3A_22 : i1 to i32
    %cond3A = arith.constant 0 : i32
    %cond3A_23 = arith.cmpi ne, %convert_element_type3A, %cond3A : i32
    scf.if %cond3A_23 {
      %lt3A = arith.constant 15 : i32
      %lt3A_29 = arith.cmpi slt, %arg1, %lt3A : i32
      %convert_element_type3A_30 = arith.extui %lt3A_29 : i1 to i32
      %cond3A_31 = arith.constant 0 : i32
      %cond3A_32 = arith.cmpi ne, %convert_element_type3A_30, %cond3A_31 : i32
      scf.if %cond3A_32 {
        %mul3A_38 = arith.constant 632 : i32
        %mul3A_39 = arith.muli %arg1, %mul3A_38 : i32
        %multiple_of3A_40 = tpu.assume_multiple %mul3A_39, 8 : i32
        %mul3A_41 = arith.constant 632 : i32
        %mul3A_42 = arith.muli %arg1, %mul3A_41 : i32
        %multiple_of3A_43 = tpu.assume_multiple %mul3A_42, 8 : i32
        "tpu.region"() ({
          %run_scoped3A = tpu.sem_alloc : memref<!tpu.dma_semaphore, #tpu.memory_space<semaphore_mem>>
          %dma_start3A = arith.constant 0 : i32
          %dma_start3A_44 = tpu.memref_slice %arg5[%multiple_of3A_43, %dma_start3A] : memref<10000x128xf32, #tpu.memory_space<hbm>> -> memref<632x128xf32, #tpu.memory_space<hbm>>
          %dma_start3A_45 = arith.constant 0 : i32
          %dma_start3A_46 = tpu.memref_slice %arg9[%multiple_of3A_40, %dma_start3A_45] : memref<10240x128xf32, #tpu.memory_space<vmem_shared>> -> memref<632x128xf32, #tpu.memory_space<vmem_shared>>
          tpu.enqueue_dma source(%dma_start3A_46 : memref<632x128xf32, #tpu.memory_space<vmem_shared>>) target(%dma_start3A_44 : memref<632x128xf32, #tpu.memory_space<hbm>>) target_semaphore(%run_scoped3A : memref<!tpu.dma_semaphore, #tpu.memory_space<semaphore_mem>>)
          %dma_wait3A_47 = arith.constant 0 : i32
          %dma_wait3A_48 = tpu.memref_slice %arg5[%multiple_of3A_43, %dma_wait3A_47] : memref<10000x128xf32, #tpu.memory_space<hbm>> -> memref<632x128xf32, #tpu.memory_space<hbm>>
          %dma_wait3A_49 = arith.constant 0 : i32
          %dma_wait3A_50 = tpu.memref_slice %arg9[%multiple_of3A_40, %dma_wait3A_49] : memref<10240x128xf32, #tpu.memory_space<vmem_shared>> -> memref<632x128xf32, #tpu.memory_space<vmem_shared>>
          tpu.wait_dma2 semaphore(%run_scoped3A : memref<!tpu.dma_semaphore, #tpu.memory_space<semaphore_mem>>) src(%dma_wait3A_50 : memref<632x128xf32, #tpu.memory_space<vmem_shared>>) dst(%dma_wait3A_48 : memref<632x128xf32, #tpu.memory_space<hbm>>)
          tpu.yield
        }) : () -> ()
      } else {
      }
      %eq3A_33 = arith.constant 15 : i32
      %eq3A_34 = arith.cmpi eq, %arg1, %eq3A_33 : i32
      %convert_element_type3A_35 = arith.extui %eq3A_34 : i1 to i32
      %cond3A_36 = arith.constant 0 : i32
      %cond3A_37 = arith.cmpi ne, %convert_element_type3A_35, %cond3A_36 : i32
      scf.if %cond3A_37 {
        "tpu.region"() ({
          %run_scoped3A = tpu.sem_alloc : memref<!tpu.dma_semaphore, #tpu.memory_space<semaphore_mem>>
          %dma_start3A = arith.constant 9480 : i32
          %dma_start3A_38 = arith.constant 0 : i32
          %dma_start3A_39 = tpu.memref_slice %arg5[%dma_start3A, %dma_start3A_38] : memref<10000x128xf32, #tpu.memory_space<hbm>> -> memref<520x128xf32, #tpu.memory_space<hbm>>
          %dma_start3A_40 = arith.constant 9480 : i32
          %dma_start3A_41 = arith.constant 0 : i32
          %dma_start3A_42 = tpu.memref_slice %arg9[%dma_start3A_40, %dma_start3A_41] : memref<10240x128xf32, #tpu.memory_space<vmem_shared>> -> memref<520x128xf32, #tpu.memory_space<vmem_shared>>
          tpu.enqueue_dma source(%dma_start3A_42 : memref<520x128xf32, #tpu.memory_space<vmem_shared>>) target(%dma_start3A_39 : memref<520x128xf32, #tpu.memory_space<hbm>>) target_semaphore(%run_scoped3A : memref<!tpu.dma_semaphore, #tpu.memory_space<semaphore_mem>>)
          %dma_wait3A_43 = arith.constant 9480 : i32
          %dma_wait3A_44 = arith.constant 0 : i32
          %dma_wait3A_45 = tpu.memref_slice %arg5[%dma_wait3A_43, %dma_wait3A_44] : memref<10000x128xf32, #tpu.memory_space<hbm>> -> memref<520x128xf32, #tpu.memory_space<hbm>>
          %dma_wait3A_46 = arith.constant 9480 : i32
          %dma_wait3A_47 = arith.constant 0 : i32
          %dma_wait3A_48 = tpu.memref_slice %arg9[%dma_wait3A_46, %dma_wait3A_47] : memref<10240x128xf32, #tpu.memory_space<vmem_shared>> -> memref<520x128xf32, #tpu.memory_space<vmem_shared>>
          tpu.wait_dma2 semaphore(%run_scoped3A : memref<!tpu.dma_semaphore, #tpu.memory_space<semaphore_mem>>) src(%dma_wait3A_48 : memref<520x128xf32, #tpu.memory_space<vmem_shared>>) dst(%dma_wait3A_45 : memref<520x128xf32, #tpu.memory_space<hbm>>)
          tpu.yield
        }) : () -> ()
      } else {
      }
    } else {
    }
    %eq3A_24 = arith.constant 1 : i32
    %eq3A_25 = arith.cmpi eq, %arg0, %eq3A_24 : i32
    %convert_element_type3A_26 = arith.extui %eq3A_25 : i1 to i32
    %cond3A_27 = arith.constant 0 : i32
    %cond3A_28 = arith.cmpi ne, %convert_element_type3A_26, %cond3A_27 : i32
    scf.if %cond3A_28 {
      %lt3A = arith.constant 15 : i32
      %lt3A_29 = arith.cmpi slt, %arg1, %lt3A : i32
      %convert_element_type3A_30 = arith.extui %lt3A_29 : i1 to i32
      %cond3A_31 = arith.constant 0 : i32
      %cond3A_32 = arith.cmpi ne, %convert_element_type3A_30, %cond3A_31 : i32
      scf.if %cond3A_32 {
        %mul3A_38 = arith.constant 632 : i32
        %mul3A_39 = arith.muli %arg1, %mul3A_38 : i32
        %multiple_of3A_40 = tpu.assume_multiple %mul3A_39, 8 : i32
        %mul3A_41 = arith.constant 632 : i32
        %mul3A_42 = arith.muli %arg1, %mul3A_41 : i32
        %multiple_of3A_43 = tpu.assume_multiple %mul3A_42, 8 : i32
        "tpu.region"() ({
          %run_scoped3A = tpu.sem_alloc : memref<!tpu.dma_semaphore, #tpu.memory_space<semaphore_mem>>
          %dma_start3A = arith.constant 0 : i32
          %dma_start3A_44 = tpu.memref_slice %arg6[%multiple_of3A_43, %dma_start3A] : memref<10000x128xf32, #tpu.memory_space<hbm>> -> memref<632x128xf32, #tpu.memory_space<hbm>>
          %dma_start3A_45 = arith.constant 0 : i32
          %dma_start3A_46 = tpu.memref_slice %arg9[%multiple_of3A_40, %dma_start3A_45] : memref<10240x128xf32, #tpu.memory_space<vmem_shared>> -> memref<632x128xf32, #tpu.memory_space<vmem_shared>>
          tpu.enqueue_dma source(%dma_start3A_46 : memref<632x128xf32, #tpu.memory_space<vmem_shared>>) target(%dma_start3A_44 : memref<632x128xf32, #tpu.memory_space<hbm>>) target_semaphore(%run_scoped3A : memref<!tpu.dma_semaphore, #tpu.memory_space<semaphore_mem>>)
          %dma_wait3A_47 = arith.constant 0 : i32
          %dma_wait3A_48 = tpu.memref_slice %arg6[%multiple_of3A_43, %dma_wait3A_47] : memref<10000x128xf32, #tpu.memory_space<hbm>> -> memref<632x128xf32, #tpu.memory_space<hbm>>
          %dma_wait3A_49 = arith.constant 0 : i32
          %dma_wait3A_50 = tpu.memref_slice %arg9[%multiple_of3A_40, %dma_wait3A_49] : memref<10240x128xf32, #tpu.memory_space<vmem_shared>> -> memref<632x128xf32, #tpu.memory_space<vmem_shared>>
          tpu.wait_dma2 semaphore(%run_scoped3A : memref<!tpu.dma_semaphore, #tpu.memory_space<semaphore_mem>>) src(%dma_wait3A_50 : memref<632x128xf32, #tpu.memory_space<vmem_shared>>) dst(%dma_wait3A_48 : memref<632x128xf32, #tpu.memory_space<hbm>>)
          tpu.yield
        }) : () -> ()
      } else {
      }
      %eq3A_33 = arith.constant 15 : i32
      %eq3A_34 = arith.cmpi eq, %arg1, %eq3A_33 : i32
      %convert_element_type3A_35 = arith.extui %eq3A_34 : i1 to i32
      %cond3A_36 = arith.constant 0 : i32
      %cond3A_37 = arith.cmpi ne, %convert_element_type3A_35, %cond3A_36 : i32
      scf.if %cond3A_37 {
        "tpu.region"() ({
          %run_scoped3A = tpu.sem_alloc : memref<!tpu.dma_semaphore, #tpu.memory_space<semaphore_mem>>
          %dma_start3A = arith.constant 9480 : i32
          %dma_start3A_38 = arith.constant 0 : i32
          %dma_start3A_39 = tpu.memref_slice %arg6[%dma_start3A, %dma_start3A_38] : memref<10000x128xf32, #tpu.memory_space<hbm>> -> memref<520x128xf32, #tpu.memory_space<hbm>>
          %dma_start3A_40 = arith.constant 9480 : i32
          %dma_start3A_41 = arith.constant 0 : i32
          %dma_start3A_42 = tpu.memref_slice %arg9[%dma_start3A_40, %dma_start3A_41] : memref<10240x128xf32, #tpu.memory_space<vmem_shared>> -> memref<520x128xf32, #tpu.memory_space<vmem_shared>>
          tpu.enqueue_dma source(%dma_start3A_42 : memref<520x128xf32, #tpu.memory_space<vmem_shared>>) target(%dma_start3A_39 : memref<520x128xf32, #tpu.memory_space<hbm>>) target_semaphore(%run_scoped3A : memref<!tpu.dma_semaphore, #tpu.memory_space<semaphore_mem>>)
          %dma_wait3A_43 = arith.constant 9480 : i32
          %dma_wait3A_44 = arith.constant 0 : i32
          %dma_wait3A_45 = tpu.memref_slice %arg6[%dma_wait3A_43, %dma_wait3A_44] : memref<10000x128xf32, #tpu.memory_space<hbm>> -> memref<520x128xf32, #tpu.memory_space<hbm>>
          %dma_wait3A_46 = arith.constant 9480 : i32
          %dma_wait3A_47 = arith.constant 0 : i32
          %dma_wait3A_48 = tpu.memref_slice %arg9[%dma_wait3A_46, %dma_wait3A_47] : memref<10240x128xf32, #tpu.memory_space<vmem_shared>> -> memref<520x128xf32, #tpu.memory_space<vmem_shared>>
          tpu.wait_dma2 semaphore(%run_scoped3A : memref<!tpu.dma_semaphore, #tpu.memory_space<semaphore_mem>>) src(%dma_wait3A_48 : memref<520x128xf32, #tpu.memory_space<vmem_shared>>) dst(%dma_wait3A_45 : memref<520x128xf32, #tpu.memory_space<hbm>>)
          tpu.yield
        }) : () -> ()
      } else {
      }
    } else {
    }
    return
  }
}

#map = affine_map<(d0, d1) -> (0, 0)>
#map1 = affine_map<(d0, d1) -> (0)>
module attributes {stable_mosaic.version = 14 : i64} {
  func.func @_agg1_body(%arg0: i32, %arg1: i32, %arg2: memref<10000x128xf32, #tpu.memory_space<hbm>>, %arg3: memref<10000x128xf32, #tpu.memory_space<hbm>>, %arg4: memref<163840xi32, #tpu.memory_space<hbm>>, %arg5: memref<163840xi32, #tpu.memory_space<hbm>>, %arg6: memref<10000x128xf32, #tpu.memory_space<hbm>>, %arg7: memref<10000x128xf32, #tpu.memory_space<hbm>>, %arg8: memref<64xi32, #tpu.memory_space<vmem>>, %arg9: memref<64xi32, #tpu.memory_space<vmem>>, %arg10: memref<64xi32, #tpu.memory_space<vmem>>, %arg11: memref<64xi32, #tpu.memory_space<vmem>>, %arg12: memref<64xi32, #tpu.memory_space<vmem>>, %arg13: memref<64xi32, #tpu.memory_space<vmem>>, %arg14: memref<64xi32, #tpu.memory_space<vmem>>, %arg15: memref<64xi32, #tpu.memory_space<vmem>>, %arg16: memref<64xi32, #tpu.memory_space<vmem>>, %arg17: memref<64xi32, #tpu.memory_space<vmem>>, %arg18: memref<64x128xf32, #tpu.memory_space<vmem>>, %arg19: memref<64x128xf32, #tpu.memory_space<vmem>>, %arg20: memref<64x128xf32, #tpu.memory_space<vmem>>, %arg21: memref<64x128xf32, #tpu.memory_space<vmem>>, %arg22: memref<64x128xf32, #tpu.memory_space<vmem>>, %arg23: memref<10240x128xf32, #tpu.memory_space<vmem_shared>>, %arg24: memref<!tpu.dma_semaphore, #tpu.memory_space<semaphore_mem>>, %arg25: memref<!tpu.dma_semaphore, #tpu.memory_space<semaphore_mem>>, %arg26: memref<!tpu.dma_semaphore, #tpu.memory_space<semaphore_mem>>, %arg27: memref<!tpu.dma_semaphore, #tpu.memory_space<semaphore_mem>>, %arg28: memref<!tpu.dma_semaphore, #tpu.memory_space<semaphore_mem>>, %arg29: memref<!tpu.dma_semaphore, #tpu.memory_space<semaphore_mem>>, %arg30: memref<!tpu.dma_semaphore, #tpu.memory_space<semaphore_mem>>, %arg31: memref<!tpu.dma_semaphore, #tpu.memory_space<semaphore_mem>>, %arg32: memref<!tpu.dma_semaphore, #tpu.memory_space<semaphore_mem>>, %arg33: memref<!tpu.dma_semaphore, #tpu.memory_space<semaphore_mem>>, %arg34: memref<!tpu.dma_semaphore, #tpu.memory_space<semaphore_mem>>, %arg35: memref<!tpu.dma_semaphore, #tpu.memory_space<semaphore_mem>>, %arg36: memref<!tpu.dma_semaphore, #tpu.memory_space<semaphore_mem>>, %arg37: memref<!tpu.dma_semaphore, #tpu.memory_space<semaphore_mem>>, %arg38: memref<!tpu.dma_semaphore, #tpu.memory_space<semaphore_mem>>, %arg39: memref<!tpu.dma_semaphore, #tpu.memory_space<semaphore_mem>>, %arg40: memref<!tpu.dma_semaphore, #tpu.memory_space<semaphore_mem>>, %arg41: memref<!tpu.dma_semaphore, #tpu.memory_space<semaphore_mem>>, %arg42: memref<!tpu.dma_semaphore, #tpu.memory_space<semaphore_mem>>, %arg43: memref<!tpu.dma_semaphore, #tpu.memory_space<semaphore_mem>>) attributes {dimension_semantics = [#tpu.dimension_semantics<core_parallel>, #tpu.dimension_semantics<subcore_parallel>], iteration_bounds = array<i64: 2, 16>, scalar_prefetch = 0 : i64, scratch_operands = 36 : i64, tpu.core_type = #tpu.core_type<sc_vector_subcore>, window_params = [{transform_indices = #map}, {transform_indices = #map}, {transform_indices = #map1}, {transform_indices = #map1}, {transform_indices = #map}, {transform_indices = #map}]} {
    %eq3A = arith.constant 0 : i32
    %eq3A_0 = arith.cmpi eq, %arg0, %eq3A : i32
    %convert_element_type3A = arith.extui %eq3A_0 : i1 to i32
    %cond3A = arith.constant 0 : i32
    %cond3A_1 = arith.cmpi ne, %convert_element_type3A, %cond3A : i32
    scf.if %cond3A_1 {
      %lt3A = arith.constant 15 : i32
      %lt3A_124 = arith.cmpi slt, %arg1, %lt3A : i32
      %convert_element_type3A_125 = arith.extui %lt3A_124 : i1 to i32
      %cond3A_126 = arith.constant 0 : i32
      %cond3A_127 = arith.cmpi ne, %convert_element_type3A_125, %cond3A_126 : i32
      scf.if %cond3A_127 {
        %mul3A_133 = arith.constant 632 : i32
        %mul3A_134 = arith.muli %arg1, %mul3A_133 : i32
        %multiple_of3A_135 = tpu.assume_multiple %mul3A_134, 8 : i32
        %mul3A_136 = arith.constant 632 : i32
        %mul3A_137 = arith.muli %arg1, %mul3A_136 : i32
        %multiple_of3A_138 = tpu.assume_multiple %mul3A_137, 8 : i32
        "tpu.region"() ({
          %run_scoped3A = tpu.sem_alloc : memref<!tpu.dma_semaphore, #tpu.memory_space<semaphore_mem>>
          %dma_start3A_139 = arith.constant 0 : i32
          %dma_start3A_140 = tpu.memref_slice %arg23[%multiple_of3A_138, %dma_start3A_139] : memref<10240x128xf32, #tpu.memory_space<vmem_shared>> -> memref<632x128xf32, #tpu.memory_space<vmem_shared>>
          %dma_start3A_141 = arith.constant 0 : i32
          %dma_start3A_142 = tpu.memref_slice %arg2[%multiple_of3A_135, %dma_start3A_141] : memref<10000x128xf32, #tpu.memory_space<hbm>> -> memref<632x128xf32, #tpu.memory_space<hbm>>
          tpu.enqueue_dma source(%dma_start3A_142 : memref<632x128xf32, #tpu.memory_space<hbm>>) target(%dma_start3A_140 : memref<632x128xf32, #tpu.memory_space<vmem_shared>>) target_semaphore(%run_scoped3A : memref<!tpu.dma_semaphore, #tpu.memory_space<semaphore_mem>>)
          %dma_wait3A_143 = arith.constant 0 : i32
          %dma_wait3A_144 = tpu.memref_slice %arg23[%multiple_of3A_138, %dma_wait3A_143] : memref<10240x128xf32, #tpu.memory_space<vmem_shared>> -> memref<632x128xf32, #tpu.memory_space<vmem_shared>>
          %dma_wait3A_145 = arith.constant 0 : i32
          %dma_wait3A_146 = tpu.memref_slice %arg2[%multiple_of3A_135, %dma_wait3A_145] : memref<10000x128xf32, #tpu.memory_space<hbm>> -> memref<632x128xf32, #tpu.memory_space<hbm>>
          tpu.wait_dma2 semaphore(%run_scoped3A : memref<!tpu.dma_semaphore, #tpu.memory_space<semaphore_mem>>) src(%dma_wait3A_146 : memref<632x128xf32, #tpu.memory_space<hbm>>) dst(%dma_wait3A_144 : memref<632x128xf32, #tpu.memory_space<vmem_shared>>)
          tpu.yield
        }) : () -> ()
      } else {
      }
      %eq3A_128 = arith.constant 15 : i32
      %eq3A_129 = arith.cmpi eq, %arg1, %eq3A_128 : i32
      %convert_element_type3A_130 = arith.extui %eq3A_129 : i1 to i32
      %cond3A_131 = arith.constant 0 : i32
      %cond3A_132 = arith.cmpi ne, %convert_element_type3A_130, %cond3A_131 : i32
      scf.if %cond3A_132 {
        "tpu.region"() ({
          %run_scoped3A = tpu.sem_alloc : memref<!tpu.dma_semaphore, #tpu.memory_space<semaphore_mem>>
          %dma_start3A_133 = arith.constant 9480 : i32
          %dma_start3A_134 = arith.constant 0 : i32
          %dma_start3A_135 = tpu.memref_slice %arg23[%dma_start3A_133, %dma_start3A_134] : memref<10240x128xf32, #tpu.memory_space<vmem_shared>> -> memref<520x128xf32, #tpu.memory_space<vmem_shared>>
          %dma_start3A_136 = arith.constant 9480 : i32
          %dma_start3A_137 = arith.constant 0 : i32
          %dma_start3A_138 = tpu.memref_slice %arg2[%dma_start3A_136, %dma_start3A_137] : memref<10000x128xf32, #tpu.memory_space<hbm>> -> memref<520x128xf32, #tpu.memory_space<hbm>>
          tpu.enqueue_dma source(%dma_start3A_138 : memref<520x128xf32, #tpu.memory_space<hbm>>) target(%dma_start3A_135 : memref<520x128xf32, #tpu.memory_space<vmem_shared>>) target_semaphore(%run_scoped3A : memref<!tpu.dma_semaphore, #tpu.memory_space<semaphore_mem>>)
          %dma_wait3A_139 = arith.constant 9480 : i32
          %dma_wait3A_140 = arith.constant 0 : i32
          %dma_wait3A_141 = tpu.memref_slice %arg23[%dma_wait3A_139, %dma_wait3A_140] : memref<10240x128xf32, #tpu.memory_space<vmem_shared>> -> memref<520x128xf32, #tpu.memory_space<vmem_shared>>
          %dma_wait3A_142 = arith.constant 9480 : i32
          %dma_wait3A_143 = arith.constant 0 : i32
          %dma_wait3A_144 = tpu.memref_slice %arg2[%dma_wait3A_142, %dma_wait3A_143] : memref<10000x128xf32, #tpu.memory_space<hbm>> -> memref<520x128xf32, #tpu.memory_space<hbm>>
          tpu.wait_dma2 semaphore(%run_scoped3A : memref<!tpu.dma_semaphore, #tpu.memory_space<semaphore_mem>>) src(%dma_wait3A_144 : memref<520x128xf32, #tpu.memory_space<hbm>>) dst(%dma_wait3A_141 : memref<520x128xf32, #tpu.memory_space<vmem_shared>>)
          tpu.yield
        }) : () -> ()
      } else {
      }
    } else {
    }
    %eq3A_2 = arith.constant 1 : i32
    %eq3A_3 = arith.cmpi eq, %arg0, %eq3A_2 : i32
    %convert_element_type3A_4 = arith.extui %eq3A_3 : i1 to i32
    %cond3A_5 = arith.constant 0 : i32
    %cond3A_6 = arith.cmpi ne, %convert_element_type3A_4, %cond3A_5 : i32
    scf.if %cond3A_6 {
      %lt3A = arith.constant 15 : i32
      %lt3A_124 = arith.cmpi slt, %arg1, %lt3A : i32
      %convert_element_type3A_125 = arith.extui %lt3A_124 : i1 to i32
      %cond3A_126 = arith.constant 0 : i32
      %cond3A_127 = arith.cmpi ne, %convert_element_type3A_125, %cond3A_126 : i32
      scf.if %cond3A_127 {
        %mul3A_133 = arith.constant 632 : i32
        %mul3A_134 = arith.muli %arg1, %mul3A_133 : i32
        %multiple_of3A_135 = tpu.assume_multiple %mul3A_134, 8 : i32
        %mul3A_136 = arith.constant 632 : i32
        %mul3A_137 = arith.muli %arg1, %mul3A_136 : i32
        %multiple_of3A_138 = tpu.assume_multiple %mul3A_137, 8 : i32
        "tpu.region"() ({
          %run_scoped3A = tpu.sem_alloc : memref<!tpu.dma_semaphore, #tpu.memory_space<semaphore_mem>>
          %dma_start3A_139 = arith.constant 0 : i32
          %dma_start3A_140 = tpu.memref_slice %arg23[%multiple_of3A_138, %dma_start3A_139] : memref<10240x128xf32, #tpu.memory_space<vmem_shared>> -> memref<632x128xf32, #tpu.memory_space<vmem_shared>>
          %dma_start3A_141 = arith.constant 0 : i32
          %dma_start3A_142 = tpu.memref_slice %arg3[%multiple_of3A_135, %dma_start3A_141] : memref<10000x128xf32, #tpu.memory_space<hbm>> -> memref<632x128xf32, #tpu.memory_space<hbm>>
          tpu.enqueue_dma source(%dma_start3A_142 : memref<632x128xf32, #tpu.memory_space<hbm>>) target(%dma_start3A_140 : memref<632x128xf32, #tpu.memory_space<vmem_shared>>) target_semaphore(%run_scoped3A : memref<!tpu.dma_semaphore, #tpu.memory_space<semaphore_mem>>)
          %dma_wait3A_143 = arith.constant 0 : i32
          %dma_wait3A_144 = tpu.memref_slice %arg23[%multiple_of3A_138, %dma_wait3A_143] : memref<10240x128xf32, #tpu.memory_space<vmem_shared>> -> memref<632x128xf32, #tpu.memory_space<vmem_shared>>
          %dma_wait3A_145 = arith.constant 0 : i32
          %dma_wait3A_146 = tpu.memref_slice %arg3[%multiple_of3A_135, %dma_wait3A_145] : memref<10000x128xf32, #tpu.memory_space<hbm>> -> memref<632x128xf32, #tpu.memory_space<hbm>>
          tpu.wait_dma2 semaphore(%run_scoped3A : memref<!tpu.dma_semaphore, #tpu.memory_space<semaphore_mem>>) src(%dma_wait3A_146 : memref<632x128xf32, #tpu.memory_space<hbm>>) dst(%dma_wait3A_144 : memref<632x128xf32, #tpu.memory_space<vmem_shared>>)
          tpu.yield
        }) : () -> ()
      } else {
      }
      %eq3A_128 = arith.constant 15 : i32
      %eq3A_129 = arith.cmpi eq, %arg1, %eq3A_128 : i32
      %convert_element_type3A_130 = arith.extui %eq3A_129 : i1 to i32
      %cond3A_131 = arith.constant 0 : i32
      %cond3A_132 = arith.cmpi ne, %convert_element_type3A_130, %cond3A_131 : i32
      scf.if %cond3A_132 {
        "tpu.region"() ({
          %run_scoped3A = tpu.sem_alloc : memref<!tpu.dma_semaphore, #tpu.memory_space<semaphore_mem>>
          %dma_start3A_133 = arith.constant 9480 : i32
          %dma_start3A_134 = arith.constant 0 : i32
          %dma_start3A_135 = tpu.memref_slice %arg23[%dma_start3A_133, %dma_start3A_134] : memref<10240x128xf32, #tpu.memory_space<vmem_shared>> -> memref<520x128xf32, #tpu.memory_space<vmem_shared>>
          %dma_start3A_136 = arith.constant 9480 : i32
          %dma_start3A_137 = arith.constant 0 : i32
          %dma_start3A_138 = tpu.memref_slice %arg3[%dma_start3A_136, %dma_start3A_137] : memref<10000x128xf32, #tpu.memory_space<hbm>> -> memref<520x128xf32, #tpu.memory_space<hbm>>
          tpu.enqueue_dma source(%dma_start3A_138 : memref<520x128xf32, #tpu.memory_space<hbm>>) target(%dma_start3A_135 : memref<520x128xf32, #tpu.memory_space<vmem_shared>>) target_semaphore(%run_scoped3A : memref<!tpu.dma_semaphore, #tpu.memory_space<semaphore_mem>>)
          %dma_wait3A_139 = arith.constant 9480 : i32
          %dma_wait3A_140 = arith.constant 0 : i32
          %dma_wait3A_141 = tpu.memref_slice %arg23[%dma_wait3A_139, %dma_wait3A_140] : memref<10240x128xf32, #tpu.memory_space<vmem_shared>> -> memref<520x128xf32, #tpu.memory_space<vmem_shared>>
          %dma_wait3A_142 = arith.constant 9480 : i32
          %dma_wait3A_143 = arith.constant 0 : i32
          %dma_wait3A_144 = tpu.memref_slice %arg3[%dma_wait3A_142, %dma_wait3A_143] : memref<10000x128xf32, #tpu.memory_space<hbm>> -> memref<520x128xf32, #tpu.memory_space<hbm>>
          tpu.wait_dma2 semaphore(%run_scoped3A : memref<!tpu.dma_semaphore, #tpu.memory_space<semaphore_mem>>) src(%dma_wait3A_144 : memref<520x128xf32, #tpu.memory_space<hbm>>) dst(%dma_wait3A_141 : memref<520x128xf32, #tpu.memory_space<vmem_shared>>)
          tpu.yield
        }) : () -> ()
      } else {
      }
    } else {
    }
    %barrier3A = arith.constant 0 : index
    tpu.barrier barrier_id(%barrier3A)
    %mul3A = arith.constant 10240 : i32
    %mul3A_7 = arith.muli %arg1, %mul3A : i32
    %add3A = arith.constant 0 : i32
    %add3A_8 = arith.addi %mul3A_7, %add3A : i32
    %multiple_of3A = tpu.assume_multiple %add3A_8, 8 : i32
    %dma_start3A = tpu.memref_slice %arg4[%multiple_of3A] : memref<163840xi32, #tpu.memory_space<hbm>> -> memref<64xi32, #tpu.memory_space<hbm>>
    %dma_start3A_9 = tpu.memref_slice %arg4[%multiple_of3A] : memref<163840xi32, #tpu.memory_space<hbm>> -> memref<64xi32, #tpu.memory_space<hbm>>
    tpu.enqueue_dma source(%dma_start3A_9 : memref<64xi32, #tpu.memory_space<hbm>>) target(%arg8 : memref<64xi32, #tpu.memory_space<vmem>>) target_semaphore(%arg24 : memref<!tpu.dma_semaphore, #tpu.memory_space<semaphore_mem>>)
    %add3A_10 = arith.constant 64 : i32
    %add3A_11 = arith.addi %mul3A_7, %add3A_10 : i32
    %multiple_of3A_12 = tpu.assume_multiple %add3A_11, 8 : i32
    %dma_start3A_13 = tpu.memref_slice %arg4[%multiple_of3A_12] : memref<163840xi32, #tpu.memory_space<hbm>> -> memref<64xi32, #tpu.memory_space<hbm>>
    %dma_start3A_14 = tpu.memref_slice %arg4[%multiple_of3A_12] : memref<163840xi32, #tpu.memory_space<hbm>> -> memref<64xi32, #tpu.memory_space<hbm>>
    tpu.enqueue_dma source(%dma_start3A_14 : memref<64xi32, #tpu.memory_space<hbm>>) target(%arg9 : memref<64xi32, #tpu.memory_space<vmem>>) target_semaphore(%arg25 : memref<!tpu.dma_semaphore, #tpu.memory_space<semaphore_mem>>)
    %add3A_15 = arith.constant 128 : i32
    %add3A_16 = arith.addi %mul3A_7, %add3A_15 : i32
    %multiple_of3A_17 = tpu.assume_multiple %add3A_16, 8 : i32
    %dma_start3A_18 = tpu.memref_slice %arg4[%multiple_of3A_17] : memref<163840xi32, #tpu.memory_space<hbm>> -> memref<64xi32, #tpu.memory_space<hbm>>
    %dma_start3A_19 = tpu.memref_slice %arg4[%multiple_of3A_17] : memref<163840xi32, #tpu.memory_space<hbm>> -> memref<64xi32, #tpu.memory_space<hbm>>
    tpu.enqueue_dma source(%dma_start3A_19 : memref<64xi32, #tpu.memory_space<hbm>>) target(%arg10 : memref<64xi32, #tpu.memory_space<vmem>>) target_semaphore(%arg26 : memref<!tpu.dma_semaphore, #tpu.memory_space<semaphore_mem>>)
    %add3A_20 = arith.constant 192 : i32
    %add3A_21 = arith.addi %mul3A_7, %add3A_20 : i32
    %multiple_of3A_22 = tpu.assume_multiple %add3A_21, 8 : i32
    %dma_start3A_23 = tpu.memref_slice %arg4[%multiple_of3A_22] : memref<163840xi32, #tpu.memory_space<hbm>> -> memref<64xi32, #tpu.memory_space<hbm>>
    %dma_start3A_24 = tpu.memref_slice %arg4[%multiple_of3A_22] : memref<163840xi32, #tpu.memory_space<hbm>> -> memref<64xi32, #tpu.memory_space<hbm>>
    tpu.enqueue_dma source(%dma_start3A_24 : memref<64xi32, #tpu.memory_space<hbm>>) target(%arg11 : memref<64xi32, #tpu.memory_space<vmem>>) target_semaphore(%arg27 : memref<!tpu.dma_semaphore, #tpu.memory_space<semaphore_mem>>)
    %add3A_25 = arith.constant 256 : i32
    %add3A_26 = arith.addi %mul3A_7, %add3A_25 : i32
    %multiple_of3A_27 = tpu.assume_multiple %add3A_26, 8 : i32
    %dma_start3A_28 = tpu.memref_slice %arg4[%multiple_of3A_27] : memref<163840xi32, #tpu.memory_space<hbm>> -> memref<64xi32, #tpu.memory_space<hbm>>
    %dma_start3A_29 = tpu.memref_slice %arg4[%multiple_of3A_27] : memref<163840xi32, #tpu.memory_space<hbm>> -> memref<64xi32, #tpu.memory_space<hbm>>
    tpu.enqueue_dma source(%dma_start3A_29 : memref<64xi32, #tpu.memory_space<hbm>>) target(%arg12 : memref<64xi32, #tpu.memory_space<vmem>>) target_semaphore(%arg28 : memref<!tpu.dma_semaphore, #tpu.memory_space<semaphore_mem>>)
    %add3A_30 = arith.constant 0 : i32
    %add3A_31 = arith.addi %mul3A_7, %add3A_30 : i32
    %multiple_of3A_32 = tpu.assume_multiple %add3A_31, 8 : i32
    %dma_start3A_33 = tpu.memref_slice %arg5[%multiple_of3A_32] : memref<163840xi32, #tpu.memory_space<hbm>> -> memref<64xi32, #tpu.memory_space<hbm>>
    %dma_start3A_34 = tpu.memref_slice %arg5[%multiple_of3A_32] : memref<163840xi32, #tpu.memory_space<hbm>> -> memref<64xi32, #tpu.memory_space<hbm>>
    tpu.enqueue_dma source(%dma_start3A_34 : memref<64xi32, #tpu.memory_space<hbm>>) target(%arg13 : memref<64xi32, #tpu.memory_space<vmem>>) target_semaphore(%arg29 : memref<!tpu.dma_semaphore, #tpu.memory_space<semaphore_mem>>)
    %add3A_35 = arith.constant 64 : i32
    %add3A_36 = arith.addi %mul3A_7, %add3A_35 : i32
    %multiple_of3A_37 = tpu.assume_multiple %add3A_36, 8 : i32
    %dma_start3A_38 = tpu.memref_slice %arg5[%multiple_of3A_37] : memref<163840xi32, #tpu.memory_space<hbm>> -> memref<64xi32, #tpu.memory_space<hbm>>
    %dma_start3A_39 = tpu.memref_slice %arg5[%multiple_of3A_37] : memref<163840xi32, #tpu.memory_space<hbm>> -> memref<64xi32, #tpu.memory_space<hbm>>
    tpu.enqueue_dma source(%dma_start3A_39 : memref<64xi32, #tpu.memory_space<hbm>>) target(%arg14 : memref<64xi32, #tpu.memory_space<vmem>>) target_semaphore(%arg30 : memref<!tpu.dma_semaphore, #tpu.memory_space<semaphore_mem>>)
    %add3A_40 = arith.constant 128 : i32
    %add3A_41 = arith.addi %mul3A_7, %add3A_40 : i32
    %multiple_of3A_42 = tpu.assume_multiple %add3A_41, 8 : i32
    %dma_start3A_43 = tpu.memref_slice %arg5[%multiple_of3A_42] : memref<163840xi32, #tpu.memory_space<hbm>> -> memref<64xi32, #tpu.memory_space<hbm>>
    %dma_start3A_44 = tpu.memref_slice %arg5[%multiple_of3A_42] : memref<163840xi32, #tpu.memory_space<hbm>> -> memref<64xi32, #tpu.memory_space<hbm>>
    tpu.enqueue_dma source(%dma_start3A_44 : memref<64xi32, #tpu.memory_space<hbm>>) target(%arg15 : memref<64xi32, #tpu.memory_space<vmem>>) target_semaphore(%arg31 : memref<!tpu.dma_semaphore, #tpu.memory_space<semaphore_mem>>)
    %add3A_45 = arith.constant 192 : i32
    %add3A_46 = arith.addi %mul3A_7, %add3A_45 : i32
    %multiple_of3A_47 = tpu.assume_multiple %add3A_46, 8 : i32
    %dma_start3A_48 = tpu.memref_slice %arg5[%multiple_of3A_47] : memref<163840xi32, #tpu.memory_space<hbm>> -> memref<64xi32, #tpu.memory_space<hbm>>
    %dma_start3A_49 = tpu.memref_slice %arg5[%multiple_of3A_47] : memref<163840xi32, #tpu.memory_space<hbm>> -> memref<64xi32, #tpu.memory_space<hbm>>
    tpu.enqueue_dma source(%dma_start3A_49 : memref<64xi32, #tpu.memory_space<hbm>>) target(%arg16 : memref<64xi32, #tpu.memory_space<vmem>>) target_semaphore(%arg32 : memref<!tpu.dma_semaphore, #tpu.memory_space<semaphore_mem>>)
    %dma_wait3A = arith.constant 0 : i32
    %dma_wait3A_50 = tpu.memref_slice %arg4[%dma_wait3A] : memref<163840xi32, #tpu.memory_space<hbm>> -> memref<64xi32, #tpu.memory_space<hbm>>
    %dma_wait3A_51 = arith.constant 0 : i32
    %dma_wait3A_52 = tpu.memref_slice %arg4[%dma_wait3A_51] : memref<163840xi32, #tpu.memory_space<hbm>> -> memref<64xi32, #tpu.memory_space<hbm>>
    tpu.wait_dma2 semaphore(%arg24 : memref<!tpu.dma_semaphore, #tpu.memory_space<semaphore_mem>>) src(%dma_wait3A_52 : memref<64xi32, #tpu.memory_space<hbm>>) dst(%arg8 : memref<64xi32, #tpu.memory_space<vmem>>)
    %eq3A_53 = arith.constant 0 : i32
    %eq3A_54 = arith.cmpi eq, %arg0, %eq3A_53 : i32
    %convert_element_type3A_55 = arith.extui %eq3A_54 : i1 to i32
    %cond3A_56 = arith.constant 0 : i32
    %cond3A_57 = arith.cmpi ne, %convert_element_type3A_55, %cond3A_56 : i32
    scf.if %cond3A_57 {
      %dma_start3A_124 = arith.constant 0 : i32
      %dma_start3A_125 = arith.constant 0 : i32
      %dma_start3A_126 = tpu.memref_slice %arg2[%dma_start3A_124, %dma_start3A_125] : memref<10000x128xf32, #tpu.memory_space<hbm>> -> memref<10000x128xf32, #tpu.memory_space<hbm>>
      tpu.enqueue_indirect_dma source(%dma_start3A_126 : memref<10000x128xf32, #tpu.memory_space<hbm>>) target(%arg18 : memref<64x128xf32, #tpu.memory_space<vmem>>) offsets(%arg8 : memref<64xi32, #tpu.memory_space<vmem>>) semaphore(%arg34 : memref<!tpu.dma_semaphore, #tpu.memory_space<semaphore_mem>>)
    } else {
    }
    %eq3A_58 = arith.constant 1 : i32
    %eq3A_59 = arith.cmpi eq, %arg0, %eq3A_58 : i32
    %convert_element_type3A_60 = arith.extui %eq3A_59 : i1 to i32
    %cond3A_61 = arith.constant 0 : i32
    %cond3A_62 = arith.cmpi ne, %convert_element_type3A_60, %cond3A_61 : i32
    scf.if %cond3A_62 {
      %dma_start3A_124 = arith.constant 0 : i32
      %dma_start3A_125 = arith.constant 0 : i32
      %dma_start3A_126 = tpu.memref_slice %arg3[%dma_start3A_124, %dma_start3A_125] : memref<10000x128xf32, #tpu.memory_space<hbm>> -> memref<10000x128xf32, #tpu.memory_space<hbm>>
      tpu.enqueue_indirect_dma source(%dma_start3A_126 : memref<10000x128xf32, #tpu.memory_space<hbm>>) target(%arg18 : memref<64x128xf32, #tpu.memory_space<vmem>>) offsets(%arg8 : memref<64xi32, #tpu.memory_space<vmem>>) semaphore(%arg34 : memref<!tpu.dma_semaphore, #tpu.memory_space<semaphore_mem>>)
    } else {
    }
    %dma_wait3A_63 = arith.constant 0 : i32
    %dma_wait3A_64 = tpu.memref_slice %arg4[%dma_wait3A_63] : memref<163840xi32, #tpu.memory_space<hbm>> -> memref<64xi32, #tpu.memory_space<hbm>>
    %dma_wait3A_65 = arith.constant 0 : i32
    %dma_wait3A_66 = tpu.memref_slice %arg4[%dma_wait3A_65] : memref<163840xi32, #tpu.memory_space<hbm>> -> memref<64xi32, #tpu.memory_space<hbm>>
    tpu.wait_dma2 semaphore(%arg25 : memref<!tpu.dma_semaphore, #tpu.memory_space<semaphore_mem>>) src(%dma_wait3A_66 : memref<64xi32, #tpu.memory_space<hbm>>) dst(%arg9 : memref<64xi32, #tpu.memory_space<vmem>>)
    %eq3A_67 = arith.constant 0 : i32
    %eq3A_68 = arith.cmpi eq, %arg0, %eq3A_67 : i32
    %convert_element_type3A_69 = arith.extui %eq3A_68 : i1 to i32
    %cond3A_70 = arith.constant 0 : i32
    %cond3A_71 = arith.cmpi ne, %convert_element_type3A_69, %cond3A_70 : i32
    scf.if %cond3A_71 {
      %dma_start3A_124 = arith.constant 0 : i32
      %dma_start3A_125 = arith.constant 0 : i32
      %dma_start3A_126 = tpu.memref_slice %arg2[%dma_start3A_124, %dma_start3A_125] : memref<10000x128xf32, #tpu.memory_space<hbm>> -> memref<10000x128xf32, #tpu.memory_space<hbm>>
      tpu.enqueue_indirect_dma source(%dma_start3A_126 : memref<10000x128xf32, #tpu.memory_space<hbm>>) target(%arg19 : memref<64x128xf32, #tpu.memory_space<vmem>>) offsets(%arg9 : memref<64xi32, #tpu.memory_space<vmem>>) semaphore(%arg35 : memref<!tpu.dma_semaphore, #tpu.memory_space<semaphore_mem>>)
    } else {
    }
    %eq3A_72 = arith.constant 1 : i32
    %eq3A_73 = arith.cmpi eq, %arg0, %eq3A_72 : i32
    %convert_element_type3A_74 = arith.extui %eq3A_73 : i1 to i32
    %cond3A_75 = arith.constant 0 : i32
    %cond3A_76 = arith.cmpi ne, %convert_element_type3A_74, %cond3A_75 : i32
    scf.if %cond3A_76 {
      %dma_start3A_124 = arith.constant 0 : i32
      %dma_start3A_125 = arith.constant 0 : i32
      %dma_start3A_126 = tpu.memref_slice %arg3[%dma_start3A_124, %dma_start3A_125] : memref<10000x128xf32, #tpu.memory_space<hbm>> -> memref<10000x128xf32, #tpu.memory_space<hbm>>
      tpu.enqueue_indirect_dma source(%dma_start3A_126 : memref<10000x128xf32, #tpu.memory_space<hbm>>) target(%arg19 : memref<64x128xf32, #tpu.memory_space<vmem>>) offsets(%arg9 : memref<64xi32, #tpu.memory_space<vmem>>) semaphore(%arg35 : memref<!tpu.dma_semaphore, #tpu.memory_space<semaphore_mem>>)
    } else {
    }
    %dma_wait3A_77 = arith.constant 0 : i32
    %dma_wait3A_78 = tpu.memref_slice %arg4[%dma_wait3A_77] : memref<163840xi32, #tpu.memory_space<hbm>> -> memref<64xi32, #tpu.memory_space<hbm>>
    %dma_wait3A_79 = arith.constant 0 : i32
    %dma_wait3A_80 = tpu.memref_slice %arg4[%dma_wait3A_79] : memref<163840xi32, #tpu.memory_space<hbm>> -> memref<64xi32, #tpu.memory_space<hbm>>
    tpu.wait_dma2 semaphore(%arg26 : memref<!tpu.dma_semaphore, #tpu.memory_space<semaphore_mem>>) src(%dma_wait3A_80 : memref<64xi32, #tpu.memory_space<hbm>>) dst(%arg10 : memref<64xi32, #tpu.memory_space<vmem>>)
    %eq3A_81 = arith.constant 0 : i32
    %eq3A_82 = arith.cmpi eq, %arg0, %eq3A_81 : i32
    %convert_element_type3A_83 = arith.extui %eq3A_82 : i1 to i32
    %cond3A_84 = arith.constant 0 : i32
    %cond3A_85 = arith.cmpi ne, %convert_element_type3A_83, %cond3A_84 : i32
    scf.if %cond3A_85 {
      %dma_start3A_124 = arith.constant 0 : i32
      %dma_start3A_125 = arith.constant 0 : i32
      %dma_start3A_126 = tpu.memref_slice %arg2[%dma_start3A_124, %dma_start3A_125] : memref<10000x128xf32, #tpu.memory_space<hbm>> -> memref<10000x128xf32, #tpu.memory_space<hbm>>
      tpu.enqueue_indirect_dma source(%dma_start3A_126 : memref<10000x128xf32, #tpu.memory_space<hbm>>) target(%arg20 : memref<64x128xf32, #tpu.memory_space<vmem>>) offsets(%arg10 : memref<64xi32, #tpu.memory_space<vmem>>) semaphore(%arg36 : memref<!tpu.dma_semaphore, #tpu.memory_space<semaphore_mem>>)
    } else {
    }
    %eq3A_86 = arith.constant 1 : i32
    %eq3A_87 = arith.cmpi eq, %arg0, %eq3A_86 : i32
    %convert_element_type3A_88 = arith.extui %eq3A_87 : i1 to i32
    %cond3A_89 = arith.constant 0 : i32
    %cond3A_90 = arith.cmpi ne, %convert_element_type3A_88, %cond3A_89 : i32
    scf.if %cond3A_90 {
      %dma_start3A_124 = arith.constant 0 : i32
      %dma_start3A_125 = arith.constant 0 : i32
      %dma_start3A_126 = tpu.memref_slice %arg3[%dma_start3A_124, %dma_start3A_125] : memref<10000x128xf32, #tpu.memory_space<hbm>> -> memref<10000x128xf32, #tpu.memory_space<hbm>>
      tpu.enqueue_indirect_dma source(%dma_start3A_126 : memref<10000x128xf32, #tpu.memory_space<hbm>>) target(%arg20 : memref<64x128xf32, #tpu.memory_space<vmem>>) offsets(%arg10 : memref<64xi32, #tpu.memory_space<vmem>>) semaphore(%arg36 : memref<!tpu.dma_semaphore, #tpu.memory_space<semaphore_mem>>)
    } else {
    }
    %dma_wait3A_91 = arith.constant 0 : i32
    %dma_wait3A_92 = tpu.memref_slice %arg4[%dma_wait3A_91] : memref<163840xi32, #tpu.memory_space<hbm>> -> memref<64xi32, #tpu.memory_space<hbm>>
    %dma_wait3A_93 = arith.constant 0 : i32
    %dma_wait3A_94 = tpu.memref_slice %arg4[%dma_wait3A_93] : memref<163840xi32, #tpu.memory_space<hbm>> -> memref<64xi32, #tpu.memory_space<hbm>>
    tpu.wait_dma2 semaphore(%arg27 : memref<!tpu.dma_semaphore, #tpu.memory_space<semaphore_mem>>) src(%dma_wait3A_94 : memref<64xi32, #tpu.memory_space<hbm>>) dst(%arg11 : memref<64xi32, #tpu.memory_space<vmem>>)
    %eq3A_95 = arith.constant 0 : i32
    %eq3A_96 = arith.cmpi eq, %arg0, %eq3A_95 : i32
    %convert_element_type3A_97 = arith.extui %eq3A_96 : i1 to i32
    %cond3A_98 = arith.constant 0 : i32
    %cond3A_99 = arith.cmpi ne, %convert_element_type3A_97, %cond3A_98 : i32
    scf.if %cond3A_99 {
      %dma_start3A_124 = arith.constant 0 : i32
      %dma_start3A_125 = arith.constant 0 : i32
      %dma_start3A_126 = tpu.memref_slice %arg2[%dma_start3A_124, %dma_start3A_125] : memref<10000x128xf32, #tpu.memory_space<hbm>> -> memref<10000x128xf32, #tpu.memory_space<hbm>>
      tpu.enqueue_indirect_dma source(%dma_start3A_126 : memref<10000x128xf32, #tpu.memory_space<hbm>>) target(%arg21 : memref<64x128xf32, #tpu.memory_space<vmem>>) offsets(%arg11 : memref<64xi32, #tpu.memory_space<vmem>>) semaphore(%arg37 : memref<!tpu.dma_semaphore, #tpu.memory_space<semaphore_mem>>)
    } else {
    }
    %eq3A_100 = arith.constant 1 : i32
    %eq3A_101 = arith.cmpi eq, %arg0, %eq3A_100 : i32
    %convert_element_type3A_102 = arith.extui %eq3A_101 : i1 to i32
    %cond3A_103 = arith.constant 0 : i32
    %cond3A_104 = arith.cmpi ne, %convert_element_type3A_102, %cond3A_103 : i32
    scf.if %cond3A_104 {
      %dma_start3A_124 = arith.constant 0 : i32
      %dma_start3A_125 = arith.constant 0 : i32
      %dma_start3A_126 = tpu.memref_slice %arg3[%dma_start3A_124, %dma_start3A_125] : memref<10000x128xf32, #tpu.memory_space<hbm>> -> memref<10000x128xf32, #tpu.memory_space<hbm>>
      tpu.enqueue_indirect_dma source(%dma_start3A_126 : memref<10000x128xf32, #tpu.memory_space<hbm>>) target(%arg21 : memref<64x128xf32, #tpu.memory_space<vmem>>) offsets(%arg11 : memref<64xi32, #tpu.memory_space<vmem>>) semaphore(%arg37 : memref<!tpu.dma_semaphore, #tpu.memory_space<semaphore_mem>>)
    } else {
    }
    %scan3A = arith.constant 0 : i32
    %scan3A_105 = arith.constant 0 : i32
    %scan3A_106 = arith.constant 32 : i32
    %scan3A_107 = arith.addi %scan3A_105, %scan3A_106 : i32
    %scan3A_108 = arith.constant 1 : i32
    scf.for %scan3A_124 = %scan3A_105 to %scan3A_107 step %scan3A_108  : i32 {
      %mul3A_125 = arith.constant 5 : i32
      %mul3A_126 = arith.muli %mul3A_125, %scan3A_124 : i32
      %add3A_127 = arith.constant 0 : i32
      %add3A_128 = arith.addi %mul3A_126, %add3A_127 : i32
      %dma_wait3A_129 = arith.constant 0 : i32
      %dma_wait3A_130 = arith.constant 0 : i32
      %dma_wait3A_131 = tpu.memref_slice %arg2[%dma_wait3A_129, %dma_wait3A_130] : memref<10000x128xf32, #tpu.memory_space<hbm>> -> memref<10000x128xf32, #tpu.memory_space<hbm>>
      tpu.wait_indirect_dma semaphore(%arg34 : memref<!tpu.dma_semaphore, #tpu.memory_space<semaphore_mem>>) src(%dma_wait3A_131 : memref<10000x128xf32, #tpu.memory_space<hbm>>) dst(%arg18 : memref<64x128xf32, #tpu.memory_space<vmem>>)
      %dma_wait3A_132 = arith.constant 0 : i32
      %dma_wait3A_133 = tpu.memref_slice %arg5[%dma_wait3A_132] : memref<163840xi32, #tpu.memory_space<hbm>> -> memref<64xi32, #tpu.memory_space<hbm>>
      %dma_wait3A_134 = arith.constant 0 : i32
      %dma_wait3A_135 = tpu.memref_slice %arg5[%dma_wait3A_134] : memref<163840xi32, #tpu.memory_space<hbm>> -> memref<64xi32, #tpu.memory_space<hbm>>
      tpu.wait_dma2 semaphore(%arg29 : memref<!tpu.dma_semaphore, #tpu.memory_space<semaphore_mem>>) src(%dma_wait3A_135 : memref<64xi32, #tpu.memory_space<hbm>>) dst(%arg13 : memref<64xi32, #tpu.memory_space<vmem>>)
      %dma_start3A_136 = arith.constant 0 : i32
      %dma_start3A_137 = arith.constant 0 : i32
      %dma_start3A_138 = tpu.memref_slice %arg23[%dma_start3A_136, %dma_start3A_137] : memref<10240x128xf32, #tpu.memory_space<vmem_shared>> -> memref<10240x128xf32, #tpu.memory_space<vmem_shared>>
      tpu.enqueue_indirect_dma source(%arg18 : memref<64x128xf32, #tpu.memory_space<vmem>>) target(%dma_start3A_138 : memref<10240x128xf32, #tpu.memory_space<vmem_shared>>) offsets(%arg13 : memref<64xi32, #tpu.memory_space<vmem>>) semaphore(%arg39 : memref<!tpu.dma_semaphore, #tpu.memory_space<semaphore_mem>>) {add = true}
      %ge3A = arith.constant 1 : i32
      %ge3A_139 = arith.cmpi sge, %add3A_128, %ge3A : i32
      %convert_element_type3A_140 = arith.extui %ge3A_139 : i1 to i32
      %cond3A_141 = arith.constant 0 : i32
      %cond3A_142 = arith.cmpi ne, %convert_element_type3A_140, %cond3A_141 : i32
      scf.if %cond3A_142 {
        %dma_wait3A_297 = arith.constant 0 : i32
        %dma_wait3A_298 = arith.constant 0 : i32
        %dma_wait3A_299 = tpu.memref_slice %arg23[%dma_wait3A_297, %dma_wait3A_298] : memref<10240x128xf32, #tpu.memory_space<vmem_shared>> -> memref<10240x128xf32, #tpu.memory_space<vmem_shared>>
        tpu.wait_indirect_dma semaphore(%arg43 : memref<!tpu.dma_semaphore, #tpu.memory_space<semaphore_mem>>) src(%arg22 : memref<64x128xf32, #tpu.memory_space<vmem>>) dst(%dma_wait3A_299 : memref<10240x128xf32, #tpu.memory_space<vmem_shared>>)
      } else {
      }
      %add3A_143 = arith.constant 5 : i32
      %add3A_144 = arith.addi %add3A_128, %add3A_143 : i32
      %sub3A = arith.constant 1 : i32
      %sub3A_145 = arith.subi %add3A_144, %sub3A : i32
      %lt3A = arith.constant 160 : i32
      %lt3A_146 = arith.cmpi slt, %sub3A_145, %lt3A : i32
      %convert_element_type3A_147 = arith.extui %lt3A_146 : i1 to i32
      %cond3A_148 = arith.constant 0 : i32
      %cond3A_149 = arith.cmpi ne, %convert_element_type3A_147, %cond3A_148 : i32
      scf.if %cond3A_149 {
        %dma_wait3A_297 = arith.constant 0 : i32
        %dma_wait3A_298 = tpu.memref_slice %arg4[%dma_wait3A_297] : memref<163840xi32, #tpu.memory_space<hbm>> -> memref<64xi32, #tpu.memory_space<hbm>>
        %dma_wait3A_299 = arith.constant 0 : i32
        %dma_wait3A_300 = tpu.memref_slice %arg4[%dma_wait3A_299] : memref<163840xi32, #tpu.memory_space<hbm>> -> memref<64xi32, #tpu.memory_space<hbm>>
        tpu.wait_dma2 semaphore(%arg28 : memref<!tpu.dma_semaphore, #tpu.memory_space<semaphore_mem>>) src(%dma_wait3A_300 : memref<64xi32, #tpu.memory_space<hbm>>) dst(%arg12 : memref<64xi32, #tpu.memory_space<vmem>>)
        %eq3A_301 = arith.constant 0 : i32
        %eq3A_302 = arith.cmpi eq, %arg0, %eq3A_301 : i32
        %convert_element_type3A_303 = arith.extui %eq3A_302 : i1 to i32
        %cond3A_304 = arith.constant 0 : i32
        %cond3A_305 = arith.cmpi ne, %convert_element_type3A_303, %cond3A_304 : i32
        scf.if %cond3A_305 {
          %dma_start3A_321 = arith.constant 0 : i32
          %dma_start3A_322 = arith.constant 0 : i32
          %dma_start3A_323 = tpu.memref_slice %arg2[%dma_start3A_321, %dma_start3A_322] : memref<10000x128xf32, #tpu.memory_space<hbm>> -> memref<10000x128xf32, #tpu.memory_space<hbm>>
          tpu.enqueue_indirect_dma source(%dma_start3A_323 : memref<10000x128xf32, #tpu.memory_space<hbm>>) target(%arg22 : memref<64x128xf32, #tpu.memory_space<vmem>>) offsets(%arg12 : memref<64xi32, #tpu.memory_space<vmem>>) semaphore(%arg38 : memref<!tpu.dma_semaphore, #tpu.memory_space<semaphore_mem>>)
        } else {
        }
        %eq3A_306 = arith.constant 1 : i32
        %eq3A_307 = arith.cmpi eq, %arg0, %eq3A_306 : i32
        %convert_element_type3A_308 = arith.extui %eq3A_307 : i1 to i32
        %cond3A_309 = arith.constant 0 : i32
        %cond3A_310 = arith.cmpi ne, %convert_element_type3A_308, %cond3A_309 : i32
        scf.if %cond3A_310 {
          %dma_start3A_321 = arith.constant 0 : i32
          %dma_start3A_322 = arith.constant 0 : i32
          %dma_start3A_323 = tpu.memref_slice %arg3[%dma_start3A_321, %dma_start3A_322] : memref<10000x128xf32, #tpu.memory_space<hbm>> -> memref<10000x128xf32, #tpu.memory_space<hbm>>
          tpu.enqueue_indirect_dma source(%dma_start3A_323 : memref<10000x128xf32, #tpu.memory_space<hbm>>) target(%arg22 : memref<64x128xf32, #tpu.memory_space<vmem>>) offsets(%arg12 : memref<64xi32, #tpu.memory_space<vmem>>) semaphore(%arg38 : memref<!tpu.dma_semaphore, #tpu.memory_space<semaphore_mem>>)
        } else {
        }
        %add3A_311 = arith.constant 5 : i32
        %add3A_312 = arith.addi %add3A_128, %add3A_311 : i32
        %sub3A_313 = arith.constant 1 : i32
        %sub3A_314 = arith.subi %add3A_312, %sub3A_313 : i32
        %mul3A_315 = arith.constant 64 : i32
        %mul3A_316 = arith.muli %sub3A_314, %mul3A_315 : i32
        %add3A_317 = arith.addi %mul3A_7, %mul3A_316 : i32
        %multiple_of3A_318 = tpu.assume_multiple %add3A_317, 8 : i32
        %dma_start3A_319 = tpu.memref_slice %arg5[%multiple_of3A_318] : memref<163840xi32, #tpu.memory_space<hbm>> -> memref<64xi32, #tpu.memory_space<hbm>>
        %dma_start3A_320 = tpu.memref_slice %arg5[%multiple_of3A_318] : memref<163840xi32, #tpu.memory_space<hbm>> -> memref<64xi32, #tpu.memory_space<hbm>>
        tpu.enqueue_dma source(%dma_start3A_320 : memref<64xi32, #tpu.memory_space<hbm>>) target(%arg17 : memref<64xi32, #tpu.memory_space<vmem>>) target_semaphore(%arg33 : memref<!tpu.dma_semaphore, #tpu.memory_space<semaphore_mem>>)
      } else {
      }
      %add3A_150 = arith.constant 5 : i32
      %add3A_151 = arith.addi %add3A_128, %add3A_150 : i32
      %lt3A_152 = arith.constant 160 : i32
      %lt3A_153 = arith.cmpi slt, %add3A_151, %lt3A_152 : i32
      %convert_element_type3A_154 = arith.extui %lt3A_153 : i1 to i32
      %cond3A_155 = arith.constant 0 : i32
      %cond3A_156 = arith.cmpi ne, %convert_element_type3A_154, %cond3A_155 : i32
      scf.if %cond3A_156 {
        %add3A_297 = arith.constant 5 : i32
        %add3A_298 = arith.addi %add3A_128, %add3A_297 : i32
        %mul3A_299 = arith.constant 64 : i32
        %mul3A_300 = arith.muli %add3A_298, %mul3A_299 : i32
        %add3A_301 = arith.addi %mul3A_7, %mul3A_300 : i32
        %multiple_of3A_302 = tpu.assume_multiple %add3A_301, 8 : i32
        %dma_start3A_303 = tpu.memref_slice %arg4[%multiple_of3A_302] : memref<163840xi32, #tpu.memory_space<hbm>> -> memref<64xi32, #tpu.memory_space<hbm>>
        %dma_start3A_304 = tpu.memref_slice %arg4[%multiple_of3A_302] : memref<163840xi32, #tpu.memory_space<hbm>> -> memref<64xi32, #tpu.memory_space<hbm>>
        tpu.enqueue_dma source(%dma_start3A_304 : memref<64xi32, #tpu.memory_space<hbm>>) target(%arg8 : memref<64xi32, #tpu.memory_space<vmem>>) target_semaphore(%arg24 : memref<!tpu.dma_semaphore, #tpu.memory_space<semaphore_mem>>)
      } else {
      }
      %mul3A_157 = arith.constant 5 : i32
      %mul3A_158 = arith.muli %mul3A_157, %scan3A_124 : i32
      %add3A_159 = arith.constant 1 : i32
      %add3A_160 = arith.addi %mul3A_158, %add3A_159 : i32
      %dma_wait3A_161 = arith.constant 0 : i32
      %dma_wait3A_162 = arith.constant 0 : i32
      %dma_wait3A_163 = tpu.memref_slice %arg2[%dma_wait3A_161, %dma_wait3A_162] : memref<10000x128xf32, #tpu.memory_space<hbm>> -> memref<10000x128xf32, #tpu.memory_space<hbm>>
      tpu.wait_indirect_dma semaphore(%arg35 : memref<!tpu.dma_semaphore, #tpu.memory_space<semaphore_mem>>) src(%dma_wait3A_163 : memref<10000x128xf32, #tpu.memory_space<hbm>>) dst(%arg19 : memref<64x128xf32, #tpu.memory_space<vmem>>)
      %dma_wait3A_164 = arith.constant 0 : i32
      %dma_wait3A_165 = tpu.memref_slice %arg5[%dma_wait3A_164] : memref<163840xi32, #tpu.memory_space<hbm>> -> memref<64xi32, #tpu.memory_space<hbm>>
      %dma_wait3A_166 = arith.constant 0 : i32
      %dma_wait3A_167 = tpu.memref_slice %arg5[%dma_wait3A_166] : memref<163840xi32, #tpu.memory_space<hbm>> -> memref<64xi32, #tpu.memory_space<hbm>>
      tpu.wait_dma2 semaphore(%arg30 : memref<!tpu.dma_semaphore, #tpu.memory_space<semaphore_mem>>) src(%dma_wait3A_167 : memref<64xi32, #tpu.memory_space<hbm>>) dst(%arg14 : memref<64xi32, #tpu.memory_space<vmem>>)
      %dma_start3A_168 = arith.constant 0 : i32
      %dma_start3A_169 = arith.constant 0 : i32
      %dma_start3A_170 = tpu.memref_slice %arg23[%dma_start3A_168, %dma_start3A_169] : memref<10240x128xf32, #tpu.memory_space<vmem_shared>> -> memref<10240x128xf32, #tpu.memory_space<vmem_shared>>
      tpu.enqueue_indirect_dma source(%arg19 : memref<64x128xf32, #tpu.memory_space<vmem>>) target(%dma_start3A_170 : memref<10240x128xf32, #tpu.memory_space<vmem_shared>>) offsets(%arg14 : memref<64xi32, #tpu.memory_space<vmem>>) semaphore(%arg40 : memref<!tpu.dma_semaphore, #tpu.memory_space<semaphore_mem>>) {add = true}
      %ge3A_171 = arith.constant 1 : i32
      %ge3A_172 = arith.cmpi sge, %add3A_160, %ge3A_171 : i32
      %convert_element_type3A_173 = arith.extui %ge3A_172 : i1 to i32
      %cond3A_174 = arith.constant 0 : i32
      %cond3A_175 = arith.cmpi ne, %convert_element_type3A_173, %cond3A_174 : i32
      scf.if %cond3A_175 {
        %dma_wait3A_297 = arith.constant 0 : i32
        %dma_wait3A_298 = arith.constant 0 : i32
        %dma_wait3A_299 = tpu.memref_slice %arg23[%dma_wait3A_297, %dma_wait3A_298] : memref<10240x128xf32, #tpu.memory_space<vmem_shared>> -> memref<10240x128xf32, #tpu.memory_space<vmem_shared>>
        tpu.wait_indirect_dma semaphore(%arg39 : memref<!tpu.dma_semaphore, #tpu.memory_space<semaphore_mem>>) src(%arg18 : memref<64x128xf32, #tpu.memory_space<vmem>>) dst(%dma_wait3A_299 : memref<10240x128xf32, #tpu.memory_space<vmem_shared>>)
      } else {
      }
      %add3A_176 = arith.constant 5 : i32
      %add3A_177 = arith.addi %add3A_160, %add3A_176 : i32
      %sub3A_178 = arith.constant 1 : i32
      %sub3A_179 = arith.subi %add3A_177, %sub3A_178 : i32
      %lt3A_180 = arith.constant 160 : i32
      %lt3A_181 = arith.cmpi slt, %sub3A_179, %lt3A_180 : i32
      %convert_element_type3A_182 = arith.extui %lt3A_181 : i1 to i32
      %cond3A_183 = arith.constant 0 : i32
      %cond3A_184 = arith.cmpi ne, %convert_element_type3A_182, %cond3A_183 : i32
      scf.if %cond3A_184 {
        %dma_wait3A_297 = arith.constant 0 : i32
        %dma_wait3A_298 = tpu.memref_slice %arg4[%dma_wait3A_297] : memref<163840xi32, #tpu.memory_space<hbm>> -> memref<64xi32, #tpu.memory_space<hbm>>
        %dma_wait3A_299 = arith.constant 0 : i32
        %dma_wait3A_300 = tpu.memref_slice %arg4[%dma_wait3A_299] : memref<163840xi32, #tpu.memory_space<hbm>> -> memref<64xi32, #tpu.memory_space<hbm>>
        tpu.wait_dma2 semaphore(%arg24 : memref<!tpu.dma_semaphore, #tpu.memory_space<semaphore_mem>>) src(%dma_wait3A_300 : memref<64xi32, #tpu.memory_space<hbm>>) dst(%arg8 : memref<64xi32, #tpu.memory_space<vmem>>)
        %eq3A_301 = arith.constant 0 : i32
        %eq3A_302 = arith.cmpi eq, %arg0, %eq3A_301 : i32
        %convert_element_type3A_303 = arith.extui %eq3A_302 : i1 to i32
        %cond3A_304 = arith.constant 0 : i32
        %cond3A_305 = arith.cmpi ne, %convert_element_type3A_303, %cond3A_304 : i32
        scf.if %cond3A_305 {
          %dma_start3A_321 = arith.constant 0 : i32
          %dma_start3A_322 = arith.constant 0 : i32
          %dma_start3A_323 = tpu.memref_slice %arg2[%dma_start3A_321, %dma_start3A_322] : memref<10000x128xf32, #tpu.memory_space<hbm>> -> memref<10000x128xf32, #tpu.memory_space<hbm>>
          tpu.enqueue_indirect_dma source(%dma_start3A_323 : memref<10000x128xf32, #tpu.memory_space<hbm>>) target(%arg18 : memref<64x128xf32, #tpu.memory_space<vmem>>) offsets(%arg8 : memref<64xi32, #tpu.memory_space<vmem>>) semaphore(%arg34 : memref<!tpu.dma_semaphore, #tpu.memory_space<semaphore_mem>>)
        } else {
        }
        %eq3A_306 = arith.constant 1 : i32
        %eq3A_307 = arith.cmpi eq, %arg0, %eq3A_306 : i32
        %convert_element_type3A_308 = arith.extui %eq3A_307 : i1 to i32
        %cond3A_309 = arith.constant 0 : i32
        %cond3A_310 = arith.cmpi ne, %convert_element_type3A_308, %cond3A_309 : i32
        scf.if %cond3A_310 {
          %dma_start3A_321 = arith.constant 0 : i32
          %dma_start3A_322 = arith.constant 0 : i32
          %dma_start3A_323 = tpu.memref_slice %arg3[%dma_start3A_321, %dma_start3A_322] : memref<10000x128xf32, #tpu.memory_space<hbm>> -> memref<10000x128xf32, #tpu.memory_space<hbm>>
          tpu.enqueue_indirect_dma source(%dma_start3A_323 : memref<10000x128xf32, #tpu.memory_space<hbm>>) target(%arg18 : memref<64x128xf32, #tpu.memory_space<vmem>>) offsets(%arg8 : memref<64xi32, #tpu.memory_space<vmem>>) semaphore(%arg34 : memref<!tpu.dma_semaphore, #tpu.memory_space<semaphore_mem>>)
        } else {
        }
        %add3A_311 = arith.constant 5 : i32
        %add3A_312 = arith.addi %add3A_160, %add3A_311 : i32
        %sub3A_313 = arith.constant 1 : i32
        %sub3A_314 = arith.subi %add3A_312, %sub3A_313 : i32
        %mul3A_315 = arith.constant 64 : i32
        %mul3A_316 = arith.muli %sub3A_314, %mul3A_315 : i32
        %add3A_317 = arith.addi %mul3A_7, %mul3A_316 : i32
        %multiple_of3A_318 = tpu.assume_multiple %add3A_317, 8 : i32
        %dma_start3A_319 = tpu.memref_slice %arg5[%multiple_of3A_318] : memref<163840xi32, #tpu.memory_space<hbm>> -> memref<64xi32, #tpu.memory_space<hbm>>
        %dma_start3A_320 = tpu.memref_slice %arg5[%multiple_of3A_318] : memref<163840xi32, #tpu.memory_space<hbm>> -> memref<64xi32, #tpu.memory_space<hbm>>
        tpu.enqueue_dma source(%dma_start3A_320 : memref<64xi32, #tpu.memory_space<hbm>>) target(%arg13 : memref<64xi32, #tpu.memory_space<vmem>>) target_semaphore(%arg29 : memref<!tpu.dma_semaphore, #tpu.memory_space<semaphore_mem>>)
      } else {
      }
      %add3A_185 = arith.constant 5 : i32
      %add3A_186 = arith.addi %add3A_160, %add3A_185 : i32
      %lt3A_187 = arith.constant 160 : i32
      %lt3A_188 = arith.cmpi slt, %add3A_186, %lt3A_187 : i32
      %convert_element_type3A_189 = arith.extui %lt3A_188 : i1 to i32
      %cond3A_190 = arith.constant 0 : i32
      %cond3A_191 = arith.cmpi ne, %convert_element_type3A_189, %cond3A_190 : i32
      scf.if %cond3A_191 {
        %add3A_297 = arith.constant 5 : i32
        %add3A_298 = arith.addi %add3A_160, %add3A_297 : i32
        %mul3A_299 = arith.constant 64 : i32
        %mul3A_300 = arith.muli %add3A_298, %mul3A_299 : i32
        %add3A_301 = arith.addi %mul3A_7, %mul3A_300 : i32
        %multiple_of3A_302 = tpu.assume_multiple %add3A_301, 8 : i32
        %dma_start3A_303 = tpu.memref_slice %arg4[%multiple_of3A_302] : memref<163840xi32, #tpu.memory_space<hbm>> -> memref<64xi32, #tpu.memory_space<hbm>>
        %dma_start3A_304 = tpu.memref_slice %arg4[%multiple_of3A_302] : memref<163840xi32, #tpu.memory_space<hbm>> -> memref<64xi32, #tpu.memory_space<hbm>>
        tpu.enqueue_dma source(%dma_start3A_304 : memref<64xi32, #tpu.memory_space<hbm>>) target(%arg9 : memref<64xi32, #tpu.memory_space<vmem>>) target_semaphore(%arg25 : memref<!tpu.dma_semaphore, #tpu.memory_space<semaphore_mem>>)
      } else {
      }
      %mul3A_192 = arith.constant 5 : i32
      %mul3A_193 = arith.muli %mul3A_192, %scan3A_124 : i32
      %add3A_194 = arith.constant 2 : i32
      %add3A_195 = arith.addi %mul3A_193, %add3A_194 : i32
      %dma_wait3A_196 = arith.constant 0 : i32
      %dma_wait3A_197 = arith.constant 0 : i32
      %dma_wait3A_198 = tpu.memref_slice %arg2[%dma_wait3A_196, %dma_wait3A_197] : memref<10000x128xf32, #tpu.memory_space<hbm>> -> memref<10000x128xf32, #tpu.memory_space<hbm>>
      tpu.wait_indirect_dma semaphore(%arg36 : memref<!tpu.dma_semaphore, #tpu.memory_space<semaphore_mem>>) src(%dma_wait3A_198 : memref<10000x128xf32, #tpu.memory_space<hbm>>) dst(%arg20 : memref<64x128xf32, #tpu.memory_space<vmem>>)
      %dma_wait3A_199 = arith.constant 0 : i32
      %dma_wait3A_200 = tpu.memref_slice %arg5[%dma_wait3A_199] : memref<163840xi32, #tpu.memory_space<hbm>> -> memref<64xi32, #tpu.memory_space<hbm>>
      %dma_wait3A_201 = arith.constant 0 : i32
      %dma_wait3A_202 = tpu.memref_slice %arg5[%dma_wait3A_201] : memref<163840xi32, #tpu.memory_space<hbm>> -> memref<64xi32, #tpu.memory_space<hbm>>
      tpu.wait_dma2 semaphore(%arg31 : memref<!tpu.dma_semaphore, #tpu.memory_space<semaphore_mem>>) src(%dma_wait3A_202 : memref<64xi32, #tpu.memory_space<hbm>>) dst(%arg15 : memref<64xi32, #tpu.memory_space<vmem>>)
      %dma_start3A_203 = arith.constant 0 : i32
      %dma_start3A_204 = arith.constant 0 : i32
      %dma_start3A_205 = tpu.memref_slice %arg23[%dma_start3A_203, %dma_start3A_204] : memref<10240x128xf32, #tpu.memory_space<vmem_shared>> -> memref<10240x128xf32, #tpu.memory_space<vmem_shared>>
      tpu.enqueue_indirect_dma source(%arg20 : memref<64x128xf32, #tpu.memory_space<vmem>>) target(%dma_start3A_205 : memref<10240x128xf32, #tpu.memory_space<vmem_shared>>) offsets(%arg15 : memref<64xi32, #tpu.memory_space<vmem>>) semaphore(%arg41 : memref<!tpu.dma_semaphore, #tpu.memory_space<semaphore_mem>>) {add = true}
      %ge3A_206 = arith.constant 1 : i32
      %ge3A_207 = arith.cmpi sge, %add3A_195, %ge3A_206 : i32
      %convert_element_type3A_208 = arith.extui %ge3A_207 : i1 to i32
      %cond3A_209 = arith.constant 0 : i32
      %cond3A_210 = arith.cmpi ne, %convert_element_type3A_208, %cond3A_209 : i32
      scf.if %cond3A_210 {
        %dma_wait3A_297 = arith.constant 0 : i32
        %dma_wait3A_298 = arith.constant 0 : i32
        %dma_wait3A_299 = tpu.memref_slice %arg23[%dma_wait3A_297, %dma_wait3A_298] : memref<10240x128xf32, #tpu.memory_space<vmem_shared>> -> memref<10240x128xf32, #tpu.memory_space<vmem_shared>>
        tpu.wait_indirect_dma semaphore(%arg40 : memref<!tpu.dma_semaphore, #tpu.memory_space<semaphore_mem>>) src(%arg19 : memref<64x128xf32, #tpu.memory_space<vmem>>) dst(%dma_wait3A_299 : memref<10240x128xf32, #tpu.memory_space<vmem_shared>>)
      } else {
      }
      %add3A_211 = arith.constant 5 : i32
      %add3A_212 = arith.addi %add3A_195, %add3A_211 : i32
      %sub3A_213 = arith.constant 1 : i32
      %sub3A_214 = arith.subi %add3A_212, %sub3A_213 : i32
      %lt3A_215 = arith.constant 160 : i32
      %lt3A_216 = arith.cmpi slt, %sub3A_214, %lt3A_215 : i32
      %convert_element_type3A_217 = arith.extui %lt3A_216 : i1 to i32
      %cond3A_218 = arith.constant 0 : i32
      %cond3A_219 = arith.cmpi ne, %convert_element_type3A_217, %cond3A_218 : i32
      scf.if %cond3A_219 {
        %dma_wait3A_297 = arith.constant 0 : i32
        %dma_wait3A_298 = tpu.memref_slice %arg4[%dma_wait3A_297] : memref<163840xi32, #tpu.memory_space<hbm>> -> memref<64xi32, #tpu.memory_space<hbm>>
        %dma_wait3A_299 = arith.constant 0 : i32
        %dma_wait3A_300 = tpu.memref_slice %arg4[%dma_wait3A_299] : memref<163840xi32, #tpu.memory_space<hbm>> -> memref<64xi32, #tpu.memory_space<hbm>>
        tpu.wait_dma2 semaphore(%arg25 : memref<!tpu.dma_semaphore, #tpu.memory_space<semaphore_mem>>) src(%dma_wait3A_300 : memref<64xi32, #tpu.memory_space<hbm>>) dst(%arg9 : memref<64xi32, #tpu.memory_space<vmem>>)
        %eq3A_301 = arith.constant 0 : i32
        %eq3A_302 = arith.cmpi eq, %arg0, %eq3A_301 : i32
        %convert_element_type3A_303 = arith.extui %eq3A_302 : i1 to i32
        %cond3A_304 = arith.constant 0 : i32
        %cond3A_305 = arith.cmpi ne, %convert_element_type3A_303, %cond3A_304 : i32
        scf.if %cond3A_305 {
          %dma_start3A_321 = arith.constant 0 : i32
          %dma_start3A_322 = arith.constant 0 : i32
          %dma_start3A_323 = tpu.memref_slice %arg2[%dma_start3A_321, %dma_start3A_322] : memref<10000x128xf32, #tpu.memory_space<hbm>> -> memref<10000x128xf32, #tpu.memory_space<hbm>>
          tpu.enqueue_indirect_dma source(%dma_start3A_323 : memref<10000x128xf32, #tpu.memory_space<hbm>>) target(%arg19 : memref<64x128xf32, #tpu.memory_space<vmem>>) offsets(%arg9 : memref<64xi32, #tpu.memory_space<vmem>>) semaphore(%arg35 : memref<!tpu.dma_semaphore, #tpu.memory_space<semaphore_mem>>)
        } else {
        }
        %eq3A_306 = arith.constant 1 : i32
        %eq3A_307 = arith.cmpi eq, %arg0, %eq3A_306 : i32
        %convert_element_type3A_308 = arith.extui %eq3A_307 : i1 to i32
        %cond3A_309 = arith.constant 0 : i32
        %cond3A_310 = arith.cmpi ne, %convert_element_type3A_308, %cond3A_309 : i32
        scf.if %cond3A_310 {
          %dma_start3A_321 = arith.constant 0 : i32
          %dma_start3A_322 = arith.constant 0 : i32
          %dma_start3A_323 = tpu.memref_slice %arg3[%dma_start3A_321, %dma_start3A_322] : memref<10000x128xf32, #tpu.memory_space<hbm>> -> memref<10000x128xf32, #tpu.memory_space<hbm>>
          tpu.enqueue_indirect_dma source(%dma_start3A_323 : memref<10000x128xf32, #tpu.memory_space<hbm>>) target(%arg19 : memref<64x128xf32, #tpu.memory_space<vmem>>) offsets(%arg9 : memref<64xi32, #tpu.memory_space<vmem>>) semaphore(%arg35 : memref<!tpu.dma_semaphore, #tpu.memory_space<semaphore_mem>>)
        } else {
        }
        %add3A_311 = arith.constant 5 : i32
        %add3A_312 = arith.addi %add3A_195, %add3A_311 : i32
        %sub3A_313 = arith.constant 1 : i32
        %sub3A_314 = arith.subi %add3A_312, %sub3A_313 : i32
        %mul3A_315 = arith.constant 64 : i32
        %mul3A_316 = arith.muli %sub3A_314, %mul3A_315 : i32
        %add3A_317 = arith.addi %mul3A_7, %mul3A_316 : i32
        %multiple_of3A_318 = tpu.assume_multiple %add3A_317, 8 : i32
        %dma_start3A_319 = tpu.memref_slice %arg5[%multiple_of3A_318] : memref<163840xi32, #tpu.memory_space<hbm>> -> memref<64xi32, #tpu.memory_space<hbm>>
        %dma_start3A_320 = tpu.memref_slice %arg5[%multiple_of3A_318] : memref<163840xi32, #tpu.memory_space<hbm>> -> memref<64xi32, #tpu.memory_space<hbm>>
        tpu.enqueue_dma source(%dma_start3A_320 : memref<64xi32, #tpu.memory_space<hbm>>) target(%arg14 : memref<64xi32, #tpu.memory_space<vmem>>) target_semaphore(%arg30 : memref<!tpu.dma_semaphore, #tpu.memory_space<semaphore_mem>>)
      } else {
      }
      %add3A_220 = arith.constant 5 : i32
      %add3A_221 = arith.addi %add3A_195, %add3A_220 : i32
      %lt3A_222 = arith.constant 160 : i32
      %lt3A_223 = arith.cmpi slt, %add3A_221, %lt3A_222 : i32
      %convert_element_type3A_224 = arith.extui %lt3A_223 : i1 to i32
      %cond3A_225 = arith.constant 0 : i32
      %cond3A_226 = arith.cmpi ne, %convert_element_type3A_224, %cond3A_225 : i32
      scf.if %cond3A_226 {
        %add3A_297 = arith.constant 5 : i32
        %add3A_298 = arith.addi %add3A_195, %add3A_297 : i32
        %mul3A_299 = arith.constant 64 : i32
        %mul3A_300 = arith.muli %add3A_298, %mul3A_299 : i32
        %add3A_301 = arith.addi %mul3A_7, %mul3A_300 : i32
        %multiple_of3A_302 = tpu.assume_multiple %add3A_301, 8 : i32
        %dma_start3A_303 = tpu.memref_slice %arg4[%multiple_of3A_302] : memref<163840xi32, #tpu.memory_space<hbm>> -> memref<64xi32, #tpu.memory_space<hbm>>
        %dma_start3A_304 = tpu.memref_slice %arg4[%multiple_of3A_302] : memref<163840xi32, #tpu.memory_space<hbm>> -> memref<64xi32, #tpu.memory_space<hbm>>
        tpu.enqueue_dma source(%dma_start3A_304 : memref<64xi32, #tpu.memory_space<hbm>>) target(%arg10 : memref<64xi32, #tpu.memory_space<vmem>>) target_semaphore(%arg26 : memref<!tpu.dma_semaphore, #tpu.memory_space<semaphore_mem>>)
      } else {
      }
      %mul3A_227 = arith.constant 5 : i32
      %mul3A_228 = arith.muli %mul3A_227, %scan3A_124 : i32
      %add3A_229 = arith.constant 3 : i32
      %add3A_230 = arith.addi %mul3A_228, %add3A_229 : i32
      %dma_wait3A_231 = arith.constant 0 : i32
      %dma_wait3A_232 = arith.constant 0 : i32
      %dma_wait3A_233 = tpu.memref_slice %arg2[%dma_wait3A_231, %dma_wait3A_232] : memref<10000x128xf32, #tpu.memory_space<hbm>> -> memref<10000x128xf32, #tpu.memory_space<hbm>>
      tpu.wait_indirect_dma semaphore(%arg37 : memref<!tpu.dma_semaphore, #tpu.memory_space<semaphore_mem>>) src(%dma_wait3A_233 : memref<10000x128xf32, #tpu.memory_space<hbm>>) dst(%arg21 : memref<64x128xf32, #tpu.memory_space<vmem>>)
      %dma_wait3A_234 = arith.constant 0 : i32
      %dma_wait3A_235 = tpu.memref_slice %arg5[%dma_wait3A_234] : memref<163840xi32, #tpu.memory_space<hbm>> -> memref<64xi32, #tpu.memory_space<hbm>>
      %dma_wait3A_236 = arith.constant 0 : i32
      %dma_wait3A_237 = tpu.memref_slice %arg5[%dma_wait3A_236] : memref<163840xi32, #tpu.memory_space<hbm>> -> memref<64xi32, #tpu.memory_space<hbm>>
      tpu.wait_dma2 semaphore(%arg32 : memref<!tpu.dma_semaphore, #tpu.memory_space<semaphore_mem>>) src(%dma_wait3A_237 : memref<64xi32, #tpu.memory_space<hbm>>) dst(%arg16 : memref<64xi32, #tpu.memory_space<vmem>>)
      %dma_start3A_238 = arith.constant 0 : i32
      %dma_start3A_239 = arith.constant 0 : i32
      %dma_start3A_240 = tpu.memref_slice %arg23[%dma_start3A_238, %dma_start3A_239] : memref<10240x128xf32, #tpu.memory_space<vmem_shared>> -> memref<10240x128xf32, #tpu.memory_space<vmem_shared>>
      tpu.enqueue_indirect_dma source(%arg21 : memref<64x128xf32, #tpu.memory_space<vmem>>) target(%dma_start3A_240 : memref<10240x128xf32, #tpu.memory_space<vmem_shared>>) offsets(%arg16 : memref<64xi32, #tpu.memory_space<vmem>>) semaphore(%arg42 : memref<!tpu.dma_semaphore, #tpu.memory_space<semaphore_mem>>) {add = true}
      %ge3A_241 = arith.constant 1 : i32
      %ge3A_242 = arith.cmpi sge, %add3A_230, %ge3A_241 : i32
      %convert_element_type3A_243 = arith.extui %ge3A_242 : i1 to i32
      %cond3A_244 = arith.constant 0 : i32
      %cond3A_245 = arith.cmpi ne, %convert_element_type3A_243, %cond3A_244 : i32
      scf.if %cond3A_245 {
        %dma_wait3A_297 = arith.constant 0 : i32
        %dma_wait3A_298 = arith.constant 0 : i32
        %dma_wait3A_299 = tpu.memref_slice %arg23[%dma_wait3A_297, %dma_wait3A_298] : memref<10240x128xf32, #tpu.memory_space<vmem_shared>> -> memref<10240x128xf32, #tpu.memory_space<vmem_shared>>
        tpu.wait_indirect_dma semaphore(%arg41 : memref<!tpu.dma_semaphore, #tpu.memory_space<semaphore_mem>>) src(%arg20 : memref<64x128xf32, #tpu.memory_space<vmem>>) dst(%dma_wait3A_299 : memref<10240x128xf32, #tpu.memory_space<vmem_shared>>)
      } else {
      }
      %add3A_246 = arith.constant 5 : i32
      %add3A_247 = arith.addi %add3A_230, %add3A_246 : i32
      %sub3A_248 = arith.constant 1 : i32
      %sub3A_249 = arith.subi %add3A_247, %sub3A_248 : i32
      %lt3A_250 = arith.constant 160 : i32
      %lt3A_251 = arith.cmpi slt, %sub3A_249, %lt3A_250 : i32
      %convert_element_type3A_252 = arith.extui %lt3A_251 : i1 to i32
      %cond3A_253 = arith.constant 0 : i32
      %cond3A_254 = arith.cmpi ne, %convert_element_type3A_252, %cond3A_253 : i32
      scf.if %cond3A_254 {
        %dma_wait3A_297 = arith.constant 0 : i32
        %dma_wait3A_298 = tpu.memref_slice %arg4[%dma_wait3A_297] : memref<163840xi32, #tpu.memory_space<hbm>> -> memref<64xi32, #tpu.memory_space<hbm>>
        %dma_wait3A_299 = arith.constant 0 : i32
        %dma_wait3A_300 = tpu.memref_slice %arg4[%dma_wait3A_299] : memref<163840xi32, #tpu.memory_space<hbm>> -> memref<64xi32, #tpu.memory_space<hbm>>
        tpu.wait_dma2 semaphore(%arg26 : memref<!tpu.dma_semaphore, #tpu.memory_space<semaphore_mem>>) src(%dma_wait3A_300 : memref<64xi32, #tpu.memory_space<hbm>>) dst(%arg10 : memref<64xi32, #tpu.memory_space<vmem>>)
        %eq3A_301 = arith.constant 0 : i32
        %eq3A_302 = arith.cmpi eq, %arg0, %eq3A_301 : i32
        %convert_element_type3A_303 = arith.extui %eq3A_302 : i1 to i32
        %cond3A_304 = arith.constant 0 : i32
        %cond3A_305 = arith.cmpi ne, %convert_element_type3A_303, %cond3A_304 : i32
        scf.if %cond3A_305 {
          %dma_start3A_321 = arith.constant 0 : i32
          %dma_start3A_322 = arith.constant 0 : i32
          %dma_start3A_323 = tpu.memref_slice %arg2[%dma_start3A_321, %dma_start3A_322] : memref<10000x128xf32, #tpu.memory_space<hbm>> -> memref<10000x128xf32, #tpu.memory_space<hbm>>
          tpu.enqueue_indirect_dma source(%dma_start3A_323 : memref<10000x128xf32, #tpu.memory_space<hbm>>) target(%arg20 : memref<64x128xf32, #tpu.memory_space<vmem>>) offsets(%arg10 : memref<64xi32, #tpu.memory_space<vmem>>) semaphore(%arg36 : memref<!tpu.dma_semaphore, #tpu.memory_space<semaphore_mem>>)
        } else {
        }
        %eq3A_306 = arith.constant 1 : i32
        %eq3A_307 = arith.cmpi eq, %arg0, %eq3A_306 : i32
        %convert_element_type3A_308 = arith.extui %eq3A_307 : i1 to i32
        %cond3A_309 = arith.constant 0 : i32
        %cond3A_310 = arith.cmpi ne, %convert_element_type3A_308, %cond3A_309 : i32
        scf.if %cond3A_310 {
          %dma_start3A_321 = arith.constant 0 : i32
          %dma_start3A_322 = arith.constant 0 : i32
          %dma_start3A_323 = tpu.memref_slice %arg3[%dma_start3A_321, %dma_start3A_322] : memref<10000x128xf32, #tpu.memory_space<hbm>> -> memref<10000x128xf32, #tpu.memory_space<hbm>>
          tpu.enqueue_indirect_dma source(%dma_start3A_323 : memref<10000x128xf32, #tpu.memory_space<hbm>>) target(%arg20 : memref<64x128xf32, #tpu.memory_space<vmem>>) offsets(%arg10 : memref<64xi32, #tpu.memory_space<vmem>>) semaphore(%arg36 : memref<!tpu.dma_semaphore, #tpu.memory_space<semaphore_mem>>)
        } else {
        }
        %add3A_311 = arith.constant 5 : i32
        %add3A_312 = arith.addi %add3A_230, %add3A_311 : i32
        %sub3A_313 = arith.constant 1 : i32
        %sub3A_314 = arith.subi %add3A_312, %sub3A_313 : i32
        %mul3A_315 = arith.constant 64 : i32
        %mul3A_316 = arith.muli %sub3A_314, %mul3A_315 : i32
        %add3A_317 = arith.addi %mul3A_7, %mul3A_316 : i32
        %multiple_of3A_318 = tpu.assume_multiple %add3A_317, 8 : i32
        %dma_start3A_319 = tpu.memref_slice %arg5[%multiple_of3A_318] : memref<163840xi32, #tpu.memory_space<hbm>> -> memref<64xi32, #tpu.memory_space<hbm>>
        %dma_start3A_320 = tpu.memref_slice %arg5[%multiple_of3A_318] : memref<163840xi32, #tpu.memory_space<hbm>> -> memref<64xi32, #tpu.memory_space<hbm>>
        tpu.enqueue_dma source(%dma_start3A_320 : memref<64xi32, #tpu.memory_space<hbm>>) target(%arg15 : memref<64xi32, #tpu.memory_space<vmem>>) target_semaphore(%arg31 : memref<!tpu.dma_semaphore, #tpu.memory_space<semaphore_mem>>)
      } else {
      }
      %add3A_255 = arith.constant 5 : i32
      %add3A_256 = arith.addi %add3A_230, %add3A_255 : i32
      %lt3A_257 = arith.constant 160 : i32
      %lt3A_258 = arith.cmpi slt, %add3A_256, %lt3A_257 : i32
      %convert_element_type3A_259 = arith.extui %lt3A_258 : i1 to i32
      %cond3A_260 = arith.constant 0 : i32
      %cond3A_261 = arith.cmpi ne, %convert_element_type3A_259, %cond3A_260 : i32
      scf.if %cond3A_261 {
        %add3A_297 = arith.constant 5 : i32
        %add3A_298 = arith.addi %add3A_230, %add3A_297 : i32
        %mul3A_299 = arith.constant 64 : i32
        %mul3A_300 = arith.muli %add3A_298, %mul3A_299 : i32
        %add3A_301 = arith.addi %mul3A_7, %mul3A_300 : i32
        %multiple_of3A_302 = tpu.assume_multiple %add3A_301, 8 : i32
        %dma_start3A_303 = tpu.memref_slice %arg4[%multiple_of3A_302] : memref<163840xi32, #tpu.memory_space<hbm>> -> memref<64xi32, #tpu.memory_space<hbm>>
        %dma_start3A_304 = tpu.memref_slice %arg4[%multiple_of3A_302] : memref<163840xi32, #tpu.memory_space<hbm>> -> memref<64xi32, #tpu.memory_space<hbm>>
        tpu.enqueue_dma source(%dma_start3A_304 : memref<64xi32, #tpu.memory_space<hbm>>) target(%arg11 : memref<64xi32, #tpu.memory_space<vmem>>) target_semaphore(%arg27 : memref<!tpu.dma_semaphore, #tpu.memory_space<semaphore_mem>>)
      } else {
      }
      %mul3A_262 = arith.constant 5 : i32
      %mul3A_263 = arith.muli %mul3A_262, %scan3A_124 : i32
      %add3A_264 = arith.constant 4 : i32
      %add3A_265 = arith.addi %mul3A_263, %add3A_264 : i32
      %dma_wait3A_266 = arith.constant 0 : i32
      %dma_wait3A_267 = arith.constant 0 : i32
      %dma_wait3A_268 = tpu.memref_slice %arg2[%dma_wait3A_266, %dma_wait3A_267] : memref<10000x128xf32, #tpu.memory_space<hbm>> -> memref<10000x128xf32, #tpu.memory_space<hbm>>
      tpu.wait_indirect_dma semaphore(%arg38 : memref<!tpu.dma_semaphore, #tpu.memory_space<semaphore_mem>>) src(%dma_wait3A_268 : memref<10000x128xf32, #tpu.memory_space<hbm>>) dst(%arg22 : memref<64x128xf32, #tpu.memory_space<vmem>>)
      %dma_wait3A_269 = arith.constant 0 : i32
      %dma_wait3A_270 = tpu.memref_slice %arg5[%dma_wait3A_269] : memref<163840xi32, #tpu.memory_space<hbm>> -> memref<64xi32, #tpu.memory_space<hbm>>
      %dma_wait3A_271 = arith.constant 0 : i32
      %dma_wait3A_272 = tpu.memref_slice %arg5[%dma_wait3A_271] : memref<163840xi32, #tpu.memory_space<hbm>> -> memref<64xi32, #tpu.memory_space<hbm>>
      tpu.wait_dma2 semaphore(%arg33 : memref<!tpu.dma_semaphore, #tpu.memory_space<semaphore_mem>>) src(%dma_wait3A_272 : memref<64xi32, #tpu.memory_space<hbm>>) dst(%arg17 : memref<64xi32, #tpu.memory_space<vmem>>)
      %dma_start3A_273 = arith.constant 0 : i32
      %dma_start3A_274 = arith.constant 0 : i32
      %dma_start3A_275 = tpu.memref_slice %arg23[%dma_start3A_273, %dma_start3A_274] : memref<10240x128xf32, #tpu.memory_space<vmem_shared>> -> memref<10240x128xf32, #tpu.memory_space<vmem_shared>>
      tpu.enqueue_indirect_dma source(%arg22 : memref<64x128xf32, #tpu.memory_space<vmem>>) target(%dma_start3A_275 : memref<10240x128xf32, #tpu.memory_space<vmem_shared>>) offsets(%arg17 : memref<64xi32, #tpu.memory_space<vmem>>) semaphore(%arg43 : memref<!tpu.dma_semaphore, #tpu.memory_space<semaphore_mem>>) {add = true}
      %ge3A_276 = arith.constant 1 : i32
      %ge3A_277 = arith.cmpi sge, %add3A_265, %ge3A_276 : i32
      %convert_element_type3A_278 = arith.extui %ge3A_277 : i1 to i32
      %cond3A_279 = arith.constant 0 : i32
      %cond3A_280 = arith.cmpi ne, %convert_element_type3A_278, %cond3A_279 : i32
      scf.if %cond3A_280 {
        %dma_wait3A_297 = arith.constant 0 : i32
        %dma_wait3A_298 = arith.constant 0 : i32
        %dma_wait3A_299 = tpu.memref_slice %arg23[%dma_wait3A_297, %dma_wait3A_298] : memref<10240x128xf32, #tpu.memory_space<vmem_shared>> -> memref<10240x128xf32, #tpu.memory_space<vmem_shared>>
        tpu.wait_indirect_dma semaphore(%arg42 : memref<!tpu.dma_semaphore, #tpu.memory_space<semaphore_mem>>) src(%arg21 : memref<64x128xf32, #tpu.memory_space<vmem>>) dst(%dma_wait3A_299 : memref<10240x128xf32, #tpu.memory_space<vmem_shared>>)
      } else {
      }
      %add3A_281 = arith.constant 5 : i32
      %add3A_282 = arith.addi %add3A_265, %add3A_281 : i32
      %sub3A_283 = arith.constant 1 : i32
      %sub3A_284 = arith.subi %add3A_282, %sub3A_283 : i32
      %lt3A_285 = arith.constant 160 : i32
      %lt3A_286 = arith.cmpi slt, %sub3A_284, %lt3A_285 : i32
      %convert_element_type3A_287 = arith.extui %lt3A_286 : i1 to i32
      %cond3A_288 = arith.constant 0 : i32
      %cond3A_289 = arith.cmpi ne, %convert_element_type3A_287, %cond3A_288 : i32
      scf.if %cond3A_289 {
        %dma_wait3A_297 = arith.constant 0 : i32
        %dma_wait3A_298 = tpu.memref_slice %arg4[%dma_wait3A_297] : memref<163840xi32, #tpu.memory_space<hbm>> -> memref<64xi32, #tpu.memory_space<hbm>>
        %dma_wait3A_299 = arith.constant 0 : i32
        %dma_wait3A_300 = tpu.memref_slice %arg4[%dma_wait3A_299] : memref<163840xi32, #tpu.memory_space<hbm>> -> memref<64xi32, #tpu.memory_space<hbm>>
        tpu.wait_dma2 semaphore(%arg27 : memref<!tpu.dma_semaphore, #tpu.memory_space<semaphore_mem>>) src(%dma_wait3A_300 : memref<64xi32, #tpu.memory_space<hbm>>) dst(%arg11 : memref<64xi32, #tpu.memory_space<vmem>>)
        %eq3A_301 = arith.constant 0 : i32
        %eq3A_302 = arith.cmpi eq, %arg0, %eq3A_301 : i32
        %convert_element_type3A_303 = arith.extui %eq3A_302 : i1 to i32
        %cond3A_304 = arith.constant 0 : i32
        %cond3A_305 = arith.cmpi ne, %convert_element_type3A_303, %cond3A_304 : i32
        scf.if %cond3A_305 {
          %dma_start3A_321 = arith.constant 0 : i32
          %dma_start3A_322 = arith.constant 0 : i32
          %dma_start3A_323 = tpu.memref_slice %arg2[%dma_start3A_321, %dma_start3A_322] : memref<10000x128xf32, #tpu.memory_space<hbm>> -> memref<10000x128xf32, #tpu.memory_space<hbm>>
          tpu.enqueue_indirect_dma source(%dma_start3A_323 : memref<10000x128xf32, #tpu.memory_space<hbm>>) target(%arg21 : memref<64x128xf32, #tpu.memory_space<vmem>>) offsets(%arg11 : memref<64xi32, #tpu.memory_space<vmem>>) semaphore(%arg37 : memref<!tpu.dma_semaphore, #tpu.memory_space<semaphore_mem>>)
        } else {
        }
        %eq3A_306 = arith.constant 1 : i32
        %eq3A_307 = arith.cmpi eq, %arg0, %eq3A_306 : i32
        %convert_element_type3A_308 = arith.extui %eq3A_307 : i1 to i32
        %cond3A_309 = arith.constant 0 : i32
        %cond3A_310 = arith.cmpi ne, %convert_element_type3A_308, %cond3A_309 : i32
        scf.if %cond3A_310 {
          %dma_start3A_321 = arith.constant 0 : i32
          %dma_start3A_322 = arith.constant 0 : i32
          %dma_start3A_323 = tpu.memref_slice %arg3[%dma_start3A_321, %dma_start3A_322] : memref<10000x128xf32, #tpu.memory_space<hbm>> -> memref<10000x128xf32, #tpu.memory_space<hbm>>
          tpu.enqueue_indirect_dma source(%dma_start3A_323 : memref<10000x128xf32, #tpu.memory_space<hbm>>) target(%arg21 : memref<64x128xf32, #tpu.memory_space<vmem>>) offsets(%arg11 : memref<64xi32, #tpu.memory_space<vmem>>) semaphore(%arg37 : memref<!tpu.dma_semaphore, #tpu.memory_space<semaphore_mem>>)
        } else {
        }
        %add3A_311 = arith.constant 5 : i32
        %add3A_312 = arith.addi %add3A_265, %add3A_311 : i32
        %sub3A_313 = arith.constant 1 : i32
        %sub3A_314 = arith.subi %add3A_312, %sub3A_313 : i32
        %mul3A_315 = arith.constant 64 : i32
        %mul3A_316 = arith.muli %sub3A_314, %mul3A_315 : i32
        %add3A_317 = arith.addi %mul3A_7, %mul3A_316 : i32
        %multiple_of3A_318 = tpu.assume_multiple %add3A_317, 8 : i32
        %dma_start3A_319 = tpu.memref_slice %arg5[%multiple_of3A_318] : memref<163840xi32, #tpu.memory_space<hbm>> -> memref<64xi32, #tpu.memory_space<hbm>>
        %dma_start3A_320 = tpu.memref_slice %arg5[%multiple_of3A_318] : memref<163840xi32, #tpu.memory_space<hbm>> -> memref<64xi32, #tpu.memory_space<hbm>>
        tpu.enqueue_dma source(%dma_start3A_320 : memref<64xi32, #tpu.memory_space<hbm>>) target(%arg16 : memref<64xi32, #tpu.memory_space<vmem>>) target_semaphore(%arg32 : memref<!tpu.dma_semaphore, #tpu.memory_space<semaphore_mem>>)
      } else {
      }
      %add3A_290 = arith.constant 5 : i32
      %add3A_291 = arith.addi %add3A_265, %add3A_290 : i32
      %lt3A_292 = arith.constant 160 : i32
      %lt3A_293 = arith.cmpi slt, %add3A_291, %lt3A_292 : i32
      %convert_element_type3A_294 = arith.extui %lt3A_293 : i1 to i32
      %cond3A_295 = arith.constant 0 : i32
      %cond3A_296 = arith.cmpi ne, %convert_element_type3A_294, %cond3A_295 : i32
      scf.if %cond3A_296 {
        %add3A_297 = arith.constant 5 : i32
        %add3A_298 = arith.addi %add3A_265, %add3A_297 : i32
        %mul3A_299 = arith.constant 64 : i32
        %mul3A_300 = arith.muli %add3A_298, %mul3A_299 : i32
        %add3A_301 = arith.addi %mul3A_7, %mul3A_300 : i32
        %multiple_of3A_302 = tpu.assume_multiple %add3A_301, 8 : i32
        %dma_start3A_303 = tpu.memref_slice %arg4[%multiple_of3A_302] : memref<163840xi32, #tpu.memory_space<hbm>> -> memref<64xi32, #tpu.memory_space<hbm>>
        %dma_start3A_304 = tpu.memref_slice %arg4[%multiple_of3A_302] : memref<163840xi32, #tpu.memory_space<hbm>> -> memref<64xi32, #tpu.memory_space<hbm>>
        tpu.enqueue_dma source(%dma_start3A_304 : memref<64xi32, #tpu.memory_space<hbm>>) target(%arg12 : memref<64xi32, #tpu.memory_space<vmem>>) target_semaphore(%arg28 : memref<!tpu.dma_semaphore, #tpu.memory_space<semaphore_mem>>)
      } else {
      }
    }
    %scan3A_109 = arith.constant 32 : i32
    %dma_wait3A_110 = arith.constant 0 : i32
    %dma_wait3A_111 = arith.constant 0 : i32
    %dma_wait3A_112 = tpu.memref_slice %arg23[%dma_wait3A_110, %dma_wait3A_111] : memref<10240x128xf32, #tpu.memory_space<vmem_shared>> -> memref<10240x128xf32, #tpu.memory_space<vmem_shared>>
    tpu.wait_indirect_dma semaphore(%arg43 : memref<!tpu.dma_semaphore, #tpu.memory_space<semaphore_mem>>) src(%arg22 : memref<64x128xf32, #tpu.memory_space<vmem>>) dst(%dma_wait3A_112 : memref<10240x128xf32, #tpu.memory_space<vmem_shared>>)
    %barrier3A_113 = arith.constant 0 : index
    tpu.barrier barrier_id(%barrier3A_113)
    %eq3A_114 = arith.constant 0 : i32
    %eq3A_115 = arith.cmpi eq, %arg0, %eq3A_114 : i32
    %convert_element_type3A_116 = arith.extui %eq3A_115 : i1 to i32
    %cond3A_117 = arith.constant 0 : i32
    %cond3A_118 = arith.cmpi ne, %convert_element_type3A_116, %cond3A_117 : i32
    scf.if %cond3A_118 {
      %lt3A = arith.constant 15 : i32
      %lt3A_124 = arith.cmpi slt, %arg1, %lt3A : i32
      %convert_element_type3A_125 = arith.extui %lt3A_124 : i1 to i32
      %cond3A_126 = arith.constant 0 : i32
      %cond3A_127 = arith.cmpi ne, %convert_element_type3A_125, %cond3A_126 : i32
      scf.if %cond3A_127 {
        %mul3A_133 = arith.constant 632 : i32
        %mul3A_134 = arith.muli %arg1, %mul3A_133 : i32
        %multiple_of3A_135 = tpu.assume_multiple %mul3A_134, 8 : i32
        %mul3A_136 = arith.constant 632 : i32
        %mul3A_137 = arith.muli %arg1, %mul3A_136 : i32
        %multiple_of3A_138 = tpu.assume_multiple %mul3A_137, 8 : i32
        "tpu.region"() ({
          %run_scoped3A = tpu.sem_alloc : memref<!tpu.dma_semaphore, #tpu.memory_space<semaphore_mem>>
          %dma_start3A_139 = arith.constant 0 : i32
          %dma_start3A_140 = tpu.memref_slice %arg6[%multiple_of3A_138, %dma_start3A_139] : memref<10000x128xf32, #tpu.memory_space<hbm>> -> memref<632x128xf32, #tpu.memory_space<hbm>>
          %dma_start3A_141 = arith.constant 0 : i32
          %dma_start3A_142 = tpu.memref_slice %arg23[%multiple_of3A_135, %dma_start3A_141] : memref<10240x128xf32, #tpu.memory_space<vmem_shared>> -> memref<632x128xf32, #tpu.memory_space<vmem_shared>>
          tpu.enqueue_dma source(%dma_start3A_142 : memref<632x128xf32, #tpu.memory_space<vmem_shared>>) target(%dma_start3A_140 : memref<632x128xf32, #tpu.memory_space<hbm>>) target_semaphore(%run_scoped3A : memref<!tpu.dma_semaphore, #tpu.memory_space<semaphore_mem>>)
          %dma_wait3A_143 = arith.constant 0 : i32
          %dma_wait3A_144 = tpu.memref_slice %arg6[%multiple_of3A_138, %dma_wait3A_143] : memref<10000x128xf32, #tpu.memory_space<hbm>> -> memref<632x128xf32, #tpu.memory_space<hbm>>
          %dma_wait3A_145 = arith.constant 0 : i32
          %dma_wait3A_146 = tpu.memref_slice %arg23[%multiple_of3A_135, %dma_wait3A_145] : memref<10240x128xf32, #tpu.memory_space<vmem_shared>> -> memref<632x128xf32, #tpu.memory_space<vmem_shared>>
          tpu.wait_dma2 semaphore(%run_scoped3A : memref<!tpu.dma_semaphore, #tpu.memory_space<semaphore_mem>>) src(%dma_wait3A_146 : memref<632x128xf32, #tpu.memory_space<vmem_shared>>) dst(%dma_wait3A_144 : memref<632x128xf32, #tpu.memory_space<hbm>>)
          tpu.yield
        }) : () -> ()
      } else {
      }
      %eq3A_128 = arith.constant 15 : i32
      %eq3A_129 = arith.cmpi eq, %arg1, %eq3A_128 : i32
      %convert_element_type3A_130 = arith.extui %eq3A_129 : i1 to i32
      %cond3A_131 = arith.constant 0 : i32
      %cond3A_132 = arith.cmpi ne, %convert_element_type3A_130, %cond3A_131 : i32
      scf.if %cond3A_132 {
        "tpu.region"() ({
          %run_scoped3A = tpu.sem_alloc : memref<!tpu.dma_semaphore, #tpu.memory_space<semaphore_mem>>
          %dma_start3A_133 = arith.constant 9480 : i32
          %dma_start3A_134 = arith.constant 0 : i32
          %dma_start3A_135 = tpu.memref_slice %arg6[%dma_start3A_133, %dma_start3A_134] : memref<10000x128xf32, #tpu.memory_space<hbm>> -> memref<520x128xf32, #tpu.memory_space<hbm>>
          %dma_start3A_136 = arith.constant 9480 : i32
          %dma_start3A_137 = arith.constant 0 : i32
          %dma_start3A_138 = tpu.memref_slice %arg23[%dma_start3A_136, %dma_start3A_137] : memref<10240x128xf32, #tpu.memory_space<vmem_shared>> -> memref<520x128xf32, #tpu.memory_space<vmem_shared>>
          tpu.enqueue_dma source(%dma_start3A_138 : memref<520x128xf32, #tpu.memory_space<vmem_shared>>) target(%dma_start3A_135 : memref<520x128xf32, #tpu.memory_space<hbm>>) target_semaphore(%run_scoped3A : memref<!tpu.dma_semaphore, #tpu.memory_space<semaphore_mem>>)
          %dma_wait3A_139 = arith.constant 9480 : i32
          %dma_wait3A_140 = arith.constant 0 : i32
          %dma_wait3A_141 = tpu.memref_slice %arg6[%dma_wait3A_139, %dma_wait3A_140] : memref<10000x128xf32, #tpu.memory_space<hbm>> -> memref<520x128xf32, #tpu.memory_space<hbm>>
          %dma_wait3A_142 = arith.constant 9480 : i32
          %dma_wait3A_143 = arith.constant 0 : i32
          %dma_wait3A_144 = tpu.memref_slice %arg23[%dma_wait3A_142, %dma_wait3A_143] : memref<10240x128xf32, #tpu.memory_space<vmem_shared>> -> memref<520x128xf32, #tpu.memory_space<vmem_shared>>
          tpu.wait_dma2 semaphore(%run_scoped3A : memref<!tpu.dma_semaphore, #tpu.memory_space<semaphore_mem>>) src(%dma_wait3A_144 : memref<520x128xf32, #tpu.memory_space<vmem_shared>>) dst(%dma_wait3A_141 : memref<520x128xf32, #tpu.memory_space<hbm>>)
          tpu.yield
        }) : () -> ()
      } else {
      }
    } else {
    }
    %eq3A_119 = arith.constant 1 : i32
    %eq3A_120 = arith.cmpi eq, %arg0, %eq3A_119 : i32
    %convert_element_type3A_121 = arith.extui %eq3A_120 : i1 to i32
    %cond3A_122 = arith.constant 0 : i32
    %cond3A_123 = arith.cmpi ne, %convert_element_type3A_121, %cond3A_122 : i32
    scf.if %cond3A_123 {
      %lt3A = arith.constant 15 : i32
      %lt3A_124 = arith.cmpi slt, %arg1, %lt3A : i32
      %convert_element_type3A_125 = arith.extui %lt3A_124 : i1 to i32
      %cond3A_126 = arith.constant 0 : i32
      %cond3A_127 = arith.cmpi ne, %convert_element_type3A_125, %cond3A_126 : i32
      scf.if %cond3A_127 {
        %mul3A_133 = arith.constant 632 : i32
        %mul3A_134 = arith.muli %arg1, %mul3A_133 : i32
        %multiple_of3A_135 = tpu.assume_multiple %mul3A_134, 8 : i32
        %mul3A_136 = arith.constant 632 : i32
        %mul3A_137 = arith.muli %arg1, %mul3A_136 : i32
        %multiple_of3A_138 = tpu.assume_multiple %mul3A_137, 8 : i32
        "tpu.region"() ({
          %run_scoped3A = tpu.sem_alloc : memref<!tpu.dma_semaphore, #tpu.memory_space<semaphore_mem>>
          %dma_start3A_139 = arith.constant 0 : i32
          %dma_start3A_140 = tpu.memref_slice %arg7[%multiple_of3A_138, %dma_start3A_139] : memref<10000x128xf32, #tpu.memory_space<hbm>> -> memref<632x128xf32, #tpu.memory_space<hbm>>
          %dma_start3A_141 = arith.constant 0 : i32
          %dma_start3A_142 = tpu.memref_slice %arg23[%multiple_of3A_135, %dma_start3A_141] : memref<10240x128xf32, #tpu.memory_space<vmem_shared>> -> memref<632x128xf32, #tpu.memory_space<vmem_shared>>
          tpu.enqueue_dma source(%dma_start3A_142 : memref<632x128xf32, #tpu.memory_space<vmem_shared>>) target(%dma_start3A_140 : memref<632x128xf32, #tpu.memory_space<hbm>>) target_semaphore(%run_scoped3A : memref<!tpu.dma_semaphore, #tpu.memory_space<semaphore_mem>>)
          %dma_wait3A_143 = arith.constant 0 : i32
          %dma_wait3A_144 = tpu.memref_slice %arg7[%multiple_of3A_138, %dma_wait3A_143] : memref<10000x128xf32, #tpu.memory_space<hbm>> -> memref<632x128xf32, #tpu.memory_space<hbm>>
          %dma_wait3A_145 = arith.constant 0 : i32
          %dma_wait3A_146 = tpu.memref_slice %arg23[%multiple_of3A_135, %dma_wait3A_145] : memref<10240x128xf32, #tpu.memory_space<vmem_shared>> -> memref<632x128xf32, #tpu.memory_space<vmem_shared>>
          tpu.wait_dma2 semaphore(%run_scoped3A : memref<!tpu.dma_semaphore, #tpu.memory_space<semaphore_mem>>) src(%dma_wait3A_146 : memref<632x128xf32, #tpu.memory_space<vmem_shared>>) dst(%dma_wait3A_144 : memref<632x128xf32, #tpu.memory_space<hbm>>)
          tpu.yield
        }) : () -> ()
      } else {
      }
      %eq3A_128 = arith.constant 15 : i32
      %eq3A_129 = arith.cmpi eq, %arg1, %eq3A_128 : i32
      %convert_element_type3A_130 = arith.extui %eq3A_129 : i1 to i32
      %cond3A_131 = arith.constant 0 : i32
      %cond3A_132 = arith.cmpi ne, %convert_element_type3A_130, %cond3A_131 : i32
      scf.if %cond3A_132 {
        "tpu.region"() ({
          %run_scoped3A = tpu.sem_alloc : memref<!tpu.dma_semaphore, #tpu.memory_space<semaphore_mem>>
          %dma_start3A_133 = arith.constant 9480 : i32
          %dma_start3A_134 = arith.constant 0 : i32
          %dma_start3A_135 = tpu.memref_slice %arg7[%dma_start3A_133, %dma_start3A_134] : memref<10000x128xf32, #tpu.memory_space<hbm>> -> memref<520x128xf32, #tpu.memory_space<hbm>>
          %dma_start3A_136 = arith.constant 9480 : i32
          %dma_start3A_137 = arith.constant 0 : i32
          %dma_start3A_138 = tpu.memref_slice %arg23[%dma_start3A_136, %dma_start3A_137] : memref<10240x128xf32, #tpu.memory_space<vmem_shared>> -> memref<520x128xf32, #tpu.memory_space<vmem_shared>>
          tpu.enqueue_dma source(%dma_start3A_138 : memref<520x128xf32, #tpu.memory_space<vmem_shared>>) target(%dma_start3A_135 : memref<520x128xf32, #tpu.memory_space<hbm>>) target_semaphore(%run_scoped3A : memref<!tpu.dma_semaphore, #tpu.memory_space<semaphore_mem>>)
          %dma_wait3A_139 = arith.constant 9480 : i32
          %dma_wait3A_140 = arith.constant 0 : i32
          %dma_wait3A_141 = tpu.memref_slice %arg7[%dma_wait3A_139, %dma_wait3A_140] : memref<10000x128xf32, #tpu.memory_space<hbm>> -> memref<520x128xf32, #tpu.memory_space<hbm>>
          %dma_wait3A_142 = arith.constant 9480 : i32
          %dma_wait3A_143 = arith.constant 0 : i32
          %dma_wait3A_144 = tpu.memref_slice %arg23[%dma_wait3A_142, %dma_wait3A_143] : memref<10240x128xf32, #tpu.memory_space<vmem_shared>> -> memref<520x128xf32, #tpu.memory_space<vmem_shared>>
          tpu.wait_dma2 semaphore(%run_scoped3A : memref<!tpu.dma_semaphore, #tpu.memory_space<semaphore_mem>>) src(%dma_wait3A_144 : memref<520x128xf32, #tpu.memory_space<vmem_shared>>) dst(%dma_wait3A_141 : memref<520x128xf32, #tpu.memory_space<hbm>>)
          tpu.yield
        }) : () -> ()
      } else {
      }
    } else {
    }
    return
  }
}

module attributes {stable_mosaic.version = 14 : i64} {
  func.func @_prep_body(%arg0: i32, %arg1: memref<1000x128xf32, #tpu.memory_space<vmem>>, %arg2: memref<1000x128xf32, #tpu.memory_space<vmem>>, %arg3: memref<1000x256xf32, #tpu.memory_space<vmem>>, %arg4: memref<1000x128xf32, #tpu.memory_space<vmem>>, %arg5: memref<1000x128xf32, #tpu.memory_space<vmem>>, %arg6: memref<1000x1xf32, #tpu.memory_space<vmem>>) attributes {dimension_semantics = [#tpu.dimension_semantics<arbitrary>], iteration_bounds = array<i64: 10>, scalar_prefetch = 0 : i64, scratch_operands = 0 : i64, tpu.core_type = #tpu.core_type<tc>, window_params = [{transform_indices = @transform_0, window_bounds = array<i64: 1000, 128>}, {transform_indices = @transform_1, window_bounds = array<i64: 1000, 128>}, {transform_indices = @transform_2, window_bounds = array<i64: 1000, 256>}, {transform_indices = @transform_3, window_bounds = array<i64: 1000, 128>}, {transform_indices = @transform_4, window_bounds = array<i64: 1000, 128>}, {transform_indices = @transform_5, window_bounds = array<i64: 1000, 1>}]} {
    %get3A = arith.constant 0 : index
    %get3A_0 = arith.constant 0 : index
    %get3A_1 = vector.load %arg1[%get3A, %get3A_0] : memref<1000x128xf32, #tpu.memory_space<vmem>>, vector<1000x1xf32>
    %get3A_2 = arith.constant 0 : index
    %get3A_3 = arith.constant 0 : index
    %get3A_4 = vector.load %arg2[%get3A_2, %get3A_3] : memref<1000x128xf32, #tpu.memory_space<vmem>>, vector<1000x1xf32>
    %add3A = arith.addf %get3A_1, %get3A_4 : vector<1000x1xf32>
    %add3A_5 = arith.constant 1.000000e+00 : f32
    %add3A_6 = vector.broadcast %add3A_5 : f32 to vector<1000x1xf32>
    %add3A_7 = arith.addf %add3A, %add3A_6 : vector<1000x1xf32>
    %rsqrt3A = math.rsqrt %add3A_7 : vector<1000x1xf32>
    %get3A_8 = arith.constant 0 : index
    %get3A_9 = arith.constant 0 : index
    %get3A_10 = vector.load %arg3[%get3A_8, %get3A_9] : memref<1000x256xf32, #tpu.memory_space<vmem>>, vector<1000x256xf32>
    %mul3A = vector.broadcast %rsqrt3A : vector<1000x1xf32> to vector<1000x256xf32>
    %mul3A_11 = arith.mulf %get3A_10, %mul3A : vector<1000x256xf32>
    %slice3A = vector.extract_strided_slice %mul3A_11 {offsets = [0, 0], sizes = [1000, 128], strides = [1, 1]} : vector<1000x256xf32> to vector<1000x128xf32>
    %swap3A = arith.constant 0 : index
    %swap3A_12 = arith.constant 0 : index
    %swap3A_13 = vector.load %arg4[%swap3A, %swap3A_12] : memref<1000x128xf32, #tpu.memory_space<vmem>>, vector<1000x128xf32>
    tpu.vector_store %arg4[%swap3A, %swap3A_12], %slice3A {strides = array<i32>} : memref<1000x128xf32, #tpu.memory_space<vmem>>, vector<1000x128xf32>,
    %slice3A_14 = vector.extract_strided_slice %mul3A_11 {offsets = [0, 128], sizes = [1000, 128], strides = [1, 1]} : vector<1000x256xf32> to vector<1000x128xf32>
    %swap3A_15 = arith.constant 0 : index
    %swap3A_16 = arith.constant 0 : index
    %swap3A_17 = vector.load %arg5[%swap3A_15, %swap3A_16] : memref<1000x128xf32, #tpu.memory_space<vmem>>, vector<1000x128xf32>
    tpu.vector_store %arg5[%swap3A_15, %swap3A_16], %slice3A_14 {strides = array<i32>} : memref<1000x128xf32, #tpu.memory_space<vmem>>, vector<1000x128xf32>,
    %swap3A_18 = arith.constant 0 : index
    %swap3A_19 = arith.constant 0 : index
    %swap3A_20 = vector.load %arg6[%swap3A_18, %swap3A_19] : memref<1000x1xf32, #tpu.memory_space<vmem>>, vector<1000x1xf32>
    tpu.vector_store %arg6[%swap3A_18, %swap3A_19], %rsqrt3A {strides = array<i32>} : memref<1000x1xf32, #tpu.memory_space<vmem>>, vector<1000x1xf32>,
    return
  }
  func.func @transform_0(%arg0: i32) -> (i32, i32) {
    %c0_i32 = arith.constant 0 : i32
    %c0_i32_0 = arith.constant 0 : i32
    return %arg0, %c0_i32 : i32, i32
  }
  func.func @transform_1(%arg0: i32) -> (i32, i32) {
    %c0_i32 = arith.constant 0 : i32
    %c0_i32_0 = arith.constant 0 : i32
    return %arg0, %c0_i32 : i32, i32
  }
  func.func @transform_2(%arg0: i32) -> (i32, i32) {
    %c0_i32 = arith.constant 0 : i32
    %c0_i32_0 = arith.constant 0 : i32
    return %arg0, %c0_i32 : i32, i32
  }
  func.func @transform_3(%arg0: i32) -> (i32, i32) {
    %c0_i32 = arith.constant 0 : i32
    %c0_i32_0 = arith.constant 0 : i32
    return %arg0, %c0_i32 : i32, i32
  }
  func.func @transform_4(%arg0: i32) -> (i32, i32) {
    %c0_i32 = arith.constant 0 : i32
    %c0_i32_0 = arith.constant 0 : i32
    return %arg0, %c0_i32 : i32, i32
  }
  func.func @transform_5(%arg0: i32) -> (i32, i32) {
    %c0_i32 = arith.constant 0 : i32
    %c0_i32_0 = arith.constant 0 : i32
    return %arg0, %c0_i32 : i32, i32
  }
}

module attributes {stable_mosaic.version = 14 : i64} {
  func.func @_final_body(%arg0: i32, %arg1: memref<1000x128xf32, #tpu.memory_space<vmem>>, %arg2: memref<1000x128xf32, #tpu.memory_space<vmem>>, %arg3: memref<1000x128xf32, #tpu.memory_space<vmem>>, %arg4: memref<1000x1xf32, #tpu.memory_space<vmem>>, %arg5: memref<1x16xf32, #tpu.memory_space<vmem>>, %arg6: memref<1000x16xf32, #tpu.memory_space<vmem>>) attributes {dimension_semantics = [#tpu.dimension_semantics<arbitrary>], iteration_bounds = array<i64: 10>, scalar_prefetch = 0 : i64, scratch_operands = 0 : i64, tpu.core_type = #tpu.core_type<tc>, window_params = [{transform_indices = @transform_0, window_bounds = array<i64: 1000, 128>}, {transform_indices = @transform_1, window_bounds = array<i64: 1000, 128>}, {transform_indices = @transform_2, window_bounds = array<i64: 1000, 128>}, {transform_indices = @transform_3, window_bounds = array<i64: 1000, 1>}, {pipeline_mode = #tpu.pipeline_mode<synchronous>, transform_indices = @transform_4, window_bounds = array<i64: 1, 16>}, {transform_indices = @transform_5, window_bounds = array<i64: 1000, 16>}]} {
    %get3A = arith.constant 0 : index
    %get3A_0 = arith.constant 0 : index
    %get3A_1 = vector.load %arg1[%get3A, %get3A_0] : memref<1000x128xf32, #tpu.memory_space<vmem>>, vector<1000x128xf32>
    %get3A_2 = arith.constant 0 : index
    %get3A_3 = arith.constant 0 : index
    %get3A_4 = vector.load %arg2[%get3A_2, %get3A_3] : memref<1000x128xf32, #tpu.memory_space<vmem>>, vector<1000x128xf32>
    %add3A = arith.addf %get3A_1, %get3A_4 : vector<1000x128xf32>
    %get3A_5 = arith.constant 0 : index
    %get3A_6 = arith.constant 0 : index
    %get3A_7 = vector.load %arg3[%get3A_5, %get3A_6] : memref<1000x128xf32, #tpu.memory_space<vmem>>, vector<1000x128xf32>
    %add3A_8 = arith.addf %add3A, %get3A_7 : vector<1000x128xf32>
    %get3A_9 = arith.constant 0 : index
    %get3A_10 = arith.constant 0 : index
    %get3A_11 = vector.load %arg4[%get3A_9, %get3A_10] : memref<1000x1xf32, #tpu.memory_space<vmem>>, vector<1000x1xf32>
    %mul3A = vector.broadcast %get3A_11 : vector<1000x1xf32> to vector<1000x128xf32>
    %mul3A_12 = arith.mulf %add3A_8, %mul3A : vector<1000x128xf32>
    %slice3A = vector.extract_strided_slice %mul3A_12 {offsets = [0, 0], sizes = [1000, 16], strides = [1, 1]} : vector<1000x128xf32> to vector<1000x16xf32>
    %get3A_13 = arith.constant 0 : index
    %get3A_14 = arith.constant 0 : index
    %get3A_15 = vector.load %arg5[%get3A_13, %get3A_14] : memref<1x16xf32, #tpu.memory_space<vmem>>, vector<1x16xf32>
    %add3A_16 = vector.broadcast %get3A_15 : vector<1x16xf32> to vector<1000x16xf32>
    %add3A_17 = arith.addf %slice3A, %add3A_16 : vector<1000x16xf32>
    %swap3A = arith.constant 0 : index
    %swap3A_18 = arith.constant 0 : index
    %swap3A_19 = vector.load %arg6[%swap3A, %swap3A_18] : memref<1000x16xf32, #tpu.memory_space<vmem>>, vector<1000x16xf32>
    tpu.vector_store %arg6[%swap3A, %swap3A_18], %add3A_17 {strides = array<i32>} : memref<1000x16xf32, #tpu.memory_space<vmem>>, vector<1000x16xf32>,
    return
  }
  func.func @transform_0(%arg0: i32) -> (i32, i32) {
    %c0_i32 = arith.constant 0 : i32
    %c0_i32_0 = arith.constant 0 : i32
    return %arg0, %c0_i32 : i32, i32
  }
  func.func @transform_1(%arg0: i32) -> (i32, i32) {
    %c0_i32 = arith.constant 0 : i32
    %c0_i32_0 = arith.constant 0 : i32
    return %arg0, %c0_i32 : i32, i32
  }
  func.func @transform_2(%arg0: i32) -> (i32, i32) {
    %c0_i32 = arith.constant 0 : i32
    %c0_i32_0 = arith.constant 0 : i32
    return %arg0, %c0_i32 : i32, i32
  }
  func.func @transform_3(%arg0: i32) -> (i32, i32) {
    %c0_i32 = arith.constant 0 : i32
    %c0_i32_0 = arith.constant 0 : i32
    return %arg0, %c0_i32 : i32, i32
  }
  func.func @transform_4(%arg0: i32) -> (i32, i32) {
    %c0_i32 = arith.constant 0 : i32
    %c0_i32_0 = arith.constant 0 : i32
    %c0_i32_1 = arith.constant 0 : i32
    return %c0_i32, %c0_i32_0 : i32, i32
  }
  func.func @transform_5(%arg0: i32) -> (i32, i32) {
    %c0_i32 = arith.constant 0 : i32
    %c0_i32_0 = arith.constant 0 : i32
    return %arg0, %c0_i32 : i32, i32
  }
}

module attributes {stable_mosaic.version = 14 : i64} {
  func.func @_main_body(%arg0: i32, %arg1: memref<1000x128xf32, #tpu.memory_space<vmem>>, %arg2: memref<1000x128xf32, #tpu.memory_space<vmem>>, %arg3: memref<1000x1xf32, #tpu.memory_space<vmem>>, %arg4: memref<128x512xf32, #tpu.memory_space<vmem>>, %arg5: memref<128x512xf32, #tpu.memory_space<vmem>>, %arg6: memref<1x512xf32, #tpu.memory_space<vmem>>, %arg7: memref<512x128xf32, #tpu.memory_space<vmem>>, %arg8: memref<1000x128xf32, #tpu.memory_space<vmem>>) attributes {dimension_semantics = [#tpu.dimension_semantics<arbitrary>], iteration_bounds = array<i64: 10>, scalar_prefetch = 0 : i64, scratch_operands = 0 : i64, tpu.core_type = #tpu.core_type<tc>, window_params = [{transform_indices = @transform_0, window_bounds = array<i64: 1000, 128>}, {transform_indices = @transform_1, window_bounds = array<i64: 1000, 128>}, {transform_indices = @transform_2, window_bounds = array<i64: 1000, 1>}, {pipeline_mode = #tpu.pipeline_mode<synchronous>, transform_indices = @transform_3, window_bounds = array<i64: 128, 512>}, {pipeline_mode = #tpu.pipeline_mode<synchronous>, transform_indices = @transform_4, window_bounds = array<i64: 128, 512>}, {pipeline_mode = #tpu.pipeline_mode<synchronous>, transform_indices = @transform_5, window_bounds = array<i64: 1, 512>}, {pipeline_mode = #tpu.pipeline_mode<synchronous>, transform_indices = @transform_6, window_bounds = array<i64: 512, 128>}, {transform_indices = @transform_7, window_bounds = array<i64: 1000, 128>}]} {
    %get3A = arith.constant 0 : index
    %get3A_0 = arith.constant 0 : index
    %get3A_1 = vector.load %arg3[%get3A, %get3A_0] : memref<1000x1xf32, #tpu.memory_space<vmem>>, vector<1000x1xf32>
    %get3A_2 = arith.constant 0 : index
    %get3A_3 = arith.constant 0 : index
    %get3A_4 = vector.load %arg1[%get3A_2, %get3A_3] : memref<1000x128xf32, #tpu.memory_space<vmem>>, vector<1000x128xf32>
    %mul3A = vector.broadcast %get3A_1 : vector<1000x1xf32> to vector<1000x128xf32>
    %mul3A_5 = arith.mulf %get3A_4, %mul3A : vector<1000x128xf32>
    %convert_element_type3A = arith.truncf %mul3A_5 : vector<1000x128xf32> to vector<1000x128xbf16>
    %get3A_6 = arith.constant 0 : index
    %get3A_7 = arith.constant 0 : index
    %get3A_8 = vector.load %arg4[%get3A_6, %get3A_7] : memref<128x512xf32, #tpu.memory_space<vmem>>, vector<128x512xf32>
    %convert_element_type3A_9 = arith.truncf %get3A_8 : vector<128x512xf32> to vector<128x512xbf16>
    %dot_general3A = arith.constant dense<0.000000e+00> : vector<1000x512xf32>
    %dot_general3A_10 = tpu.matmul %convert_element_type3A, %convert_element_type3A_9, %dot_general3A {dimension_numbers = #tpu.dot_dimension_numbers<[1], [0], [0], [1], [0, 0, 1, 1], [], []>, transpose_lhs_hint = false} : vector<1000x128xbf16>, vector<128x512xbf16>, vector<1000x512xf32> -> vector<1000x512xf32>
    %get3A_11 = arith.constant 0 : index
    %get3A_12 = arith.constant 0 : index
    %get3A_13 = vector.load %arg2[%get3A_11, %get3A_12] : memref<1000x128xf32, #tpu.memory_space<vmem>>, vector<1000x128xf32>
    %mul3A_14 = vector.broadcast %get3A_1 : vector<1000x1xf32> to vector<1000x128xf32>
    %mul3A_15 = arith.mulf %get3A_13, %mul3A_14 : vector<1000x128xf32>
    %convert_element_type3A_16 = arith.truncf %mul3A_15 : vector<1000x128xf32> to vector<1000x128xbf16>
    %get3A_17 = arith.constant 0 : index
    %get3A_18 = arith.constant 0 : index
    %get3A_19 = vector.load %arg5[%get3A_17, %get3A_18] : memref<128x512xf32, #tpu.memory_space<vmem>>, vector<128x512xf32>
    %convert_element_type3A_20 = arith.truncf %get3A_19 : vector<128x512xf32> to vector<128x512xbf16>
    %dot_general3A_21 = arith.constant dense<0.000000e+00> : vector<1000x512xf32>
    %dot_general3A_22 = tpu.matmul %convert_element_type3A_16, %convert_element_type3A_20, %dot_general3A_21 {dimension_numbers = #tpu.dot_dimension_numbers<[1], [0], [0], [1], [0, 0, 1, 1], [], []>, transpose_lhs_hint = false} : vector<1000x128xbf16>, vector<128x512xbf16>, vector<1000x512xf32> -> vector<1000x512xf32>
    %add3A = arith.addf %dot_general3A_10, %dot_general3A_22 : vector<1000x512xf32>
    %get3A_23 = arith.constant 0 : index
    %get3A_24 = arith.constant 0 : index
    %get3A_25 = vector.load %arg6[%get3A_23, %get3A_24] : memref<1x512xf32, #tpu.memory_space<vmem>>, vector<1x512xf32>
    %add3A_26 = vector.broadcast %get3A_25 : vector<1x512xf32> to vector<1000x512xf32>
    %add3A_27 = arith.addf %add3A, %add3A_26 : vector<1000x512xf32>
    %max3A = arith.constant 0.000000e+00 : f32
    %max3A_28 = vector.broadcast %max3A : f32 to vector<1000x512xf32>
    %max3A_29 = arith.maximumf %add3A_27, %max3A_28 : vector<1000x512xf32>
    %convert_element_type3A_30 = arith.truncf %max3A_29 : vector<1000x512xf32> to vector<1000x512xbf16>
    %get3A_31 = arith.constant 0 : index
    %get3A_32 = arith.constant 0 : index
    %get3A_33 = vector.load %arg7[%get3A_31, %get3A_32] : memref<512x128xf32, #tpu.memory_space<vmem>>, vector<512x128xf32>
    %convert_element_type3A_34 = arith.truncf %get3A_33 : vector<512x128xf32> to vector<512x128xbf16>
    %dot_general3A_35 = arith.constant dense<0.000000e+00> : vector<1000x128xf32>
    %dot_general3A_36 = tpu.matmul %convert_element_type3A_30, %convert_element_type3A_34, %dot_general3A_35 {dimension_numbers = #tpu.dot_dimension_numbers<[1], [0], [0], [1], [0, 0, 1, 1], [], []>, transpose_lhs_hint = false} : vector<1000x512xbf16>, vector<512x128xbf16>, vector<1000x128xf32> -> vector<1000x128xf32>
    %mul3A_37 = vector.broadcast %get3A_1 : vector<1000x1xf32> to vector<1000x128xf32>
    %mul3A_38 = arith.mulf %dot_general3A_36, %mul3A_37 : vector<1000x128xf32>
    %swap3A = arith.constant 0 : index
    %swap3A_39 = arith.constant 0 : index
    %swap3A_40 = vector.load %arg8[%swap3A, %swap3A_39] : memref<1000x128xf32, #tpu.memory_space<vmem>>, vector<1000x128xf32>
    tpu.vector_store %arg8[%swap3A, %swap3A_39], %mul3A_38 {strides = array<i32>} : memref<1000x128xf32, #tpu.memory_space<vmem>>, vector<1000x128xf32>,
    return
  }
  func.func @transform_0(%arg0: i32) -> (i32, i32) {
    %c0_i32 = arith.constant 0 : i32
    %c0_i32_0 = arith.constant 0 : i32
    return %arg0, %c0_i32 : i32, i32
  }
  func.func @transform_1(%arg0: i32) -> (i32, i32) {
    %c0_i32 = arith.constant 0 : i32
    %c0_i32_0 = arith.constant 0 : i32
    return %arg0, %c0_i32 : i32, i32
  }
  func.func @transform_2(%arg0: i32) -> (i32, i32) {
    %c0_i32 = arith.constant 0 : i32
    %c0_i32_0 = arith.constant 0 : i32
    return %arg0, %c0_i32 : i32, i32
  }
  func.func @transform_3(%arg0: i32) -> (i32, i32) {
    %c0_i32 = arith.constant 0 : i32
    %c0_i32_0 = arith.constant 0 : i32
    %c0_i32_1 = arith.constant 0 : i32
    return %c0_i32, %c0_i32_0 : i32, i32
  }
  func.func @transform_4(%arg0: i32) -> (i32, i32) {
    %c0_i32 = arith.constant 0 : i32
    %c0_i32_0 = arith.constant 0 : i32
    %c0_i32_1 = arith.constant 0 : i32
    return %c0_i32, %c0_i32_0 : i32, i32
  }
  func.func @transform_5(%arg0: i32) -> (i32, i32) {
    %c0_i32 = arith.constant 0 : i32
    %c0_i32_0 = arith.constant 0 : i32
    %c0_i32_1 = arith.constant 0 : i32
    return %c0_i32, %c0_i32_0 : i32, i32
  }
  func.func @transform_6(%arg0: i32) -> (i32, i32) {
    %c0_i32 = arith.constant 0 : i32
    %c0_i32_0 = arith.constant 0 : i32
    %c0_i32_1 = arith.constant 0 : i32
    return %c0_i32, %c0_i32_0 : i32, i32
  }
  func.func @transform_7(%arg0: i32) -> (i32, i32) {
    %c0_i32 = arith.constant 0 : i32
    %c0_i32_0 = arith.constant 0 : i32
    return %arg0, %c0_i32 : i32, i32
  }
}

</mosaic_0001>

<sc_bundles>
// kernel: kernel.11.cloned.1.call-start
scs
__scs_entry_jumppad:
0x0: {  	(pc) =	sbr.rel $0x88, $3  }
0x1: {  	(tag) =	ssettag $0x0;
	lr =	simm.s32 $0x1  }
0x2: {  	[smem:$0x3F9B] =	sst lr;
	_ =	strace $0xD0000000  }
0x3: {  	_ = 	snop  }
0x4: {  	_ = 	snop  }
0x5: {  	_ = 	snop  }
0x6: {  	_ = 	snop  }
0x7: {  	_ = 	snop  }
__scs_overlays_trampoline_lowered:
0x8: {  	[smem:$0x3FAA] =	sst s0  }
0x9: {  	[smem:$0x3FAB] =	sst s1  }
0xa: {  	[smem:$0x3FAC] =	sst s2  }
0xb: {  	[smem:$0x3FAD] =	sst s3  }
0xc: {  	[smem:$0x3FAE] =	sst s4  }
0xd: {  	[smem:$0x3FAF] =	sst s5  }
0xe: {  	[smem:$0x3FB0] =	sst s6  }
0xf: {  	[smem:$0x3FB1] =	sst s7  }
0x10: {  	[smem:$0x3FB2] =	sst s8  }
0x11: {  	[smem:$0x3FB3] =	sst s9;
	s0 =	simm.s32 @!p0 $0x0  }
0x12: {  	s1 =	sld [smem:$0x3F99];
	s0 =	simm.s32 @p0 $0x1  }
0x13: {  	[smem:$0x3FB4] =	sst s0;
	s0 =	simm.s32 @!p1 $0x0  }
0x14: {  	s2 =	sld [smem:$0x3F98];
	s0 =	simm.s32 @p1 $0x1  }
0x15: {  	[smem:$0x3FB5] =	sst s0;
	s0 =	simm.s32 @!p2 $0x0  }
0x16: {  	s3 =	sld [smem:$0x3FDB];
	s0 =	simm.s32 @p2 $0x1  }
0x17: {  	s4 =	simm.s32 $0x1BF5;
	[smem:$0x3FB7] =	sst s0  }
0x18: {  	s0 =	sld [smem:$0x3F9A];
	_ =	swait.ge [sflag:s4], $0x0  }
0x19: {  	s7 =	sld [smem:$0x3F9B]  }
0x1a: {  	s8 =	sadd.s32 $0xFFFFE003, lr  }
0x1b: {  	s9 =	sadd.s32 $0xFFFFFEF7, lr;
	s5 =	simm.s32 $0xFFFFFFFF;
	p2 =	slt.u32 s8, $0xFFFFF086  }
0x1c: {  	p1 =	slt.u32 s9, $0xF7A;
	s5 =	simm.s32 @!p2 $0x0  }
0x1d: {  	s5 =	simm.s32 @p1 $0x1;
	p0 =	seq.s32 s7, s2  }
0x1e: {  	s7 =	smul.u32 @!p0 $0xF7A, s2;
	p2 =	seq.s32 @!p0 s5, $0x0  }
0x1f: {  	s9 =	smul.u32 $0xF7A, s1;
	s8 =	simm.s32 @!p0 $0x1BF5;
	p2 =	por !p2, p0  }
0x20: {  	[sflag:s8] =	ssyncset.s32 @!p0 $0xFFFFF086;
	s6 =	sadd.s32 @!p0 s3, s7;
	s7 =	simm.s32 @!p0 $0x108  }
0x21: {  	s3 =	sadd.s32 s3, s9;
	s6 =	sadd.s32 @!p0 $0x88, s6;
	s7 =	simm.s32 @p2 $0x1082  }
0x22: {  	[simem:s7], [sflag:s8] =	dma.local @!p0 [hbm:s6], $0xF7A  }
0x23: {  	s9 =	sor.u32 $0xD0000000, s2;
	s6 =	simm.s32 $0x108;
	_ =	swait.ge @!p0 [sflag:s8], $0x0  }
0x24: {  	s3 =	sadd.s32 $0x88, s3;
	s6 =	simm.s32 @!p1 $0x1082;
	[sflag:s4] =	ssyncset.s32 $0xFFFFF086  }
0x25: {  	[simem:s6], [sflag:s4] =	dma.local [hbm:s3], $0xF7A  }
0x26: {  	[smem:$0x3F9B] =	sst s1;
	(tag) =	ssettag s2;
	_ =	strace s9  }
0x27: {  	s1 =	sld [smem:$0x3FAB]  }
0x28: {  	s2 =	sld [smem:$0x3FAC]  }
0x29: {  	s4 =	sld [smem:$0x3FAE]  }
0x2a: {  	p0 =	seq.s32 s5, $0x0;
	s5 =	sld [smem:$0x3FAF]  }
0x2b: {  	s6 =	sld [smem:$0x3FB0]  }
0x2c: {  	s7 =	sld [smem:$0x3FB1]  }
0x2d: {  	s3 =	simm.s32 $0x108;
	s8 =	sld [smem:$0x3FB2]  }
0x2e: {  	s3 =	simm.s32 @!p0 $0x1082;
	s9 =	sld [smem:$0x3FB3]  }
0x2f: {  	lr =	sadd.s32 s0, s3;
	s0 =	sld [smem:$0x3FAA]  }
0x30: {  	s3 =	sld [smem:$0x3FAD]  }
0x31: {  	[smem:$0x3FB6] =	sst s10  }
0x32: {  	s10 =	sld [smem:$0x3FB4];
	_ =	sdelay $0x3  }
0x33: {  	p0 =	seq.s32 s10, $0x1;
	s10 =	sld [smem:$0x3FB6];
	_ =	sdelay $0x3  }
0x34: {  	[smem:$0x3FB6] =	sst s10  }
0x35: {  	s10 =	sld [smem:$0x3FB5];
	_ =	sdelay $0x3  }
0x36: {  	p1 =	seq.s32 s10, $0x1;
	s10 =	sld [smem:$0x3FB6];
	_ =	sdelay $0x3  }
0x37: {  	[smem:$0x3FB6] =	sst s10  }
0x38: {  	s10 =	sld [smem:$0x3FB7]  }
0x39: {  	_ = 	snop;
	(pc) =	sbr.ind lr, $3  }
0x3a: {  	_ = 	snop  }
0x3b: {  	_ = 	snop  }
0x3c: {  	p2 =	seq.s32 s10, $0x1;
	s10 =	sld [smem:$0x3FB6]  }
0x3d: {  	_ =	shalt  }
0x3e: {  	_ =	shalt  }
0x3f: {  	_ =	shalt  }
0x40: {  	_ =	shalt  }
0x41: {  	_ =	shalt  }
0x42: {  	_ =	shalt  }
0x43: {  	_ =	shalt  }
0x44: {  	_ =	shalt  }
0x45: {  	_ =	shalt  }
0x46: {  	_ =	shalt  }
0x47: {  	_ =	shalt  }
0x48: {  	_ =	shalt  }
0x49: {  	_ =	shalt  }
0x4a: {  	_ =	shalt  }
0x4b: {  	_ =	shalt  }
0x4c: {  	_ =	shalt  }
0x4d: {  	_ =	shalt  }
0x4e: {  	_ =	shalt  }
0x4f: {  	_ =	shalt  }
0x50: {  	_ =	shalt  }
0x51: {  	_ =	shalt  }
0x52: {  	_ =	shalt  }
0x53: {  	_ =	shalt  }
0x54: {  	_ =	shalt  }
0x55: {  	_ =	shalt  }
0x56: {  	_ =	shalt  }
0x57: {  	_ =	shalt  }
0x58: {  	_ =	shalt  }
0x59: {  	_ =	shalt  }
0x5a: {  	_ =	shalt  }
0x5b: {  	_ =	shalt  }
0x5c: {  	_ =	shalt  }
0x5d: {  	_ =	shalt  }
0x5e: {  	_ =	shalt  }
0x5f: {  	_ =	shalt  }
0x60: {  	_ =	shalt  }
0x61: {  	_ =	shalt  }
0x62: {  	_ =	shalt  }
0x63: {  	_ =	shalt  }
0x64: {  	_ =	shalt  }
0x65: {  	_ =	shalt  }
0x66: {  	_ =	shalt  }
0x67: {  	_ =	shalt  }
0x68: {  	_ =	shalt  }
0x69: {  	_ =	shalt  }
0x6a: {  	_ =	shalt  }
0x6b: {  	_ =	shalt  }
0x6c: {  	_ =	shalt  }
0x6d: {  	_ =	shalt  }
0x6e: {  	_ =	shalt  }
0x6f: {  	_ =	shalt  }
0x70: {  	_ =	shalt  }
0x71: {  	_ =	shalt  }
0x72: {  	_ =	shalt  }
0x73: {  	_ =	shalt  }
0x74: {  	_ =	shalt  }
0x75: {  	_ =	shalt  }
0x76: {  	_ =	shalt  }
0x77: {  	_ =	shalt  }
0x78: {  	_ =	shalt  }
0x79: {  	_ =	shalt  }
0x7a: {  	_ =	shalt  }
0x7b: {  	_ =	shalt  }
0x7c: {  	_ =	shalt  }
0x7d: {  	_ =	shalt  }
0x7e: {  	_ =	shalt  }
0x7f: {  	_ =	shalt  }
0x80: {  	_ =	shalt  }
0x81: {  	_ =	shalt  }
0x82: {  	_ =	shalt  }
0x83: {  	_ =	shalt  }
0x84: {  	_ =	shalt  }
0x85: {  	_ =	shalt  }
0x86: {  	_ =	shalt  }
0x87: {  	_ =	shalt  }
.Lfunc_end0:
.L_simem_size_0:
called_computation.1_lowered:
.L_overlay_start_0:
0x88: {  	s2 =	sld [smem:$0x3FD9]  }
0x89: {  	s3 =	sld [smem:$0x3FFE];
	_ =	sdelay $0x1  }
0x8a: {  	s1 =	srdreg.scid  }
0x8b: {  	s0 =	sand.u32 $0x1, s1  }
0x8c: {  	s16 =	sshll.u32 s0, $0xA;
	s2 =	sadd.s32 s3, s2  }
0x8d: {  	s2 =	sadd.s32 s2, s16  }
0x8e: {  	[smem:$0x3FC2] =	sst s2  }
0x8f: {  	_ = 	snop  }
0x90: {  	(tm) =	ssettm $0x1  }
0x91: {  	s17 =	sld [smem:$0x3FFB];
	_ =	sdelay $0x3  }
0x92: {  	_ =	strace s17  }
0x93: {  	s2 =	sld [smem:$0x3FFC];
	_ =	sdelay $0x3  }
0x94: {  	_ =	strace s2  }
0x95: {  	s2 =	sld [smem:$0x3FFD];
	_ =	sdelay $0x3  }
0x96: {  	_ =	strace s2  }
0x97: {  	_ =	strace $0x8FFFFFFF  }
0x98: {  	s18 =	sld [smem:$0x3FDB];
	_ =	sdelay $0x1  }
0x99: {  	s19 =	simm.s32 $_scs_section_size  }
0x9a: {  	s4 =	simm.s32 $_size__tile_overlayer_lowered;
	s5 =	simm.s32 $_tile_overlayer_lowered  }
0x9b: {  	s22 =	simm.s32 $0x1BFF;
	s21 =	sshll.u32 s5, $0x1;
	s2 =	sadd.s32 s19, s18  }
0x9c: {  	s6 =	simm.s32 $0x0;
	s20 =	sshll.u32 s4, $0x1;
	s4 =	sadd.s32 s21, s2  }
0x9d: {  	[timem:s6], [sflag:s22] =	dma.local [hbm:s4], s20  }
0x9e: {  	_ =	swait.ge [sflag:s22], s20  }
0x9f: {  	s3 =	ssub.s32 $0x0, s20;
	[sflag:s22] =	ssyncset.done $0x0  }
0xa0: {  	[sflag:s22] =	ssyncadd.s32 s3;
	_ =	sdelay $0x1  }
0xa1: {  	s23 =	simm.s32 $0x1B8B  }
0xa2: {  	_ =	swait.ge [sflag:s23], $0x1  }
0xa3: {  	[sflag:s23] =	ssyncset.done $0x0  }
0xa4: {  	s25 =	simm.s32 $0x1B8E;
	s24 =	sld [smem:$0x3FFE];
	[sflag:s23] =	ssyncadd.s32 $0xFFFFFFFF  }
0xa5: {  	s26 =	simm.s32 $execute0_lowered;
	[smem:$0x3FD2] =	sst s25  }
0xa6: {  	s4 =	sshll.u32 s26, $0x1;
	_ =	strace $0x80000049;
	[dreg:$0x1] =	wrdreg $0xFFFFFFFF  }
0xa7: {  	s28 =	simm.s32 $_size_execute0_lowered;
	s2 =	sadd.s32 s2, s4;
	[dreg:$0x0] =	wrdreg $0x0  }
0xa8: {  	s4 =	sshll.u32 s28, $0x1;
	[dreg:$0x2] =	wrdreg s2  }
0xa9: {  	[dreg:$0x3] =	wrdreg s4  }
0xaa: {  	[dreg:$0x4] =	wrdreg $0xC0  }
0xab: {  	_ =	task [dreg:s6], $0x5FFFF  }
0xac: {  	[dreg:$0x1] =	wrdreg $0xFFFFFFFF  }
0xad: {  	[dreg:$0x0] =	wrdreg $0x60  }
0xae: {  	[dreg:$0x2] =	wrdreg s24  }
0xaf: {  	[dreg:$0x3] =	wrdreg $0xA5000  }
0xb0: {  	[dreg:$0x4] =	wrdreg $0x9  }
0xb1: {  	_ =	task.clear_ibuf [dreg:s6], $0x5FFFF;
	_ =	strace $0x90000049  }
0xb2: {  	s29 =	simm.s32 $0x9;
	_ =	strace $0x8000004B  }
0xb3: {  	_ =	swait.ge [sflag:s29], $0x1  }
0xb4: {  	[sflag:s29] =	ssyncadd.s32 $0xFFFFFFFF  }
0xb5: {  	_ =	strace $0x9000004B  }
0xb6: {  	_ =	sfence  }
0xb7: {  	s30 =	sld [smem:$0x0];
	_ =	sdelay $0x2  }
0xb8: {  	s31 =	sshll.u32 s1, $0xD;
	s1 =	sshrl.u32 s1, $0x2  }
0xb9: {  	s3 =	sand.u32 $0x4000, s31;
	s1 =	sadd.s32 s1, s30  }
0xba: {  	s0 =	sor.u32 s3, s0;
	s1 =	sshll.u32 s1, $0x11  }
0xbb: {  	s0 =	sor.u32 s1, s0  }
0xbc: {  	s0 =	sadd.s32 $0x8F2B, s0  }
0xbd: {  	[sflag:s0] =	ssyncadd.remote.s32 $0x1  }
0xbe: {  	_ =	sfence.sel $0xFFFF  }
0xbf: {  	[dreg:$0x0] =	wrdreg $0xFFFFFFFF;
	(pc) =	sbr.abs _section_cstart, $3  }
0xc0: {  	[dreg:$0x1] =	wrdreg $0xFFFFFFFF  }
0xc1: {  	_ =	task.clear_ibuf [dreg:s6], $0x2FFFF;
	_ =	strace $0x9FFFFFFF  }
0xc2: {  	(tm) =	ssettm $0x7FFFFFFF  }
0xc3: {  	_ =	shalt  }
tec
execute0_lowered:
.L_overlay_start_1:
0x0: {  	(tag) =	ssettag $0x1  }
0x1: {  	s0 =	rddreg [dreg:$0x0]  }
0x2: {  	s1 =	rddreg [dreg:$0x1];
	s3 =	simm.s32 $0x0  }
0x3: {  	s13 =	stileid.u32;
	s2 =	srdreg.scid;
	s29 =	simm.s32 $0x7  }
0x4: {  	s28 =	simm.s32 $0xD;
	s30 =	simm.s32 $0xE;
	s31 =	simm.s32 $0x9  }
0x5: {  	[smem:$0x7FF] =	sst s3;
	s14 =	sadd.s32 $0x34600, s0;
	s4 =	smul.u32 $0x2780, s13  }
0x6: {  	s26 =	sadd.s32 $0x5B800, s0;
	s2 =	sand.u32 $0x1, s2;
	s7 =	smul.u32 $0x4F000, s13  }
0x7: {  	s5 =	sadd.s32 $0x7600, s0;
	s16 =	smul.u32 $0x2800, s13;
	s18 =	sadd.s32 $0x80880, s0  }
0x8: {  	s20 =	sadd.s32 $0x59680, s0;
	_ =	strace $0x8000004A;
	[dreg:$0x7] =	wrdreg s18  }
0x9: {  	s8 =	sadd.s32 $0x2600, s0;
	s25 =	smul.u32 $0x500, s13;
	[dreg:$0x9] =	wrdreg s20  }
0xa: {  	s6 =	ssub.s32 $0x2, s2;
	p1 =	seq.s32 s2, $0x0;
	[dreg:$0x4] =	wrdreg s26  }
0xb: {  	p0 =	sne.s32 s2, $0x0;
	[dreg:$0x3] =	wrdreg s14;
	s9 =	sadd.s32 s4, s0  }
0xc: {  	s10 =	sshrl.u32 s6, $0x1;
	s7 =	sshrl.u32 s7, $0x2;
	s17 =	sadd.s32 s26, s4  }
0xd: {  	s4 =	sadd.s32 s14, s4;
	s19 =	sshrl.u32 s16, $0x3;
	s18 =	sadd.s32 s25, s8  }
0xe: {  	s26 =	smov.u32 @p1 s14;
	p2 =	seq.s32 @p0 s13, $0xF;
	[dreg:$0x6] =	wrdreg s17  }
0xf: {  	p4 =	seq.s32 @!p0 s13, $0xF;
	s7 =	sadd.s32 s7, s1;
	[dreg:$0x8] =	wrdreg s4  }
0x10: {  	s15 =	sadd.s32 s5, s19;
	s21 =	sor.u32 $0x8, s19;
	[dreg:$0x12] =	wrdreg s18  }
0x11: {  	s23 =	sor.u32 $0x10, s19;
	s4 =	sadd.s32 s8, s19;
	[dreg:$0x5] =	wrdreg s7  }
0x12: {  	s11 =	sor.u32 $0x18, s19;
	s19 =	sadd.s32 s25, s5;
	[dreg:$0xe] =	wrdreg s4  }
0x13: {  	s6 =	ssub.s32 s6, s10;
	s20 =	sadd.s32 $0xD0E00, s9;
	[dreg:$0x13] =	wrdreg s19  }
0x14: {  	p1 =	por !p2, !p0;
	p2 =	por p2, !p0;
	[dreg:$0x14] =	wrdreg s20  }
0x15: {  	p3 =	por !p4, p0;
	s22 =	sadd.s32 s5, s21;
	[dreg:$0xa] =	wrdreg s15  }
0x16: {  	p4 =	por p4, p0;
	s12 =	sadd.s32 s5, s23;
	[dreg:$0xb] =	wrdreg s22  }
0x17: {  	s18 =	simm.s32 $0xB;
	s24 =	sadd.s32 s5, s11;
	[dreg:$0xc] =	wrdreg s12  }
0x18: {  	s10 =	simm.s32 $0x0;
	s7 =	sadd.s32 s8, s21;
	[dreg:$0xd] =	wrdreg s24  }
0x19: {  	s16 =	sadd.s32 s8, s23;
	s17 =	sadd.s32 s8, s11;
	[dreg:$0xf] =	wrdreg s7  }
0x1a: {  	s21 =	sadd.s32 $0xF5E80, s0;
	s0 =	sadd.s32 $0xCEC80, s0;
	[dreg:$0x10] =	wrdreg s16  }
0x1b: {  	s23 =	smax.u32 s6, $0x1;
	s25 =	sadd.s32 $0x20, s15;
	[dreg:$0x11] =	wrdreg s17  }
0x1c: {  	s5 =	simm.s32 $0x40;
	s6 =	simm.s32 $0x10;
	[dreg:$0x15] =	wrdreg s21  }
0x1d: {  	s20 =	simm.s32 $0x8;
	s19 =	simm.s32 $0x11;
	[dreg:$0x17] =	wrdreg s0  }
.Ltmp0:
0x1e: {  	s8 =	simm.s32 $0xA;
	[dreg:$0x18] =	wrdreg s23;
	(pc) =	sbr.rel .LBB2_1-.Ltmp0, $4  }
0x1f: {  	s22 =	sadd.s32 $0xA9C00, s9;
	s24 =	sadd.s32 $0x128400, s1;
	[dreg:$0x1a] =	wrdreg s25  }
0x20: {  	s17 =	simm.s32 $0x300;
	s21 =	simm.s32 $0x6;
	s25 =	simm.s32 $0xC  }
0x21: {  	s0 =	simm.s32 $0x12;
	s7 =	simm.s32 $0xF;
	[dreg:$0x16] =	wrdreg s22  }
0x22: {  	s9 =	simm.s32 $0x13;
	[dreg:$0x19] =	wrdreg s24;
	s22 =	simm.s32 $0x5  }
.LBB2_4:
0x23: {  	_ =	swait.ge [sflag:s25], $0x2000  }
0x24: {  	[sflag:s25] =	ssyncset.done $0x0  }
0x25: {  	[sflag:s25] =	ssyncadd.s32 $0xFFFFE000  }
0x26: {  	_ =	swait.ge [sflag:s29], $0x40  }
0x27: {  	[sflag:s29] =	ssyncset.done $0x0  }
0x28: {  	s17 =	simm.s32 $0x300;
	s2 =	simm.s32 $0x2500;
	[sflag:s29] =	ssyncadd.s32 $0xFFFFFFC0  }
0x29: {  	[spmem:s1] =	stream.indirect.scatter.add.f32 [tilespmem:s2], [sflag:$0x11], $0x80, s17, s5, $0xb8;
	[tilespmem:$0x1E500] =	vst v63  }
0x2a: {  	_ =	swait.ge [sflag:s6], $0x2000  }
0x2b: {  	[sflag:s6] =	ssyncset.done $0x0  }
0x2c: {  	[sflag:s6] =	ssyncadd.s32 $0xFFFFE000  }
0x2d: {  	_ =	swait.ge [sflag:s28], $0x2000  }
0x2e: {  	[sflag:s28] =	ssyncset.done $0x0  }
0x2f: {  	[sflag:s28] =	ssyncadd.s32 $0xFFFFE000  }
0x30: {  	_ =	swait.ge [sflag:s20], $0x40  }
0x31: {  	[sflag:s20] =	ssyncset.done $0x0  }
0x32: {  	s13 =	simm.s32 $0x380;
	s4 =	simm.s32 $0x4500;
	[sflag:s20] =	ssyncadd.s32 $0xFFFFFFC0  }
0x33: {  	[spmem:s1] =	stream.indirect.scatter.add.f32 [tilespmem:s4], [sflag:$0x12], $0x80, s13, s5, $0xb8;
	[tilespmem:$0x1E500] =	vst v63  }
0x34: {  	_ =	swait.ge [sflag:s19], $0x2000  }
0x35: {  	[sflag:s19] =	ssyncset.done $0x0  }
0x36: {  	[sflag:s19] =	ssyncadd.s32 $0xFFFFE000  }
0x37: {  	_ =	swait.ge [sflag:s30], $0x2000  }
0x38: {  	[sflag:s30] =	ssyncset.done $0x0  }
0x39: {  	[sflag:s30] =	ssyncadd.s32 $0xFFFFE000  }
0x3a: {  	_ =	swait.ge [sflag:s31], $0x40  }
0x3b: {  	[sflag:s31] =	ssyncset.done $0x0  }
0x3c: {  	[sflag:s31] =	ssyncadd.s32 $0xFFFFFFC0  }
0x3d: {  	[spmem:s1] =	stream.indirect.scatter.add.f32 [tilespmem:s15], [sflag:$0x13], $0x80, s24, s5, $0xb8;
	[tilespmem:$0x1E500] =	vst v63  }
0x3e: {  	_ =	swait.ge [sflag:s0], $0x2000  }
0x3f: {  	[sflag:s0] =	ssyncset.done $0x0  }
0x40: {  	[sflag:s0] =	ssyncadd.s32 $0xFFFFE000  }
0x41: {  	_ =	swait.ge [sflag:s7], $0x2000  }
0x42: {  	[sflag:s7] =	ssyncset.done $0x0  }
0x43: {  	[sflag:s7] =	ssyncadd.s32 $0xFFFFE000  }
0x44: {  	_ =	swait.ge [sflag:s8], $0x40  }
0x45: {  	[sflag:s8] =	ssyncset.done $0x0  }
0x46: {  	[sflag:s8] =	ssyncadd.s32 $0xFFFFFFC0  }
0x47: {  	[spmem:s1] =	stream.indirect.scatter.add.f32 [tilespmem:s12], [sflag:$0x14], $0x80, s14, s5, $0xb8;
	[tilespmem:$0x1E500] =	vst v63  }
0x48: {  	_ =	swait.ge [sflag:s9], $0x2000  }
0x49: {  	[sflag:s9] =	ssyncset.done $0x0  }
0x4a: {  	s16 =	simm.s32 $0x14;
	[sflag:s9] =	ssyncadd.s32 $0xFFFFE000  }
0x4b: {  	_ =	swait.ge [sflag:s16], $0x2000  }
0x4c: {  	[sflag:s16] =	ssyncset.done $0x0  }
0x4d: {  	[sflag:s16] =	ssyncadd.s32 $0xFFFFE000  }
0x4e: {  	[bflag:$0x0] =	sbarrier.arrive $0xFFFF  }
0x4f: {  	s4 =	rddreg [dreg:$0x15]  }
0x50: {  	s2 =	simm.s32 @!p1 $0x1FD5;
	s10 =	rddreg [dreg:$0x1c]  }
0x51: {  	[hbm:s4], [sflag:s2] =	dma.local @!p1 [spmem:s10], $0x2080  }
0x52: {  	s2 =	simm.s32 @!p1 $0x15  }
0x53: {  	_ =	swait.ge @!p1 [sflag:s2], $0x2080  }
0x54: {  	s4 =	rddreg [dreg:$0x1d]  }
0x55: {  	[sflag:s2] =	ssyncset.done @!p1 $0x0;
	s10 =	rddreg [dreg:$0x1e]  }
0x56: {  	[sflag:s2] =	ssyncadd.s32 @!p1 $0xFFFFDF80;
	s2 =	rddreg [dreg:$0x14]  }
0x57: {  	[hbm:s2], [sflag:s4] =	dma.local @!p2 [spmem:s10], $0x2780  }
0x58: {  	s2 =	simm.s32 @!p2 $0x15  }
0x59: {  	_ =	swait.ge @!p2 [sflag:s2], $0x2780  }
0x5a: {  	[sflag:s2] =	ssyncset.done @!p2 $0x0;
	s4 =	rddreg [dreg:$0x17]  }
0x5b: {  	s10 =	rddreg [dreg:$0x1f];
	[sflag:s2] =	ssyncadd.s32 @!p2 $0xFFFFD880;
	s2 =	simm.s32 @!p3 $0x1FD5  }
0x5c: {  	[hbm:s4], [sflag:s2] =	dma.local @!p3 [spmem:s10], $0x2080  }
0x5d: {  	s2 =	simm.s32 @!p3 $0x15  }
0x5e: {  	_ =	swait.ge @!p3 [sflag:s2], $0x2080  }
0x5f: {  	s4 =	sld [smem:$0x7FC]  }
0x60: {  	s10 =	sld [smem:$0x7FD]  }
0x61: {  	[sflag:s2] =	ssyncset.done @!p3 $0x0  }
0x62: {  	[sflag:s2] =	ssyncadd.s32 @!p3 $0xFFFFDF80;
	s2 =	rddreg [dreg:$0x16]  }
0x63: {  	[hbm:s2], [sflag:s4] =	dma.local @!p4 [spmem:s10], $0x2780  }
0x64: {  	s2 =	simm.s32 @!p4 $0x15  }
0x65: {  	_ =	swait.ge @!p4 [sflag:s2], $0x2780  }
0x66: {  	s23 =	rddreg [dreg:$0x1b]  }
0x67: {  	s24 =	rddreg [dreg:$0x18];
	s10 =	sadd.s32 $0x1, s23  }
0x68: {  	p5 =	sne.s32 s10, s24  }
.Ltmp1:
0x69: {  	_ = 	snop;
	(pc) =	sbr.rel @!p5 .LBB2_5-.Ltmp1, $3  }
0x6a: {  	_ =	sdelay $0x1  }
0x6b: {  	[sflag:s2] =	ssyncset.done @!p4 $0x0  }
0x6c: {  	[sflag:s2] =	ssyncadd.s32 @!p4 $0xFFFFD880  }
.LBB2_1:
0x6d: {  	[dreg:$0x1b] =	wrdreg s10  }
0x6e: {  	s10 =	rddreg [dreg:$0x19]  }
0x6f: {  	s4 =	rddreg [dreg:$0x7];
	s11 =	sshrl.u32 @!p1 s10, $0x3  }
0x70: {  	s2 =	simm.s32 @!p1 $0x1FD5;
	[dreg:$0x1c] =	wrdreg s11  }
0x71: {  	[spmem:s11], [sflag:s2] =	dma.local @!p1 [hbm:s4], $0x2080  }
0x72: {  	s12 =	stileid.u32;
	s2 =	simm.s32 @!p1 $0x15  }
0x73: {  	s4 =	sshll.u32 @!p2 s12, $0x6;
	_ =	swait.ge @!p1 [sflag:s2], $0x2080  }
0x74: {  	s4 =	sor.u32 @!p2 $0x1C15, s4;
	s14 =	rddreg [dreg:$0x5]  }
0x75: {  	[sflag:s2] =	ssyncset.done @!p1 $0x0;
	[dreg:$0x1d] =	wrdreg s4  }
0x76: {  	[sflag:s2] =	ssyncadd.s32 @!p1 $0xFFFFDF80;
	s11 =	sshrl.u32 @!p2 s14, $0x3;
	s2 =	rddreg [dreg:$0x6]  }
0x77: {  	[dreg:$0x1e] =	wrdreg s11  }
0x78: {  	[spmem:s11], [sflag:s4] =	dma.local @!p2 [hbm:s2], $0x2780  }
0x79: {  	s2 =	simm.s32 @!p2 $0x15  }
0x7a: {  	s10 =	sshrl.u32 @!p3 s10, $0x3;
	_ =	swait.ge @!p2 [sflag:s2], $0x2780  }
0x7b: {  	[dreg:$0x1f] =	wrdreg s10;
	[sflag:s2] =	ssyncset.done @!p2 $0x0  }
0x7c: {  	s4 =	rddreg [dreg:$0x9];
	[sflag:s2] =	ssyncadd.s32 @!p2 $0xFFFFD880;
	s2 =	simm.s32 @!p3 $0x1FD5  }
0x7d: {  	[spmem:s10], [sflag:s2] =	dma.local @!p3 [hbm:s4], $0x2080  }
0x7e: {  	s2 =	simm.s32 @!p3 $0x15;
	s4 =	sshll.u32 @!p4 s12, $0x6  }
0x7f: {  	_ =	swait.ge @!p3 [sflag:s2], $0x2080;
	s4 =	sor.u32 @!p4 $0x1C15, s4  }
0x80: {  	s10 =	sshrl.u32 @!p4 s14, $0x3;
	[smem:$0x7FC] =	sst s4  }
0x81: {  	[sflag:s2] =	ssyncset.done @!p3 $0x0;
	[smem:$0x7FD] =	sst s10  }
0x82: {  	[sflag:s2] =	ssyncadd.s32 @!p3 $0xFFFFDF80;
	s2 =	rddreg [dreg:$0x8]  }
0x83: {  	[spmem:s10], [sflag:s4] =	dma.local @!p4 [hbm:s2], $0x2780  }
0x84: {  	s2 =	simm.s32 @!p4 $0x15  }
0x85: {  	_ =	swait.ge @!p4 [sflag:s2], $0x2780  }
0x86: {  	[sflag:s2] =	ssyncset.done @!p4 $0x0  }
0x87: {  	[sflag:s2] =	ssyncadd.s32 @!p4 $0xFFFFD880  }
0x88: {  	[bflag:$0x0] =	sbarrier.arrive $0xFFFF  }
0x89: {  	s23 =	rddreg [dreg:$0xa]  }
0x8a: {  	[tilespmem:s3], [sflag:$0x1] =	stream.linear.gather [hbm4b:s23+s3], $0x40, $0x38;
	[tilespmem:$0x1E500] =	vst v63  }
0x8b: {  	s10 =	simm.s32 $0x80;
	s4 =	rddreg [dreg:$0xb]  }
0x8c: {  	[tilespmem:s10], [sflag:$0x2] =	stream.linear.gather [hbm4b:s4+s3], $0x40, $0x38;
	[tilespmem:$0x1E500] =	vst v63  }
0x8d: {  	s14 =	simm.s32 $0x100;
	s11 =	rddreg [dreg:$0xc]  }
0x8e: {  	[tilespmem:s14], [sflag:$0x3] =	stream.linear.gather [hbm4b:s11+s3], $0x40, $0x38;
	[tilespmem:$0x1E500] =	vst v63  }
0x8f: {  	s16 =	simm.s32 $0x180;
	s12 =	rddreg [dreg:$0xd]  }
0x90: {  	[tilespmem:s16], [sflag:$0x4] =	stream.linear.gather [hbm4b:s12+s3], $0x40, $0x38;
	[tilespmem:$0x1E500] =	vst v63  }
0x91: {  	s4 =	rddreg [dreg:$0x1a];
	s11 =	simm.s32 $0x200  }
0x92: {  	[tilespmem:s11], [sflag:$0x5] =	stream.linear.gather [hbm4b:s4+s3], $0x40, $0x38;
	[tilespmem:$0x1E500] =	vst v63  }
0x93: {  	s23 =	simm.s32 $0x280;
	s12 =	rddreg [dreg:$0xe]  }
0x94: {  	[tilespmem:s23], [sflag:$0x6] =	stream.linear.gather [hbm4b:s12+s3], $0x40, $0x38;
	[tilespmem:$0x1E500] =	vst v63  }
0x95: {  	s4 =	rddreg [dreg:$0xf]  }
0x96: {  	[tilespmem:s17], [sflag:$0x7] =	stream.linear.gather [hbm4b:s4+s3], $0x40, $0x38;
	[tilespmem:$0x1E500] =	vst v63  }
0x97: {  	s24 =	simm.s32 $0x380;
	s11 =	rddreg [dreg:$0x10]  }
0x98: {  	[tilespmem:s24], [sflag:$0x8] =	stream.linear.gather [hbm4b:s11+s3], $0x40, $0x38;
	[tilespmem:$0x1E500] =	vst v63  }
0x99: {  	s12 =	rddreg [dreg:$0x11];
	s17 =	simm.s32 $0x1;
	s24 =	simm.s32 $0x400  }
0x9a: {  	[tilespmem:s24], [sflag:$0x9] =	stream.linear.gather [hbm4b:s12+s3], $0x40, $0x38;
	[tilespmem:$0x1E500] =	vst v63  }
0x9b: {  	_ =	swait.ge [sflag:s17], $0x40  }
0x9c: {  	s2 =	rddreg [dreg:$0x3]  }
0x9d: {  	s13 =	simm.s32 $0x500;
	[sflag:s17] =	ssyncset.done $0x0;
	s4 =	rddreg [dreg:$0x4]  }
0x9e: {  	s11 =	simm.s32 $0x2;
	s2 =	smov.u32 @p0 s4;
	[sflag:s17] =	ssyncadd.s32 $0xFFFFFFC0  }
0x9f: {  	[tilespmem:s13], [sflag:$0xB] =	stream.indirect.gather [hbm4b:s2+s5], $0x80, s3, s5, $0xb8;
	[tilespmem:$0x1E500] =	vst v63  }
0xa0: {  	_ =	swait.ge [sflag:s11], $0x40  }
0xa1: {  	[sflag:s11] =	ssyncset.done $0x0  }
0xa2: {  	s17 =	simm.s32 $0x2500;
	[sflag:s11] =	ssyncadd.s32 $0xFFFFFFC0;
	s11 =	simm.s32 $0x3  }
0xa3: {  	[tilespmem:s17], [sflag:$0xC] =	stream.indirect.gather [hbm4b:s2+s5], $0x80, s10, s5, $0xb8;
	[tilespmem:$0x1E500] =	vst v63  }
0xa4: {  	_ =	swait.ge [sflag:s11], $0x40  }
0xa5: {  	[sflag:s11] =	ssyncset.done $0x0  }
0xa6: {  	s15 =	simm.s32 $0x4500;
	s17 =	simm.s32 $0x4;
	[sflag:s11] =	ssyncadd.s32 $0xFFFFFFC0  }
0xa7: {  	[tilespmem:s15], [sflag:$0xD] =	stream.indirect.gather [hbm4b:s2+s5], $0x80, s14, s5, $0xb8;
	[tilespmem:$0x1E500] =	vst v63  }
0xa8: {  	s12 =	simm.s32 $0x8500;
	_ =	swait.ge [sflag:s17], $0x40  }
0xa9: {  	s4 =	simm.s32 $0x200;
	s10 =	simm.s32 $0x0;
	[sflag:s17] =	ssyncset.done $0x0  }
0xaa: {  	s14 =	simm.s32 $0x480;
	s15 =	simm.s32 $0x6500;
	[sflag:s17] =	ssyncadd.s32 $0xFFFFFFC0  }
0xab: {  	[tilespmem:s15], [sflag:$0xE] =	stream.indirect.gather [hbm4b:s2+s5], $0x80, s16, s5, $0xb8;
	[tilespmem:$0x1E500] =	vst v63  }
.LBB2_2:
0xac: {  	_ =	swait.ge [sflag:s18], $0x2000  }
0xad: {  	[sflag:s18] =	ssyncset.done $0x0  }
0xae: {  	[sflag:s18] =	ssyncadd.s32 $0xFFFFE000  }
0xaf: {  	_ =	swait.ge [sflag:s21], $0x40  }
0xb0: {  	p5 =	seq.s32 s10, $0x0;
	[sflag:s21] =	ssyncset.done $0x0  }
0xb1: {  	s2 =	simm.s32 @!p5 $0x14;
	[sflag:s21] =	ssyncadd.s32 $0xFFFFFFC0  }
0xb2: {  	[spmem:s1] =	stream.indirect.scatter.add.f32 [tilespmem:s13], [sflag:$0x10], $0x80, s23, s5, $0xb8;
	[tilespmem:$0x1E500] =	vst v63  }
0xb3: {  	_ =	swait.ge @!p5 [sflag:s2], $0x2000  }
0xb4: {  	[sflag:s2] =	ssyncset.done @!p5 $0x0  }
0xb5: {  	[sflag:s2] =	ssyncadd.s32 @!p5 $0xFFFFE000  }
0xb6: {  	_ =	swait.ge [sflag:s22], $0x40  }
0xb7: {  	p5 =	seq.s32 s10, $0x4D8;
	[sflag:s22] =	ssyncset.done $0x0  }
.Ltmp2:
0xb8: {  	s23 =	rddreg [dreg:$0x12];
	[sflag:s22] =	ssyncadd.s32 $0xFFFFFFC0;
	(pc) =	sbr.rel @p5 .LBB2_4-.Ltmp2, $4  }
0xb9: {  	[tilespmem:s12], [sflag:$0xF] =	stream.indirect.gather [hbm4b:s26+s5], $0x80, s4, s5, $0xb8;
	[tilespmem:$0x1E500] =	vst v63  }
0xba: {  	s17 =	simm.s32 $0x200;
	s4 =	sadd.s32 s10, s23  }
0xbb: {  	s16 =	simm.s32 $0x280;
	s13 =	simm.s32 $0x500;
	s2 =	sadd.s32 $0x20, s4  }
0xbc: {  	[tilespmem:s14], [sflag:$0xA] =	stream.linear.gather [hbm4b:s2+s3], $0x40, $0x38;
	[tilespmem:$0x1E500] =	vst v63  }
0xbd: {  	s2 =	rddreg [dreg:$0x13]  }
0xbe: {  	s2 =	sadd.s32 s10, s2  }
0xbf: {  	s14 =	sadd.s32 $0x28, s2  }
0xc0: {  	[tilespmem:s3], [sflag:$0x1] =	stream.linear.gather [hbm4b:s14+s3], $0x40, $0x38;
	[tilespmem:$0x1E500] =	vst v63  }
0xc1: {  	_ =	swait.ge [sflag:s25], $0x2000  }
0xc2: {  	[sflag:s25] =	ssyncset.done $0x0  }
0xc3: {  	[sflag:s25] =	ssyncadd.s32 $0xFFFFE000  }
0xc4: {  	_ =	swait.ge [sflag:s29], $0x40  }
0xc5: {  	[sflag:s29] =	ssyncset.done $0x0  }
0xc6: {  	s24 =	simm.s32 $0x300;
	s15 =	simm.s32 $0x2500;
	[sflag:s29] =	ssyncadd.s32 $0xFFFFFFC0  }
0xc7: {  	[spmem:s1] =	stream.indirect.scatter.add.f32 [tilespmem:s15], [sflag:$0x11], $0x80, s24, s5, $0xb8;
	[tilespmem:$0x1E500] =	vst v63  }
0xc8: {  	_ =	swait.ge [sflag:s6], $0x2000  }
0xc9: {  	[sflag:s6] =	ssyncset.done $0x0  }
0xca: {  	s12 =	simm.s32 $0x1;
	[sflag:s6] =	ssyncadd.s32 $0xFFFFE000  }
0xcb: {  	_ =	swait.ge [sflag:s12], $0x40  }
0xcc: {  	[sflag:s12] =	ssyncset.done $0x0  }
0xcd: {  	[sflag:s12] =	ssyncadd.s32 $0xFFFFFFC0  }
0xce: {  	[tilespmem:s13], [sflag:$0xB] =	stream.indirect.gather [hbm4b:s26+s5], $0x80, s3, s5, $0xb8;
	[tilespmem:$0x1E500] =	vst v63  }
0xcf: {  	s11 =	sadd.s32 $0x28, s4  }
0xd0: {  	[tilespmem:s16], [sflag:$0x6] =	stream.linear.gather [hbm4b:s11+s3], $0x40, $0x38;
	[tilespmem:$0x1E500] =	vst v63  }
0xd1: {  	s12 =	sadd.s32 $0x30, s2;
	s16 =	simm.s32 $0x80  }
0xd2: {  	[tilespmem:s16], [sflag:$0x2] =	stream.linear.gather [hbm4b:s12+s3], $0x40, $0x38;
	[tilespmem:$0x1E500] =	vst v63  }
0xd3: {  	_ =	swait.ge [sflag:s28], $0x2000  }
0xd4: {  	[sflag:s28] =	ssyncset.done $0x0  }
0xd5: {  	[sflag:s28] =	ssyncadd.s32 $0xFFFFE000  }
0xd6: {  	_ =	swait.ge [sflag:s20], $0x40  }
0xd7: {  	[sflag:s20] =	ssyncset.done $0x0  }
0xd8: {  	s11 =	simm.s32 $0x4500;
	s12 =	simm.s32 $0x380;
	[sflag:s20] =	ssyncadd.s32 $0xFFFFFFC0  }
0xd9: {  	[spmem:s1] =	stream.indirect.scatter.add.f32 [tilespmem:s11], [sflag:$0x12], $0x80, s12, s5, $0xb8;
	[tilespmem:$0x1E500] =	vst v63  }
0xda: {  	_ =	swait.ge [sflag:s19], $0x2000  }
0xdb: {  	[sflag:s19] =	ssyncset.done $0x0  }
0xdc: {  	s14 =	simm.s32 $0x2;
	[sflag:s19] =	ssyncadd.s32 $0xFFFFE000  }
0xdd: {  	_ =	swait.ge [sflag:s14], $0x40  }
0xde: {  	[sflag:s14] =	ssyncset.done $0x0  }
0xdf: {  	[sflag:s14] =	ssyncadd.s32 $0xFFFFFFC0  }
0xe0: {  	[tilespmem:s15], [sflag:$0xC] =	stream.indirect.gather [hbm4b:s26+s5], $0x80, s16, s5, $0xb8;
	[tilespmem:$0x1E500] =	vst v63  }
0xe1: {  	s16 =	sadd.s32 $0x30, s4  }
0xe2: {  	[tilespmem:s24], [sflag:$0x7] =	stream.linear.gather [hbm4b:s16+s3], $0x40, $0x38;
	[tilespmem:$0x1E500] =	vst v63  }
0xe3: {  	s14 =	sadd.s32 $0x38, s2;
	s16 =	simm.s32 $0x100  }
0xe4: {  	[tilespmem:s16], [sflag:$0x3] =	stream.linear.gather [hbm4b:s14+s3], $0x40, $0x38;
	[tilespmem:$0x1E500] =	vst v63  }
0xe5: {  	_ =	swait.ge [sflag:s30], $0x2000  }
0xe6: {  	[sflag:s30] =	ssyncset.done $0x0  }
0xe7: {  	[sflag:s30] =	ssyncadd.s32 $0xFFFFE000  }
0xe8: {  	_ =	swait.ge [sflag:s31], $0x40  }
0xe9: {  	[sflag:s31] =	ssyncset.done $0x0  }
0xea: {  	s15 =	simm.s32 $0x6500;
	s24 =	simm.s32 $0x400;
	[sflag:s31] =	ssyncadd.s32 $0xFFFFFFC0  }
0xeb: {  	[spmem:s1] =	stream.indirect.scatter.add.f32 [tilespmem:s15], [sflag:$0x13], $0x80, s24, s5, $0xb8;
	[tilespmem:$0x1E500] =	vst v63  }
0xec: {  	_ =	swait.ge [sflag:s0], $0x2000  }
0xed: {  	[sflag:s0] =	ssyncset.done $0x0  }
0xee: {  	s14 =	simm.s32 $0x3;
	[sflag:s0] =	ssyncadd.s32 $0xFFFFE000  }
0xef: {  	_ =	swait.ge [sflag:s14], $0x40  }
0xf0: {  	[sflag:s14] =	ssyncset.done $0x0  }
0xf1: {  	[sflag:s14] =	ssyncadd.s32 $0xFFFFFFC0  }
0xf2: {  	[tilespmem:s11], [sflag:$0xD] =	stream.indirect.gather [hbm4b:s26+s5], $0x80, s16, s5, $0xb8;
	[tilespmem:$0x1E500] =	vst v63  }
0xf3: {  	s16 =	sadd.s32 $0x38, s4  }
0xf4: {  	[tilespmem:s12], [sflag:$0x8] =	stream.linear.gather [hbm4b:s16+s3], $0x40, $0x38;
	[tilespmem:$0x1E500] =	vst v63  }
0xf5: {  	s11 =	sadd.s32 $0x40, s2;
	s16 =	simm.s32 $0x180  }
0xf6: {  	[tilespmem:s16], [sflag:$0x4] =	stream.linear.gather [hbm4b:s11+s3], $0x40, $0x38;
	[tilespmem:$0x1E500] =	vst v63  }
0xf7: {  	_ =	swait.ge [sflag:s7], $0x2000  }
0xf8: {  	[sflag:s7] =	ssyncset.done $0x0  }
0xf9: {  	[sflag:s7] =	ssyncadd.s32 $0xFFFFE000  }
0xfa: {  	_ =	swait.ge [sflag:s8], $0x40  }
0xfb: {  	[sflag:s8] =	ssyncset.done $0x0  }
0xfc: {  	s14 =	simm.s32 $0x480;
	s12 =	simm.s32 $0x8500;
	[sflag:s8] =	ssyncadd.s32 $0xFFFFFFC0  }
0xfd: {  	[spmem:s1] =	stream.indirect.scatter.add.f32 [tilespmem:s12], [sflag:$0x14], $0x80, s14, s5, $0xb8;
	[tilespmem:$0x1E500] =	vst v63  }
0xfe: {  	_ =	swait.ge [sflag:s9], $0x2000  }
0xff: {  	[sflag:s9] =	ssyncset.done $0x0  }
0x100: {  	s11 =	simm.s32 $0x4;
	[sflag:s9] =	ssyncadd.s32 $0xFFFFE000  }
0x101: {  	_ =	swait.ge [sflag:s11], $0x40  }
0x102: {  	[sflag:s11] =	ssyncset.done $0x0  }
0x103: {  	[sflag:s11] =	ssyncadd.s32 $0xFFFFFFC0  }
0x104: {  	[tilespmem:s15], [sflag:$0xE] =	stream.indirect.gather [hbm4b:s26+s5], $0x80, s16, s5, $0xb8;
	[tilespmem:$0x1E500] =	vst v63  }
.Ltmp3:
0x105: {  	_ = 	snop;
	(pc) =	sbr.rel .LBB2_2-.Ltmp3, $4  }
0x106: {  	s23 =	simm.s32 $0x280;
	s10 =	sadd.s32 $0x28, s10;
	s16 =	sadd.s32 $0x40, s4  }
0x107: {  	[tilespmem:s24], [sflag:$0x9] =	stream.linear.gather [hbm4b:s16+s3], $0x40, $0x38;
	[tilespmem:$0x1E500] =	vst v63  }
0x108: {  	s13 =	simm.s32 $0x500;
	s2 =	sadd.s32 $0x48, s2;
	s4 =	simm.s32 $0x200  }
0x109: {  	[tilespmem:s17], [sflag:$0x5] =	stream.linear.gather [hbm4b:s2+s3], $0x40, $0x38;
	[tilespmem:$0x1E500] =	vst v63  }
.LBB2_5:
0x10a: {  	_ =	sfence.sel $0x180000  }
0x10b: {  	[bflag:$0x0] =	sbarrier.arrive $0xFFFF  }
0x10c: {  	_ =	strace $0x9000004A  }
0x10d: {  	s0 =	stileid.u32;
	[bflag:$0x2] =	sbarrier.arrive $0xFFFF  }
0x10e: {  	p0 =	sne.s32 s0, $0x0;
	s0 =	rddreg [dreg:$0x2]  }
0x10f: {  	s0 =	sadd.s32 @!p0 $0x100000, s0  }
0x110: {  	[sflag:s0] =	ssyncadd.tile.s32 @!p0 $0x1;
	_ =	shalt  }
.Lfunc_end2:
_tile_overlayer_lowered:
.L_overlay_start_2:
0x111: {  	(tag) =	ssettag $0x2  }
0x112: {  	s0 =	rddreg [dreg:$0x0];
	s2 =	stileid.u32  }
0x113: {  	s1 =	rddreg [dreg:$0x1];
	p0 =	sne.s32 s2, $0x0  }
0x114: {  	s3 =	rddreg [dreg:$0x2];
	[bflag:$0x3] =	sbarrier.arrive $0xFFFF;
	s2 =	simm.s32 @!p0 $0x1C15  }
0x115: {  	[timem:s3], [sflag:s2] =	dma.local @!p0 [hbm:s0], s1  }
0x116: {  	s0 =	simm.s32 @!p0 $0x15  }
0x117: {  	_ =	swait.ge @!p0 [sflag:s0], s1  }
0x118: {  	s1 =	ssub.s32 @!p0 $0x0, s1;
	[sflag:s0] =	ssyncset.done @!p0 $0x0  }
0x119: {  	[sflag:s0] =	ssyncadd.s32 @!p0 s1  }
0x11a: {  	[bflag:$0x3] =	sbarrier.arrive $0xFFFF  }
0x11b: {  	_ =	shalt  }

// kernel: kernel.14.cloned.1.call-start
scs
__scs_entry_jumppad:
0x0: {  	(pc) =	sbr.rel $0x88, $3  }
0x1: {  	(tag) =	ssettag $0x0;
	lr =	simm.s32 $0x1  }
0x2: {  	[smem:$0x3F9B] =	sst lr;
	_ =	strace $0xD0000000  }
0x3: {  	_ = 	snop  }
0x4: {  	_ = 	snop  }
0x5: {  	_ = 	snop  }
0x6: {  	_ = 	snop  }
0x7: {  	_ = 	snop  }
__scs_overlays_trampoline_lowered:
0x8: {  	[smem:$0x3FAA] =	sst s0  }
0x9: {  	[smem:$0x3FAB] =	sst s1  }
0xa: {  	[smem:$0x3FAC] =	sst s2  }
0xb: {  	[smem:$0x3FAD] =	sst s3  }
0xc: {  	[smem:$0x3FAE] =	sst s4  }
0xd: {  	[smem:$0x3FAF] =	sst s5  }
0xe: {  	[smem:$0x3FB0] =	sst s6  }
0xf: {  	[smem:$0x3FB1] =	sst s7  }
0x10: {  	[smem:$0x3FB2] =	sst s8  }
0x11: {  	[smem:$0x3FB3] =	sst s9;
	s0 =	simm.s32 @!p0 $0x0  }
0x12: {  	s1 =	sld [smem:$0x3F99];
	s0 =	simm.s32 @p0 $0x1  }
0x13: {  	[smem:$0x3FB4] =	sst s0;
	s0 =	simm.s32 @!p1 $0x0  }
0x14: {  	s2 =	sld [smem:$0x3F98];
	s0 =	simm.s32 @p1 $0x1  }
0x15: {  	[smem:$0x3FB5] =	sst s0;
	s0 =	simm.s32 @!p2 $0x0  }
0x16: {  	s3 =	sld [smem:$0x3FDB];
	s0 =	simm.s32 @p2 $0x1  }
0x17: {  	s4 =	simm.s32 $0x1BF5;
	[smem:$0x3FB7] =	sst s0  }
0x18: {  	s0 =	sld [smem:$0x3F9A];
	_ =	swait.ge [sflag:s4], $0x0  }
0x19: {  	s7 =	sld [smem:$0x3F9B]  }
0x1a: {  	s8 =	sadd.s32 $0xFFFFE003, lr  }
0x1b: {  	s9 =	sadd.s32 $0xFFFFFEF7, lr;
	s5 =	simm.s32 $0xFFFFFFFF;
	p2 =	slt.u32 s8, $0xFFFFF086  }
0x1c: {  	p1 =	slt.u32 s9, $0xF7A;
	s5 =	simm.s32 @!p2 $0x0  }
0x1d: {  	s5 =	simm.s32 @p1 $0x1;
	p0 =	seq.s32 s7, s2  }
0x1e: {  	s7 =	smul.u32 @!p0 $0xF7A, s2;
	p2 =	seq.s32 @!p0 s5, $0x0  }
0x1f: {  	s9 =	smul.u32 $0xF7A, s1;
	s8 =	simm.s32 @!p0 $0x1BF5;
	p2 =	por !p2, p0  }
0x20: {  	[sflag:s8] =	ssyncset.s32 @!p0 $0xFFFFF086;
	s6 =	sadd.s32 @!p0 s3, s7;
	s7 =	simm.s32 @!p0 $0x108  }
0x21: {  	s3 =	sadd.s32 s3, s9;
	s6 =	sadd.s32 @!p0 $0x88, s6;
	s7 =	simm.s32 @p2 $0x1082  }
0x22: {  	[simem:s7], [sflag:s8] =	dma.local @!p0 [hbm:s6], $0xF7A  }
0x23: {  	s9 =	sor.u32 $0xD0000000, s2;
	s6 =	simm.s32 $0x108;
	_ =	swait.ge @!p0 [sflag:s8], $0x0  }
0x24: {  	s3 =	sadd.s32 $0x88, s3;
	s6 =	simm.s32 @!p1 $0x1082;
	[sflag:s4] =	ssyncset.s32 $0xFFFFF086  }
0x25: {  	[simem:s6], [sflag:s4] =	dma.local [hbm:s3], $0xF7A  }
0x26: {  	[smem:$0x3F9B] =	sst s1;
	(tag) =	ssettag s2;
	_ =	strace s9  }
0x27: {  	s1 =	sld [smem:$0x3FAB]  }
0x28: {  	s2 =	sld [smem:$0x3FAC]  }
0x29: {  	s4 =	sld [smem:$0x3FAE]  }
0x2a: {  	p0 =	seq.s32 s5, $0x0;
	s5 =	sld [smem:$0x3FAF]  }
0x2b: {  	s6 =	sld [smem:$0x3FB0]  }
0x2c: {  	s7 =	sld [smem:$0x3FB1]  }
0x2d: {  	s3 =	simm.s32 $0x108;
	s8 =	sld [smem:$0x3FB2]  }
0x2e: {  	s3 =	simm.s32 @!p0 $0x1082;
	s9 =	sld [smem:$0x3FB3]  }
0x2f: {  	lr =	sadd.s32 s0, s3;
	s0 =	sld [smem:$0x3FAA]  }
0x30: {  	s3 =	sld [smem:$0x3FAD]  }
0x31: {  	[smem:$0x3FB6] =	sst s10  }
0x32: {  	s10 =	sld [smem:$0x3FB4];
	_ =	sdelay $0x3  }
0x33: {  	p0 =	seq.s32 s10, $0x1;
	s10 =	sld [smem:$0x3FB6];
	_ =	sdelay $0x3  }
0x34: {  	[smem:$0x3FB6] =	sst s10  }
0x35: {  	s10 =	sld [smem:$0x3FB5];
	_ =	sdelay $0x3  }
0x36: {  	p1 =	seq.s32 s10, $0x1;
	s10 =	sld [smem:$0x3FB6];
	_ =	sdelay $0x3  }
0x37: {  	[smem:$0x3FB6] =	sst s10  }
0x38: {  	s10 =	sld [smem:$0x3FB7]  }
0x39: {  	_ = 	snop;
	(pc) =	sbr.ind lr, $3  }
0x3a: {  	_ = 	snop  }
0x3b: {  	_ = 	snop  }
0x3c: {  	p2 =	seq.s32 s10, $0x1;
	s10 =	sld [smem:$0x3FB6]  }
0x3d: {  	_ =	shalt  }
0x3e: {  	_ =	shalt  }
0x3f: {  	_ =	shalt  }
0x40: {  	_ =	shalt  }
0x41: {  	_ =	shalt  }
0x42: {  	_ =	shalt  }
0x43: {  	_ =	shalt  }
0x44: {  	_ =	shalt  }
0x45: {  	_ =	shalt  }
0x46: {  	_ =	shalt  }
0x47: {  	_ =	shalt  }
0x48: {  	_ =	shalt  }
0x49: {  	_ =	shalt  }
0x4a: {  	_ =	shalt  }
0x4b: {  	_ =	shalt  }
0x4c: {  	_ =	shalt  }
0x4d: {  	_ =	shalt  }
0x4e: {  	_ =	shalt  }
0x4f: {  	_ =	shalt  }
0x50: {  	_ =	shalt  }
0x51: {  	_ =	shalt  }
0x52: {  	_ =	shalt  }
0x53: {  	_ =	shalt  }
0x54: {  	_ =	shalt  }
0x55: {  	_ =	shalt  }
0x56: {  	_ =	shalt  }
0x57: {  	_ =	shalt  }
0x58: {  	_ =	shalt  }
0x59: {  	_ =	shalt  }
0x5a: {  	_ =	shalt  }
0x5b: {  	_ =	shalt  }
0x5c: {  	_ =	shalt  }
0x5d: {  	_ =	shalt  }
0x5e: {  	_ =	shalt  }
0x5f: {  	_ =	shalt  }
0x60: {  	_ =	shalt  }
0x61: {  	_ =	shalt  }
0x62: {  	_ =	shalt  }
0x63: {  	_ =	shalt  }
0x64: {  	_ =	shalt  }
0x65: {  	_ =	shalt  }
0x66: {  	_ =	shalt  }
0x67: {  	_ =	shalt  }
0x68: {  	_ =	shalt  }
0x69: {  	_ =	shalt  }
0x6a: {  	_ =	shalt  }
0x6b: {  	_ =	shalt  }
0x6c: {  	_ =	shalt  }
0x6d: {  	_ =	shalt  }
0x6e: {  	_ =	shalt  }
0x6f: {  	_ =	shalt  }
0x70: {  	_ =	shalt  }
0x71: {  	_ =	shalt  }
0x72: {  	_ =	shalt  }
0x73: {  	_ =	shalt  }
0x74: {  	_ =	shalt  }
0x75: {  	_ =	shalt  }
0x76: {  	_ =	shalt  }
0x77: {  	_ =	shalt  }
0x78: {  	_ =	shalt  }
0x79: {  	_ =	shalt  }
0x7a: {  	_ =	shalt  }
0x7b: {  	_ =	shalt  }
0x7c: {  	_ =	shalt  }
0x7d: {  	_ =	shalt  }
0x7e: {  	_ =	shalt  }
0x7f: {  	_ =	shalt  }
0x80: {  	_ =	shalt  }
0x81: {  	_ =	shalt  }
0x82: {  	_ =	shalt  }
0x83: {  	_ =	shalt  }
0x84: {  	_ =	shalt  }
0x85: {  	_ =	shalt  }
0x86: {  	_ =	shalt  }
0x87: {  	_ =	shalt  }
.Lfunc_end0:
.L_simem_size_0:
called_computation.2_lowered:
.L_overlay_start_0:
0x88: {  	s2 =	sld [smem:$0x3FD9]  }
0x89: {  	s3 =	sld [smem:$0x3FFE];
	_ =	sdelay $0x1  }
0x8a: {  	s1 =	srdreg.scid  }
0x8b: {  	s0 =	sand.u32 $0x1, s1  }
0x8c: {  	s16 =	sshll.u32 s0, $0xA;
	s2 =	sadd.s32 s3, s2  }
0x8d: {  	s2 =	sadd.s32 s2, s16  }
0x8e: {  	[smem:$0x3FC2] =	sst s2  }
0x8f: {  	_ = 	snop  }
0x90: {  	(tm) =	ssettm $0x1  }
0x91: {  	s17 =	sld [smem:$0x3FFB];
	_ =	sdelay $0x3  }
0x92: {  	_ =	strace s17  }
0x93: {  	s2 =	sld [smem:$0x3FFC];
	_ =	sdelay $0x3  }
0x94: {  	_ =	strace s2  }
0x95: {  	s2 =	sld [smem:$0x3FFD];
	_ =	sdelay $0x3  }
0x96: {  	_ =	strace s2  }
0x97: {  	_ =	strace $0x8FFFFFFF  }
0x98: {  	s18 =	sld [smem:$0x3FDB];
	_ =	sdelay $0x1  }
0x99: {  	s19 =	simm.s32 $_scs_section_size  }
0x9a: {  	s4 =	simm.s32 $_size__tile_overlayer_lowered;
	s5 =	simm.s32 $_tile_overlayer_lowered  }
0x9b: {  	s22 =	simm.s32 $0x1BFF;
	s21 =	sshll.u32 s5, $0x1;
	s2 =	sadd.s32 s19, s18  }
0x9c: {  	s6 =	simm.s32 $0x0;
	s20 =	sshll.u32 s4, $0x1;
	s4 =	sadd.s32 s21, s2  }
0x9d: {  	[timem:s6], [sflag:s22] =	dma.local [hbm:s4], s20  }
0x9e: {  	_ =	swait.ge [sflag:s22], s20  }
0x9f: {  	s3 =	ssub.s32 $0x0, s20;
	[sflag:s22] =	ssyncset.done $0x0  }
0xa0: {  	[sflag:s22] =	ssyncadd.s32 s3;
	_ =	sdelay $0x1  }
0xa1: {  	s23 =	simm.s32 $0x1B8B  }
0xa2: {  	_ =	swait.ge [sflag:s23], $0x1  }
0xa3: {  	[sflag:s23] =	ssyncset.done $0x0  }
0xa4: {  	s25 =	simm.s32 $0x1B8E;
	s24 =	sld [smem:$0x3FFE];
	[sflag:s23] =	ssyncadd.s32 $0xFFFFFFFF  }
0xa5: {  	s26 =	simm.s32 $execute0_lowered;
	[smem:$0x3FD2] =	sst s25  }
0xa6: {  	s4 =	sshll.u32 s26, $0x1;
	_ =	strace $0x8000004C;
	[dreg:$0x1] =	wrdreg $0xFFFFFFFF  }
0xa7: {  	s28 =	simm.s32 $_size_execute0_lowered;
	s2 =	sadd.s32 s2, s4;
	[dreg:$0x0] =	wrdreg $0x0  }
0xa8: {  	s4 =	sshll.u32 s28, $0x1;
	[dreg:$0x2] =	wrdreg s2  }
0xa9: {  	[dreg:$0x3] =	wrdreg s4  }
0xaa: {  	[dreg:$0x4] =	wrdreg $0xC0  }
0xab: {  	_ =	task [dreg:s6], $0x5FFFF  }
0xac: {  	[dreg:$0x1] =	wrdreg $0xFFFFFFFF  }
0xad: {  	[dreg:$0x0] =	wrdreg $0x60  }
0xae: {  	[dreg:$0x2] =	wrdreg s24  }
0xaf: {  	[dreg:$0x3] =	wrdreg $0xA5000  }
0xb0: {  	[dreg:$0x4] =	wrdreg $0x9  }
0xb1: {  	_ =	task.clear_ibuf [dreg:s6], $0x5FFFF;
	_ =	strace $0x9000004C  }
0xb2: {  	s29 =	simm.s32 $0x9;
	_ =	strace $0x8000004E  }
0xb3: {  	_ =	swait.ge [sflag:s29], $0x1  }
0xb4: {  	[sflag:s29] =	ssyncadd.s32 $0xFFFFFFFF  }
0xb5: {  	_ =	strace $0x9000004E  }
0xb6: {  	_ =	sfence  }
0xb7: {  	s30 =	sld [smem:$0x0];
	_ =	sdelay $0x2  }
0xb8: {  	s31 =	sshll.u32 s1, $0xD;
	s1 =	sshrl.u32 s1, $0x2  }
0xb9: {  	s3 =	sand.u32 $0x4000, s31;
	s1 =	sadd.s32 s1, s30  }
0xba: {  	s0 =	sor.u32 s3, s0;
	s1 =	sshll.u32 s1, $0x11  }
0xbb: {  	s0 =	sor.u32 s1, s0  }
0xbc: {  	s0 =	sadd.s32 $0x8F2B, s0  }
0xbd: {  	[sflag:s0] =	ssyncadd.remote.s32 $0x1  }
0xbe: {  	_ =	sfence.sel $0xFFFF  }
0xbf: {  	[dreg:$0x0] =	wrdreg $0xFFFFFFFF;
	(pc) =	sbr.abs _section_cstart, $3  }
0xc0: {  	[dreg:$0x1] =	wrdreg $0xFFFFFFFF  }
0xc1: {  	_ =	task.clear_ibuf [dreg:s6], $0x2FFFF;
	_ =	strace $0x9FFFFFFF  }
0xc2: {  	(tm) =	ssettm $0x7FFFFFFF  }
0xc3: {  	_ =	shalt  }
tec
execute0_lowered:
.L_overlay_start_1:
0x0: {  	(tag) =	ssettag $0x1  }
0x1: {  	s1 =	srdreg.scid;
	s0 =	rddreg [dreg:$0x0]  }
0x2: {  	s2 =	rddreg [dreg:$0x1];
	s14 =	stileid.u32  }
0x3: {  	s29 =	simm.s32 $0x40;
	s1 =	sand.u32 $0x1, s1;
	s4 =	smul.u32 $0x2800, s14  }
0x4: {  	s7 =	sadd.s32 $0x7600, s0;
	s8 =	sadd.s32 $0x2600, s0;
	s11 =	smul.u32 $0x1400, s14  }
0x5: {  	s28 =	sadd.s32 $0x34600, s0;
	s3 =	sshll.u32 s1, $0x4;
	s6 =	ssub.s32 $0x2, s1  }
0x6: {  	s25 =	smul.u32 $0x14000, s1;
	p3 =	seq.s32 s1, $0x1;
	s5 =	sor.u32 s14, s3  }
0x7: {  	s3 =	simm.s32 $0x0;
	s9 =	sshrl.u32 s6, $0x1;
	s4 =	sadd.s32 s4, s0  }
0x8: {  	p1 =	seq.s32 @p3 s14, $0xF;
	p4 =	seq.s32 @!p3 s14, $0xF;
	s5 =	smul.u32 $0x1400, s5  }
0x9: {  	s6 =	ssub.s32 s6, s9;
	s9 =	sadd.s32 s11, s25;
	[smem:$0x7FF] =	sst s3  }
0xa: {  	s4 =	sadd.s32 $0xC600, s4;
	p0 =	por !p1, !p3;
	p1 =	por p1, !p3  }
0xb: {  	p2 =	por !p4, p3;
	p3 =	por p4, p3;
	s17 =	sor.u32 $0x200, s9  }
0xc: {  	s21 =	sor.u32 $0x1C0, s9;
	s22 =	sor.u32 $0x180, s9;
	s25 =	sor.u32 $0x140, s9  }
0xd: {  	s5 =	sshrl.u32 s5, $0x3;
	s1 =	sshrl.u32 s21, $0x3;
	s24 =	sshrl.u32 s22, $0x3  }
0xe: {  	s21 =	sshll.u32 s14, $0x6;
	s15 =	sadd.s32 s7, s5;
	s10 =	sor.u32 $0x8, s5  }
0xf: {  	s26 =	sor.u32 $0x10, s5;
	s13 =	sor.u32 $0x18, s5;
	s5 =	sadd.s32 s8, s5  }
0x10: {  	s23 =	sadd.s32 s1, s8;
	s1 =	sadd.s32 s1, s7;
	s30 =	sor.u32 $0x1C15, s21  }
0x11: {  	s21 =	simm.s32 $0x11;
	s12 =	sadd.s32 s7, s10;
	[dreg:$0x7] =	wrdreg s5  }
0x12: {  	s16 =	sadd.s32 s7, s26;
	s31 =	sadd.s32 s7, s13;
	[dreg:$0xd] =	wrdreg s23  }
0x13: {  	s18 =	sadd.s32 s8, s26;
	s19 =	sadd.s32 s8, s13;
	[dreg:$0xe] =	wrdreg s1  }
0x14: {  	s5 =	sshrl.u32 s17, $0x3;
	s26 =	sor.u32 $0x240, s9;
	[dreg:$0x4] =	wrdreg s12  }
0x15: {  	s1 =	sadd.s32 s24, s7;
	s13 =	sor.u32 $0x100, s9;
	[dreg:$0x5] =	wrdreg s16  }
0x16: {  	s17 =	smul.u32 $0x50000, s14;
	s23 =	sadd.s32 $0x80880, s0;
	[dreg:$0x6] =	wrdreg s31  }
0x17: {  	s9 =	simm.s32 $0xF;
	s16 =	sadd.s32 s8, s10;
	[dreg:$0x9] =	wrdreg s18  }
0x18: {  	[dreg:$0xa] =	wrdreg s19;
	s20 =	sadd.s32 s5, s8;
	s5 =	sadd.s32 s5, s7  }
0x19: {  	[dreg:$0x10] =	wrdreg s1;
	s31 =	sshrl.u32 s25, $0x3;
	s18 =	smul.u32 $0x2780, s14  }
0x1a: {  	s11 =	sshrl.u32 s26, $0x3;
	s19 =	smul.u32 $0x4F000, s14;
	[dreg:$0x8] =	wrdreg s16  }
0x1b: {  	s26 =	sadd.s32 $0x20, s15;
	s14 =	simm.s32 $0x500;
	[dreg:$0xb] =	wrdreg s20  }
0x1c: {  	s10 =	simm.s32 $0xA;
	[dreg:$0xc] =	wrdreg s5;
	s5 =	sadd.s32 s24, s8  }
0x1d: {  	s12 =	sadd.s32 s31, s7;
	s1 =	sadd.s32 s31, s8;
	[dreg:$0xf] =	wrdreg s5  }
0x1e: {  	s16 =	sshrl.u32 s13, $0x3;
	s24 =	smax.u32 s6, $0x1;
	[dreg:$0x12] =	wrdreg s12  }
0x1f: {  	s31 =	sadd.s32 $0x128400, s2;
	s5 =	sadd.s32 s11, s7;
	[dreg:$0x13] =	wrdreg s1  }
0x20: {  	s13 =	simm.s32 $0x5;
	s1 =	sadd.s32 s16, s8;
	[dreg:$0x11] =	wrdreg s5  }
0x21: {  	s20 =	sshrl.u32 s19, $0x2;
	s12 =	simm.s32 $0x6;
	[dreg:$0x14] =	wrdreg s1  }
0x22: {  	s16 =	simm.s32 $0xC;
	_ =	strace $0x8000004D;
	[dreg:$0x15] =	wrdreg s4  }
0x23: {  	s1 =	sadd.s32 s18, s0;
	s0 =	sadd.s32 $0xCEC80, s0;
	[dreg:$0x1a] =	wrdreg s23  }
0x24: {  	s19 =	simm.s32 $0xD;
	s7 =	simm.s32 $0xE;
	[dreg:$0x1b] =	wrdreg s0  }
0x25: {  	s8 =	simm.s32 $0x9;
	s11 =	simm.s32 $0x13;
	[dreg:$0x1c] =	wrdreg s24  }
0x26: {  	s5 =	sshrl.u32 s17, $0x2;
	s17 =	simm.s32 $0x7;
	[dreg:$0x3] =	wrdreg s15  }
0x27: {  	s18 =	simm.s32 $0x10;
	s5 =	sadd.s32 s5, s2;
	[dreg:$0x1e] =	wrdreg s26  }
0x28: {  	s4 =	sadd.s32 s20, s2;
	s22 =	sadd.s32 $0x5B800, s1;
	[dreg:$0x1f] =	wrdreg s31  }
.Ltmp0:
0x29: {  	s1 =	sadd.s32 $0xA9C00, s1;
	[dreg:$0x16] =	wrdreg s30;
	(pc) =	sbr.rel .LBB2_1-.Ltmp0, $4  }
0x2a: {  	s24 =	simm.s32 $0x4;
	s23 =	simm.s32 $0xB;
	[dreg:$0x17] =	wrdreg s4  }
0x2b: {  	s26 =	simm.s32 $0x8500;
	s20 =	simm.s32 $0x8;
	[dreg:$0x18] =	wrdreg s22  }
0x2c: {  	s0 =	simm.s32 $0x0;
	[dreg:$0x19] =	wrdreg s1;
	s25 =	sshrl.u32 s5, $0x3  }
0x2d: {  	s1 =	simm.s32 $0x3;
	s4 =	simm.s32 $0x12;
	[dreg:$0x1d] =	wrdreg s25  }
.LBB2_4:
0x2e: {  	_ =	swait.ge [sflag:s16], $0x2000  }
0x2f: {  	[sflag:s16] =	ssyncset.done $0x0  }
0x30: {  	[sflag:s16] =	ssyncadd.s32 $0xFFFFE000  }
0x31: {  	_ =	swait.ge [sflag:s17], $0x40  }
0x32: {  	[sflag:s17] =	ssyncset.done $0x0  }
0x33: {  	s0 =	simm.s32 $0x300;
	s6 =	simm.s32 $0x2500;
	[sflag:s17] =	ssyncadd.s32 $0xFFFFFFC0  }
0x34: {  	[spmem:s2] =	stream.indirect.scatter.add.f32 [tilespmem:s6], [sflag:$0x11], $0x80, s0, s29, $0xb8;
	[tilespmem:$0x1E500] =	vst v63  }
0x35: {  	_ =	swait.ge [sflag:s18], $0x2000  }
0x36: {  	[sflag:s18] =	ssyncset.done $0x0  }
0x37: {  	[sflag:s18] =	ssyncadd.s32 $0xFFFFE000  }
0x38: {  	_ =	swait.ge [sflag:s19], $0x2000  }
0x39: {  	[sflag:s19] =	ssyncset.done $0x0  }
0x3a: {  	[sflag:s19] =	ssyncadd.s32 $0xFFFFE000  }
0x3b: {  	_ =	swait.ge [sflag:s20], $0x40  }
0x3c: {  	[sflag:s20] =	ssyncset.done $0x0  }
0x3d: {  	s22 =	simm.s32 $0x380;
	s31 =	simm.s32 $0x4500;
	[sflag:s20] =	ssyncadd.s32 $0xFFFFFFC0  }
0x3e: {  	[spmem:s2] =	stream.indirect.scatter.add.f32 [tilespmem:s31], [sflag:$0x12], $0x80, s22, s29, $0xb8;
	[tilespmem:$0x1E500] =	vst v63  }
0x3f: {  	_ =	swait.ge [sflag:s21], $0x2000  }
0x40: {  	[sflag:s21] =	ssyncset.done $0x0  }
0x41: {  	[sflag:s21] =	ssyncadd.s32 $0xFFFFE000  }
0x42: {  	_ =	swait.ge [sflag:s7], $0x2000  }
0x43: {  	[sflag:s7] =	ssyncset.done $0x0  }
0x44: {  	[sflag:s7] =	ssyncadd.s32 $0xFFFFE000  }
0x45: {  	_ =	swait.ge [sflag:s8], $0x40  }
0x46: {  	[sflag:s8] =	ssyncset.done $0x0  }
0x47: {  	[sflag:s8] =	ssyncadd.s32 $0xFFFFFFC0  }
0x48: {  	[spmem:s2] =	stream.indirect.scatter.add.f32 [tilespmem:s15], [sflag:$0x13], $0x80, s5, s29, $0xb8;
	[tilespmem:$0x1E500] =	vst v63  }
0x49: {  	_ =	swait.ge [sflag:s4], $0x2000  }
0x4a: {  	[sflag:s4] =	ssyncset.done $0x0  }
0x4b: {  	[sflag:s4] =	ssyncadd.s32 $0xFFFFE000  }
0x4c: {  	_ =	swait.ge [sflag:s9], $0x2000  }
0x4d: {  	[sflag:s9] =	ssyncset.done $0x0  }
0x4e: {  	[sflag:s9] =	ssyncadd.s32 $0xFFFFE000  }
0x4f: {  	_ =	swait.ge [sflag:s10], $0x40  }
0x50: {  	[sflag:s10] =	ssyncset.done $0x0  }
0x51: {  	[sflag:s10] =	ssyncadd.s32 $0xFFFFFFC0  }
0x52: {  	[spmem:s2] =	stream.indirect.scatter.add.f32 [tilespmem:s26], [sflag:$0x14], $0x80, s25, s29, $0xb8;
	[tilespmem:$0x1E500] =	vst v63  }
0x53: {  	_ =	swait.ge [sflag:s11], $0x2000  }
0x54: {  	[sflag:s11] =	ssyncset.done $0x0  }
0x55: {  	s22 =	simm.s32 $0x14;
	[sflag:s11] =	ssyncadd.s32 $0xFFFFE000  }
0x56: {  	_ =	swait.ge [sflag:s22], $0x2000  }
0x57: {  	[sflag:s22] =	ssyncset.done $0x0  }
0x58: {  	[sflag:s22] =	ssyncadd.s32 $0xFFFFE000  }
0x59: {  	[bflag:$0x0] =	sbarrier.arrive $0xFFFF  }
0x5a: {  	s5 =	rddreg [dreg:$0x1f]  }
0x5b: {  	s30 =	rddreg [dreg:$0x16]  }
0x5c: {  	s25 =	rddreg [dreg:$0x1b];
	s22 =	sshrl.u32 @!p0 s5, $0x3  }
0x5d: {  	[hbm:s25], [sflag:s30] =	dma.local @!p0 [spmem:s22], $0x2080  }
0x5e: {  	s22 =	simm.s32 @!p0 $0x15  }
0x5f: {  	_ =	swait.ge @!p0 [sflag:s22], $0x2080  }
0x60: {  	[sflag:s22] =	ssyncset.done @!p0 $0x0;
	s0 =	rddreg [dreg:$0x17]  }
0x61: {  	s25 =	rddreg [dreg:$0x19];
	[sflag:s22] =	ssyncadd.s32 @!p0 $0xFFFFDF80;
	s22 =	sshrl.u32 @!p1 s0, $0x3  }
0x62: {  	[hbm:s25], [sflag:s30] =	dma.local @!p1 [spmem:s22], $0x2780  }
0x63: {  	s22 =	simm.s32 @!p1 $0x15  }
0x64: {  	_ =	swait.ge @!p1 [sflag:s22], $0x2780  }
0x65: {  	[sflag:s22] =	ssyncset.done @!p1 $0x0  }
0x66: {  	s25 =	rddreg [dreg:$0x1a];
	[sflag:s22] =	ssyncadd.s32 @!p1 $0xFFFFD880;
	s22 =	sshrl.u32 @!p2 s5, $0x3  }
0x67: {  	[hbm:s25], [sflag:s30] =	dma.local @!p2 [spmem:s22], $0x2080  }
0x68: {  	s22 =	simm.s32 @!p2 $0x15  }
0x69: {  	_ =	swait.ge @!p2 [sflag:s22], $0x2080  }
0x6a: {  	[sflag:s22] =	ssyncset.done @!p2 $0x0  }
0x6b: {  	s25 =	rddreg [dreg:$0x18];
	[sflag:s22] =	ssyncadd.s32 @!p2 $0xFFFFDF80;
	s22 =	sshrl.u32 @!p3 s0, $0x3  }
0x6c: {  	[hbm:s25], [sflag:s30] =	dma.local @!p3 [spmem:s22], $0x2780  }
0x6d: {  	s22 =	simm.s32 @!p3 $0x15  }
0x6e: {  	_ =	swait.ge @!p3 [sflag:s22], $0x2780  }
0x6f: {  	s25 =	sld [smem:$0x7FD];
	_ =	sdelay $0x2  }
0x70: {  	s31 =	rddreg [dreg:$0x1c];
	s0 =	sadd.s32 $0x1, s25  }
0x71: {  	p4 =	sne.s32 s0, s31  }
.Ltmp1:
0x72: {  	_ = 	snop;
	(pc) =	sbr.rel @!p4 .LBB2_5-.Ltmp1, $3  }
0x73: {  	_ =	sdelay $0x1  }
0x74: {  	[sflag:s22] =	ssyncset.done @!p3 $0x0  }
0x75: {  	[sflag:s22] =	ssyncadd.s32 @!p3 $0xFFFFD880  }
.LBB2_1:
0x76: {  	[smem:$0x7FD] =	sst s0  }
0x77: {  	s22 =	rddreg [dreg:$0x15]  }
0x78: {  	s25 =	rddreg [dreg:$0x1d];
	s15 =	simm.s32 $0x15  }
0x79: {  	[spmem:s25], [sflag:s30] =	dma.local [hbm:s22], $0x2800  }
0x7a: {  	_ =	swait.ge [sflag:s15], $0x2800  }
0x7b: {  	[sflag:s15] =	ssyncset.done $0x0  }
0x7c: {  	[sflag:s15] =	ssyncadd.s32 $0xFFFFD800  }
0x7d: {  	[bflag:$0x0] =	sbarrier.arrive $0xFFFF  }
0x7e: {  	s25 =	rddreg [dreg:$0x3]  }
0x7f: {  	[tilespmem:s3], [sflag:$0x1] =	stream.linear.gather [hbm4b:s25+s3], $0x40, $0x38;
	[tilespmem:$0x1E500] =	vst v63  }
0x80: {  	s30 =	rddreg [dreg:$0x4];
	s25 =	simm.s32 $0x80  }
0x81: {  	[tilespmem:s25], [sflag:$0x2] =	stream.linear.gather [hbm4b:s30+s3], $0x40, $0x38;
	[tilespmem:$0x1E500] =	vst v63  }
0x82: {  	s5 =	simm.s32 $0x100;
	s0 =	rddreg [dreg:$0x5]  }
0x83: {  	[tilespmem:s5], [sflag:$0x3] =	stream.linear.gather [hbm4b:s0+s3], $0x40, $0x38;
	[tilespmem:$0x1E500] =	vst v63  }
0x84: {  	s15 =	rddreg [dreg:$0x6];
	s30 =	simm.s32 $0x180  }
0x85: {  	[tilespmem:s30], [sflag:$0x4] =	stream.linear.gather [hbm4b:s15+s3], $0x40, $0x38;
	[tilespmem:$0x1E500] =	vst v63  }
0x86: {  	s22 =	rddreg [dreg:$0x1e];
	s0 =	simm.s32 $0x200  }
0x87: {  	[tilespmem:s0], [sflag:$0x5] =	stream.linear.gather [hbm4b:s22+s3], $0x40, $0x38;
	[tilespmem:$0x1E500] =	vst v63  }
0x88: {  	s6 =	simm.s32 $0x280;
	s0 =	rddreg [dreg:$0x7]  }
0x89: {  	[tilespmem:s6], [sflag:$0x6] =	stream.linear.gather [hbm4b:s0+s3], $0x40, $0x38;
	[tilespmem:$0x1E500] =	vst v63  }
0x8a: {  	s30 =	simm.s32 $0x300;
	s0 =	rddreg [dreg:$0x8]  }
0x8b: {  	[tilespmem:s30], [sflag:$0x7] =	stream.linear.gather [hbm4b:s0+s3], $0x40, $0x38;
	[tilespmem:$0x1E500] =	vst v63  }
0x8c: {  	s5 =	simm.s32 $0x380;
	s30 =	rddreg [dreg:$0x9]  }
0x8d: {  	[tilespmem:s5], [sflag:$0x8] =	stream.linear.gather [hbm4b:s30+s3], $0x40, $0x38;
	[tilespmem:$0x1E500] =	vst v63  }
0x8e: {  	s22 =	simm.s32 $0x1;
	s0 =	rddreg [dreg:$0xa];
	s5 =	simm.s32 $0x400  }
0x8f: {  	[tilespmem:s5], [sflag:$0x9] =	stream.linear.gather [hbm4b:s0+s3], $0x40, $0x38;
	[tilespmem:$0x1E500] =	vst v63  }
0x90: {  	_ =	swait.ge [sflag:s22], $0x40  }
0x91: {  	[sflag:s22] =	ssyncset.done $0x0  }
0x92: {  	s30 =	simm.s32 $0x2;
	[sflag:s22] =	ssyncadd.s32 $0xFFFFFFC0  }
0x93: {  	[tilespmem:s14], [sflag:$0xB] =	stream.indirect.gather [hbm4b:s28+s29], $0x80, s3, s29, $0xb8;
	[tilespmem:$0x1E500] =	vst v63  }
0x94: {  	_ =	swait.ge [sflag:s30], $0x40  }
0x95: {  	[sflag:s30] =	ssyncset.done $0x0  }
0x96: {  	s22 =	simm.s32 $0x2500;
	[sflag:s30] =	ssyncadd.s32 $0xFFFFFFC0  }
0x97: {  	[tilespmem:s22], [sflag:$0xC] =	stream.indirect.gather [hbm4b:s28+s29], $0x80, s25, s29, $0xb8;
	[tilespmem:$0x1E500] =	vst v63  }
0x98: {  	_ =	swait.ge [sflag:s1], $0x40  }
0x99: {  	[sflag:s1] =	ssyncset.done $0x0  }
0x9a: {  	s15 =	simm.s32 $0x4500;
	s25 =	simm.s32 $0x100;
	[sflag:s1] =	ssyncadd.s32 $0xFFFFFFC0  }
0x9b: {  	[tilespmem:s15], [sflag:$0xD] =	stream.indirect.gather [hbm4b:s28+s29], $0x80, s25, s29, $0xb8;
	[tilespmem:$0x1E500] =	vst v63  }
0x9c: {  	s31 =	simm.s32 $0x480;
	_ =	swait.ge [sflag:s24], $0x40  }
0x9d: {  	s0 =	simm.s32 $0x200;
	s30 =	simm.s32 $0x180;
	[sflag:s24] =	ssyncset.done $0x0  }
0x9e: {  	s22 =	simm.s32 $0x0;
	s15 =	simm.s32 $0x6500;
	[sflag:s24] =	ssyncadd.s32 $0xFFFFFFC0  }
0x9f: {  	[tilespmem:s15], [sflag:$0xE] =	stream.indirect.gather [hbm4b:s28+s29], $0x80, s30, s29, $0xb8;
	[tilespmem:$0x1E500] =	vst v63  }
.LBB2_2:
0xa0: {  	_ =	swait.ge [sflag:s23], $0x2000  }
0xa1: {  	[sflag:s23] =	ssyncset.done $0x0  }
0xa2: {  	[sflag:s23] =	ssyncadd.s32 $0xFFFFE000  }
0xa3: {  	_ =	swait.ge [sflag:s12], $0x40  }
0xa4: {  	p4 =	seq.s32 s22, $0x0;
	[sflag:s12] =	ssyncset.done $0x0  }
0xa5: {  	s25 =	simm.s32 @!p4 $0x14;
	[sflag:s12] =	ssyncadd.s32 $0xFFFFFFC0  }
0xa6: {  	[spmem:s2] =	stream.indirect.scatter.add.f32 [tilespmem:s14], [sflag:$0x10], $0x80, s6, s29, $0xb8;
	[tilespmem:$0x1E500] =	vst v63  }
0xa7: {  	_ =	swait.ge @!p4 [sflag:s25], $0x2000  }
0xa8: {  	[sflag:s25] =	ssyncset.done @!p4 $0x0  }
0xa9: {  	[sflag:s25] =	ssyncadd.s32 @!p4 $0xFFFFE000  }
0xaa: {  	_ =	swait.ge [sflag:s13], $0x40  }
0xab: {  	p4 =	seq.s32 s22, $0x258;
	[sflag:s13] =	ssyncset.done $0x0  }
.Ltmp2:
0xac: {  	s30 =	rddreg [dreg:$0x14];
	[sflag:s13] =	ssyncadd.s32 $0xFFFFFFC0;
	(pc) =	sbr.rel @p4 .LBB2_4-.Ltmp2, $4  }
0xad: {  	[tilespmem:s26], [sflag:$0xF] =	stream.indirect.gather [hbm4b:s28+s29], $0x80, s0, s29, $0xb8;
	[tilespmem:$0x1E500] =	vst v63  }
0xae: {  	s25 =	sadd.s32 s22, s30  }
0xaf: {  	[tilespmem:s31], [sflag:$0xA] =	stream.linear.gather [hbm4b:s25+s3], $0x40, $0x38;
	[tilespmem:$0x1E500] =	vst v63  }
0xb0: {  	s6 =	simm.s32 $0x280;
	s0 =	simm.s32 $0x200;
	s25 =	simm.s32 $0x480  }
0xb1: {  	s25 =	rddreg [dreg:$0x12]  }
0xb2: {  	s25 =	sadd.s32 s22, s25  }
0xb3: {  	[tilespmem:s3], [sflag:$0x1] =	stream.linear.gather [hbm4b:s25+s3], $0x40, $0x38;
	[tilespmem:$0x1E500] =	vst v63  }
0xb4: {  	_ =	swait.ge [sflag:s16], $0x2000  }
0xb5: {  	[sflag:s16] =	ssyncset.done $0x0  }
0xb6: {  	[sflag:s16] =	ssyncadd.s32 $0xFFFFE000  }
0xb7: {  	_ =	swait.ge [sflag:s17], $0x40  }
0xb8: {  	[sflag:s17] =	ssyncset.done $0x0  }
0xb9: {  	s5 =	simm.s32 $0x300;
	s15 =	simm.s32 $0x2500;
	[sflag:s17] =	ssyncadd.s32 $0xFFFFFFC0  }
0xba: {  	[spmem:s2] =	stream.indirect.scatter.add.f32 [tilespmem:s15], [sflag:$0x11], $0x80, s5, s29, $0xb8;
	[tilespmem:$0x1E500] =	vst v63  }
0xbb: {  	_ =	swait.ge [sflag:s18], $0x2000  }
0xbc: {  	[sflag:s18] =	ssyncset.done $0x0  }
0xbd: {  	s30 =	simm.s32 $0x1;
	[sflag:s18] =	ssyncadd.s32 $0xFFFFE000  }
0xbe: {  	_ =	swait.ge [sflag:s30], $0x40  }
0xbf: {  	[sflag:s30] =	ssyncset.done $0x0  }
0xc0: {  	[sflag:s30] =	ssyncadd.s32 $0xFFFFFFC0  }
0xc1: {  	[tilespmem:s14], [sflag:$0xB] =	stream.indirect.gather [hbm4b:s28+s29], $0x80, s3, s29, $0xb8;
	[tilespmem:$0x1E500] =	vst v63  }
0xc2: {  	s14 =	rddreg [dreg:$0x13]  }
0xc3: {  	s26 =	rddreg [dreg:$0x10];
	s25 =	sadd.s32 s22, s14  }
0xc4: {  	[tilespmem:s6], [sflag:$0x6] =	stream.linear.gather [hbm4b:s25+s3], $0x40, $0x38;
	[tilespmem:$0x1E500] =	vst v63  }
0xc5: {  	s30 =	simm.s32 $0x80;
	s25 =	sadd.s32 s22, s26  }
0xc6: {  	[tilespmem:s30], [sflag:$0x2] =	stream.linear.gather [hbm4b:s25+s3], $0x40, $0x38;
	[tilespmem:$0x1E500] =	vst v63  }
0xc7: {  	_ =	swait.ge [sflag:s19], $0x2000  }
0xc8: {  	[sflag:s19] =	ssyncset.done $0x0  }
0xc9: {  	[sflag:s19] =	ssyncadd.s32 $0xFFFFE000  }
0xca: {  	_ =	swait.ge [sflag:s20], $0x40  }
0xcb: {  	[sflag:s20] =	ssyncset.done $0x0  }
0xcc: {  	s14 =	simm.s32 $0x380;
	s26 =	simm.s32 $0x4500;
	[sflag:s20] =	ssyncadd.s32 $0xFFFFFFC0  }
0xcd: {  	[spmem:s2] =	stream.indirect.scatter.add.f32 [tilespmem:s26], [sflag:$0x12], $0x80, s14, s29, $0xb8;
	[tilespmem:$0x1E500] =	vst v63  }
0xce: {  	_ =	swait.ge [sflag:s21], $0x2000  }
0xcf: {  	[sflag:s21] =	ssyncset.done $0x0  }
0xd0: {  	s25 =	simm.s32 $0x2;
	[sflag:s21] =	ssyncadd.s32 $0xFFFFE000  }
0xd1: {  	_ =	swait.ge [sflag:s25], $0x40  }
0xd2: {  	[sflag:s25] =	ssyncset.done $0x0  }
0xd3: {  	[sflag:s25] =	ssyncadd.s32 $0xFFFFFFC0  }
0xd4: {  	[tilespmem:s15], [sflag:$0xC] =	stream.indirect.gather [hbm4b:s28+s29], $0x80, s30, s29, $0xb8;
	[tilespmem:$0x1E500] =	vst v63  }
0xd5: {  	s30 =	rddreg [dreg:$0xf]  }
0xd6: {  	s25 =	sadd.s32 s22, s30;
	s30 =	rddreg [dreg:$0xe]  }
0xd7: {  	[tilespmem:s5], [sflag:$0x7] =	stream.linear.gather [hbm4b:s25+s3], $0x40, $0x38;
	[tilespmem:$0x1E500] =	vst v63  }
0xd8: {  	s25 =	sadd.s32 s22, s30;
	s30 =	simm.s32 $0x100  }
0xd9: {  	[tilespmem:s30], [sflag:$0x3] =	stream.linear.gather [hbm4b:s25+s3], $0x40, $0x38;
	[tilespmem:$0x1E500] =	vst v63  }
0xda: {  	_ =	swait.ge [sflag:s7], $0x2000  }
0xdb: {  	[sflag:s7] =	ssyncset.done $0x0  }
0xdc: {  	[sflag:s7] =	ssyncadd.s32 $0xFFFFE000  }
0xdd: {  	_ =	swait.ge [sflag:s8], $0x40  }
0xde: {  	[sflag:s8] =	ssyncset.done $0x0  }
0xdf: {  	s15 =	simm.s32 $0x6500;
	s5 =	simm.s32 $0x400;
	[sflag:s8] =	ssyncadd.s32 $0xFFFFFFC0  }
0xe0: {  	[spmem:s2] =	stream.indirect.scatter.add.f32 [tilespmem:s15], [sflag:$0x13], $0x80, s5, s29, $0xb8;
	[tilespmem:$0x1E500] =	vst v63  }
0xe1: {  	_ =	swait.ge [sflag:s4], $0x2000  }
0xe2: {  	[sflag:s4] =	ssyncset.done $0x0  }
0xe3: {  	[sflag:s4] =	ssyncadd.s32 $0xFFFFE000  }
0xe4: {  	_ =	swait.ge [sflag:s1], $0x40  }
0xe5: {  	[sflag:s1] =	ssyncset.done $0x0  }
0xe6: {  	[sflag:s1] =	ssyncadd.s32 $0xFFFFFFC0  }
0xe7: {  	[tilespmem:s26], [sflag:$0xD] =	stream.indirect.gather [hbm4b:s28+s29], $0x80, s30, s29, $0xb8;
	[tilespmem:$0x1E500] =	vst v63  }
0xe8: {  	s30 =	rddreg [dreg:$0xd]  }
0xe9: {  	s25 =	sadd.s32 s22, s30;
	s30 =	rddreg [dreg:$0xc]  }
0xea: {  	[tilespmem:s14], [sflag:$0x8] =	stream.linear.gather [hbm4b:s25+s3], $0x40, $0x38;
	[tilespmem:$0x1E500] =	vst v63  }
0xeb: {  	s25 =	sadd.s32 s22, s30;
	s30 =	simm.s32 $0x180  }
0xec: {  	[tilespmem:s30], [sflag:$0x4] =	stream.linear.gather [hbm4b:s25+s3], $0x40, $0x38;
	[tilespmem:$0x1E500] =	vst v63  }
0xed: {  	_ =	swait.ge [sflag:s9], $0x2000  }
0xee: {  	[sflag:s9] =	ssyncset.done $0x0  }
0xef: {  	[sflag:s9] =	ssyncadd.s32 $0xFFFFE000  }
0xf0: {  	_ =	swait.ge [sflag:s10], $0x40  }
0xf1: {  	[sflag:s10] =	ssyncset.done $0x0  }
0xf2: {  	s31 =	simm.s32 $0x480;
	s26 =	simm.s32 $0x8500;
	[sflag:s10] =	ssyncadd.s32 $0xFFFFFFC0  }
0xf3: {  	[spmem:s2] =	stream.indirect.scatter.add.f32 [tilespmem:s26], [sflag:$0x14], $0x80, s31, s29, $0xb8;
	[tilespmem:$0x1E500] =	vst v63  }
0xf4: {  	_ =	swait.ge [sflag:s11], $0x2000  }
0xf5: {  	[sflag:s11] =	ssyncset.done $0x0  }
0xf6: {  	[sflag:s11] =	ssyncadd.s32 $0xFFFFE000  }
0xf7: {  	_ =	swait.ge [sflag:s24], $0x40  }
0xf8: {  	[sflag:s24] =	ssyncset.done $0x0  }
0xf9: {  	[sflag:s24] =	ssyncadd.s32 $0xFFFFFFC0  }
0xfa: {  	[tilespmem:s15], [sflag:$0xE] =	stream.indirect.gather [hbm4b:s28+s29], $0x80, s30, s29, $0xb8;
	[tilespmem:$0x1E500] =	vst v63  }
0xfb: {  	s30 =	rddreg [dreg:$0xb]  }
.Ltmp3:
0xfc: {  	s25 =	sadd.s32 s22, s30;
	s30 =	rddreg [dreg:$0x11];
	(pc) =	sbr.rel .LBB2_2-.Ltmp3, $4  }
0xfd: {  	[tilespmem:s5], [sflag:$0x9] =	stream.linear.gather [hbm4b:s25+s3], $0x40, $0x38;
	[tilespmem:$0x1E500] =	vst v63  }
0xfe: {  	s6 =	simm.s32 $0x280;
	s25 =	sadd.s32 s22, s30  }
0xff: {  	[tilespmem:s0], [sflag:$0x5] =	stream.linear.gather [hbm4b:s25+s3], $0x40, $0x38;
	[tilespmem:$0x1E500] =	vst v63  }
0x100: {  	s14 =	simm.s32 $0x500;
	s22 =	sadd.s32 $0x28, s22;
	s0 =	simm.s32 $0x200  }
.LBB2_5:
0x101: {  	_ =	sfence.sel $0x180000  }
0x102: {  	[bflag:$0x0] =	sbarrier.arrive $0xFFFF  }
0x103: {  	_ =	strace $0x9000004D  }
0x104: {  	s0 =	stileid.u32;
	[bflag:$0x2] =	sbarrier.arrive $0xFFFF  }
0x105: {  	p0 =	sne.s32 s0, $0x0;
	s0 =	rddreg [dreg:$0x2]  }
0x106: {  	s0 =	sadd.s32 @!p0 $0x100000, s0  }
0x107: {  	[sflag:s0] =	ssyncadd.tile.s32 @!p0 $0x1;
	_ =	shalt  }
.Lfunc_end2:
_tile_overlayer_lowered:
.L_overlay_start_2:
0x108: {  	(tag) =	ssettag $0x2  }
0x109: {  	s0 =	rddreg [dreg:$0x0];
	s2 =	stileid.u32  }
0x10a: {  	s1 =	rddreg [dreg:$0x1];
	p0 =	sne.s32 s2, $0x0  }
0x10b: {  	s3 =	rddreg [dreg:$0x2];
	[bflag:$0x3] =	sbarrier.arrive $0xFFFF;
	s2 =	simm.s32 @!p0 $0x1C15  }
0x10c: {  	[timem:s3], [sflag:s2] =	dma.local @!p0 [hbm:s0], s1  }
0x10d: {  	s0 =	simm.s32 @!p0 $0x15  }
0x10e: {  	_ =	swait.ge @!p0 [sflag:s0], s1  }
0x10f: {  	s1 =	ssub.s32 @!p0 $0x0, s1;
	[sflag:s0] =	ssyncset.done @!p0 $0x0  }
0x110: {  	[sflag:s0] =	ssyncadd.s32 @!p0 s1  }
0x111: {  	[bflag:$0x3] =	sbarrier.arrive $0xFFFF  }
0x112: {  	_ =	shalt  }

// kernel: kernel.8.cloned.1.call-start
scs
__scs_entry_jumppad:
0x0: {  	(pc) =	sbr.rel $0x88, $3  }
0x1: {  	(tag) =	ssettag $0x0;
	lr =	simm.s32 $0x1  }
0x2: {  	[smem:$0x3F9B] =	sst lr;
	_ =	strace $0xD0000000  }
0x3: {  	_ = 	snop  }
0x4: {  	_ = 	snop  }
0x5: {  	_ = 	snop  }
0x6: {  	_ = 	snop  }
0x7: {  	_ = 	snop  }
__scs_overlays_trampoline_lowered:
0x8: {  	[smem:$0x3FAA] =	sst s0  }
0x9: {  	[smem:$0x3FAB] =	sst s1  }
0xa: {  	[smem:$0x3FAC] =	sst s2  }
0xb: {  	[smem:$0x3FAD] =	sst s3  }
0xc: {  	[smem:$0x3FAE] =	sst s4  }
0xd: {  	[smem:$0x3FAF] =	sst s5  }
0xe: {  	[smem:$0x3FB0] =	sst s6  }
0xf: {  	[smem:$0x3FB1] =	sst s7  }
0x10: {  	[smem:$0x3FB2] =	sst s8  }
0x11: {  	[smem:$0x3FB3] =	sst s9;
	s0 =	simm.s32 @!p0 $0x0  }
0x12: {  	s1 =	sld [smem:$0x3F99];
	s0 =	simm.s32 @p0 $0x1  }
0x13: {  	[smem:$0x3FB4] =	sst s0;
	s0 =	simm.s32 @!p1 $0x0  }
0x14: {  	s2 =	sld [smem:$0x3F98];
	s0 =	simm.s32 @p1 $0x1  }
0x15: {  	[smem:$0x3FB5] =	sst s0;
	s0 =	simm.s32 @!p2 $0x0  }
0x16: {  	s3 =	sld [smem:$0x3FDB];
	s0 =	simm.s32 @p2 $0x1  }
0x17: {  	s4 =	simm.s32 $0x1BF5;
	[smem:$0x3FB7] =	sst s0  }
0x18: {  	s0 =	sld [smem:$0x3F9A];
	_ =	swait.ge [sflag:s4], $0x0  }
0x19: {  	s7 =	sld [smem:$0x3F9B]  }
0x1a: {  	s8 =	sadd.s32 $0xFFFFE003, lr  }
0x1b: {  	s9 =	sadd.s32 $0xFFFFFEF7, lr;
	s5 =	simm.s32 $0xFFFFFFFF;
	p2 =	slt.u32 s8, $0xFFFFF086  }
0x1c: {  	p1 =	slt.u32 s9, $0xF7A;
	s5 =	simm.s32 @!p2 $0x0  }
0x1d: {  	s5 =	simm.s32 @p1 $0x1;
	p0 =	seq.s32 s7, s2  }
0x1e: {  	s7 =	smul.u32 @!p0 $0xF7A, s2;
	p2 =	seq.s32 @!p0 s5, $0x0  }
0x1f: {  	s9 =	smul.u32 $0xF7A, s1;
	s8 =	simm.s32 @!p0 $0x1BF5;
	p2 =	por !p2, p0  }
0x20: {  	[sflag:s8] =	ssyncset.s32 @!p0 $0xFFFFF086;
	s6 =	sadd.s32 @!p0 s3, s7;
	s7 =	simm.s32 @!p0 $0x108  }
0x21: {  	s3 =	sadd.s32 s3, s9;
	s6 =	sadd.s32 @!p0 $0x88, s6;
	s7 =	simm.s32 @p2 $0x1082  }
0x22: {  	[simem:s7], [sflag:s8] =	dma.local @!p0 [hbm:s6], $0xF7A  }
0x23: {  	s9 =	sor.u32 $0xD0000000, s2;
	s6 =	simm.s32 $0x108;
	_ =	swait.ge @!p0 [sflag:s8], $0x0  }
0x24: {  	s3 =	sadd.s32 $0x88, s3;
	s6 =	simm.s32 @!p1 $0x1082;
	[sflag:s4] =	ssyncset.s32 $0xFFFFF086  }
0x25: {  	[simem:s6], [sflag:s4] =	dma.local [hbm:s3], $0xF7A  }
0x26: {  	[smem:$0x3F9B] =	sst s1;
	(tag) =	ssettag s2;
	_ =	strace s9  }
0x27: {  	s1 =	sld [smem:$0x3FAB]  }
0x28: {  	s2 =	sld [smem:$0x3FAC]  }
0x29: {  	s4 =	sld [smem:$0x3FAE]  }
0x2a: {  	p0 =	seq.s32 s5, $0x0;
	s5 =	sld [smem:$0x3FAF]  }
0x2b: {  	s6 =	sld [smem:$0x3FB0]  }
0x2c: {  	s7 =	sld [smem:$0x3FB1]  }
0x2d: {  	s3 =	simm.s32 $0x108;
	s8 =	sld [smem:$0x3FB2]  }
0x2e: {  	s3 =	simm.s32 @!p0 $0x1082;
	s9 =	sld [smem:$0x3FB3]  }
0x2f: {  	lr =	sadd.s32 s0, s3;
	s0 =	sld [smem:$0x3FAA]  }
0x30: {  	s3 =	sld [smem:$0x3FAD]  }
0x31: {  	[smem:$0x3FB6] =	sst s10  }
0x32: {  	s10 =	sld [smem:$0x3FB4];
	_ =	sdelay $0x3  }
0x33: {  	p0 =	seq.s32 s10, $0x1;
	s10 =	sld [smem:$0x3FB6];
	_ =	sdelay $0x3  }
0x34: {  	[smem:$0x3FB6] =	sst s10  }
0x35: {  	s10 =	sld [smem:$0x3FB5];
	_ =	sdelay $0x3  }
0x36: {  	p1 =	seq.s32 s10, $0x1;
	s10 =	sld [smem:$0x3FB6];
	_ =	sdelay $0x3  }
0x37: {  	[smem:$0x3FB6] =	sst s10  }
0x38: {  	s10 =	sld [smem:$0x3FB7]  }
0x39: {  	_ = 	snop;
	(pc) =	sbr.ind lr, $3  }
0x3a: {  	_ = 	snop  }
0x3b: {  	_ = 	snop  }
0x3c: {  	p2 =	seq.s32 s10, $0x1;
	s10 =	sld [smem:$0x3FB6]  }
0x3d: {  	_ =	shalt  }
0x3e: {  	_ =	shalt  }
0x3f: {  	_ =	shalt  }
0x40: {  	_ =	shalt  }
0x41: {  	_ =	shalt  }
0x42: {  	_ =	shalt  }
0x43: {  	_ =	shalt  }
0x44: {  	_ =	shalt  }
0x45: {  	_ =	shalt  }
0x46: {  	_ =	shalt  }
0x47: {  	_ =	shalt  }
0x48: {  	_ =	shalt  }
0x49: {  	_ =	shalt  }
0x4a: {  	_ =	shalt  }
0x4b: {  	_ =	shalt  }
0x4c: {  	_ =	shalt  }
0x4d: {  	_ =	shalt  }
0x4e: {  	_ =	shalt  }
0x4f: {  	_ =	shalt  }
0x50: {  	_ =	shalt  }
0x51: {  	_ =	shalt  }
0x52: {  	_ =	shalt  }
0x53: {  	_ =	shalt  }
0x54: {  	_ =	shalt  }
0x55: {  	_ =	shalt  }
0x56: {  	_ =	shalt  }
0x57: {  	_ =	shalt  }
0x58: {  	_ =	shalt  }
0x59: {  	_ =	shalt  }
0x5a: {  	_ =	shalt  }
0x5b: {  	_ =	shalt  }
0x5c: {  	_ =	shalt  }
0x5d: {  	_ =	shalt  }
0x5e: {  	_ =	shalt  }
0x5f: {  	_ =	shalt  }
0x60: {  	_ =	shalt  }
0x61: {  	_ =	shalt  }
0x62: {  	_ =	shalt  }
0x63: {  	_ =	shalt  }
0x64: {  	_ =	shalt  }
0x65: {  	_ =	shalt  }
0x66: {  	_ =	shalt  }
0x67: {  	_ =	shalt  }
0x68: {  	_ =	shalt  }
0x69: {  	_ =	shalt  }
0x6a: {  	_ =	shalt  }
0x6b: {  	_ =	shalt  }
0x6c: {  	_ =	shalt  }
0x6d: {  	_ =	shalt  }
0x6e: {  	_ =	shalt  }
0x6f: {  	_ =	shalt  }
0x70: {  	_ =	shalt  }
0x71: {  	_ =	shalt  }
0x72: {  	_ =	shalt  }
0x73: {  	_ =	shalt  }
0x74: {  	_ =	shalt  }
0x75: {  	_ =	shalt  }
0x76: {  	_ =	shalt  }
0x77: {  	_ =	shalt  }
0x78: {  	_ =	shalt  }
0x79: {  	_ =	shalt  }
0x7a: {  	_ =	shalt  }
0x7b: {  	_ =	shalt  }
0x7c: {  	_ =	shalt  }
0x7d: {  	_ =	shalt  }
0x7e: {  	_ =	shalt  }
0x7f: {  	_ =	shalt  }
0x80: {  	_ =	shalt  }
0x81: {  	_ =	shalt  }
0x82: {  	_ =	shalt  }
0x83: {  	_ =	shalt  }
0x84: {  	_ =	shalt  }
0x85: {  	_ =	shalt  }
0x86: {  	_ =	shalt  }
0x87: {  	_ =	shalt  }
.Lfunc_end0:
.L_simem_size_0:
called_computation_lowered:
.L_overlay_start_0:
0x88: {  	s2 =	sld [smem:$0x3FD9]  }
0x89: {  	s3 =	sld [smem:$0x3FFE];
	_ =	sdelay $0x1  }
0x8a: {  	s1 =	srdreg.scid  }
0x8b: {  	s0 =	sand.u32 $0x1, s1  }
0x8c: {  	s17 =	sshll.u32 s0, $0xA;
	s2 =	sadd.s32 s3, s2  }
0x8d: {  	s2 =	sadd.s32 s2, s17  }
0x8e: {  	[smem:$0x3FC2] =	sst s2  }
0x8f: {  	_ = 	snop  }
0x90: {  	s2 =	sld [smem:$0x3FD0];
	(tm) =	ssettm $0x1  }
0x91: {  	s18 =	sld [smem:$0x3FFB];
	_ =	sdelay $0x3  }
0x92: {  	_ =	strace s18  }
0x93: {  	s3 =	sld [smem:$0x3FFC];
	_ =	sdelay $0x3  }
0x94: {  	_ =	strace s3  }
0x95: {  	s3 =	sld [smem:$0x3FFD];
	_ =	sdelay $0x3  }
0x96: {  	_ =	strace s3  }
0x97: {  	_ =	strace $0x8FFFFFFF  }
0x98: {  	s19 =	sld [smem:$0x3FDB];
	_ =	sdelay $0x1  }
0x99: {  	s4 =	simm.s32 $_scs_section_size  }
0x9a: {  	s5 =	simm.s32 $_size__tile_overlayer_lowered;
	s6 =	simm.s32 $_tile_overlayer_lowered  }
0x9b: {  	s22 =	simm.s32 $0x1BFF;
	s21 =	sshll.u32 s6, $0x1;
	s3 =	sadd.s32 s4, s19  }
0x9c: {  	s7 =	simm.s32 $0x0;
	s20 =	sshll.u32 s5, $0x1;
	s5 =	sadd.s32 s21, s3  }
0x9d: {  	[timem:s7], [sflag:s22] =	dma.local [hbm:s5], s20  }
0x9e: {  	_ =	swait.ge [sflag:s22], s20  }
0x9f: {  	s4 =	ssub.s32 $0x0, s20;
	[sflag:s22] =	ssyncset.done $0x0  }
0xa0: {  	[sflag:s22] =	ssyncadd.s32 s4;
	_ =	sdelay $0x1  }
0xa1: {  	s23 =	simm.s32 $0x1B8B  }
0xa2: {  	_ =	swait.ge [sflag:s23], $0x1  }
0xa3: {  	[sflag:s23] =	ssyncset.done $0x0  }
0xa4: {  	s25 =	simm.s32 $0x1B8E;
	s24 =	sld [smem:$0x3FFE];
	[sflag:s23] =	ssyncadd.s32 $0xFFFFFFFF  }
0xa5: {  	s26 =	simm.s32 $execute0_lowered;
	[smem:$0x3FD2] =	sst s25  }
0xa6: {  	s5 =	sshll.u32 s26, $0x1;
	_ =	strace $0x80000046;
	[dreg:$0x1] =	wrdreg $0xFFFFFFFF  }
0xa7: {  	s28 =	simm.s32 $_size_execute0_lowered;
	s3 =	sadd.s32 s3, s5;
	[dreg:$0x0] =	wrdreg $0x0  }
0xa8: {  	s5 =	sshll.u32 s28, $0x1;
	[dreg:$0x2] =	wrdreg s3  }
0xa9: {  	[dreg:$0x3] =	wrdreg s5  }
0xaa: {  	[dreg:$0x4] =	wrdreg $0xC0  }
0xab: {  	_ =	task [dreg:s7], $0x5FFFF  }
0xac: {  	[dreg:$0x1] =	wrdreg $0xFFFFFFFF  }
0xad: {  	[dreg:$0x0] =	wrdreg $0x60  }
0xae: {  	[dreg:$0x2] =	wrdreg s24  }
0xaf: {  	[dreg:$0x3] =	wrdreg s2  }
0xb0: {  	[dreg:$0x4] =	wrdreg $0x54000  }
0xb1: {  	[dreg:$0x5] =	wrdreg $0x9  }
0xb2: {  	_ =	task.clear_ibuf [dreg:s7], $0x6FFFF;
	_ =	strace $0x90000046  }
0xb3: {  	s29 =	simm.s32 $0x9;
	_ =	strace $0x80000048  }
0xb4: {  	_ =	swait.ge [sflag:s29], $0x1  }
0xb5: {  	[sflag:s29] =	ssyncadd.s32 $0xFFFFFFFF  }
0xb6: {  	_ =	strace $0x90000048  }
0xb7: {  	_ =	sfence  }
0xb8: {  	s30 =	sld [smem:$0x0];
	_ =	sdelay $0x2  }
0xb9: {  	s31 =	sshll.u32 s1, $0xD;
	s1 =	sshrl.u32 s1, $0x2  }
0xba: {  	s3 =	sand.u32 $0x4000, s31;
	s1 =	sadd.s32 s1, s30  }
0xbb: {  	s0 =	sor.u32 s3, s0;
	s1 =	sshll.u32 s1, $0x11  }
0xbc: {  	s0 =	sor.u32 s1, s0  }
0xbd: {  	s0 =	sadd.s32 $0x8F2B, s0  }
0xbe: {  	[sflag:s0] =	ssyncadd.remote.s32 $0x1  }
0xbf: {  	_ =	sfence.sel $0xFFFF  }
0xc0: {  	[dreg:$0x0] =	wrdreg $0xFFFFFFFF;
	(pc) =	sbr.abs _section_cstart, $3  }
0xc1: {  	[dreg:$0x1] =	wrdreg $0xFFFFFFFF  }
0xc2: {  	_ =	task.clear_ibuf [dreg:s7], $0x2FFFF;
	_ =	strace $0x9FFFFFFF  }
0xc3: {  	(tm) =	ssettm $0x7FFFFFFF  }
tec
execute0_lowered:
.L_overlay_start_1:
0x0: {  	(tag) =	ssettag $0x1  }
0x1: {  	s11 =	rddreg [dreg:$0x0]  }
0x2: {  	s2 =	rddreg [dreg:$0x1]  }
0x3: {  	s0 =	srdreg.scid;
	s3 =	rddreg [dreg:$0x2]  }
0x4: {  	s4 =	simm.s32 $0x0;
	s16 =	simm.s32 $0x80;
	s17 =	simm.s32 $0x1  }
0x5: {  	s18 =	simm.s32 $0x2;
	s8 =	sand.u32 $0x1, s0;
	s0 =	stileid.u32  }
0x6: {  	s23 =	simm.s32 $0x0;
	[smem:$0x7FF] =	sst s4;
	s6 =	smul.u32 $0x2800, s0  }
0x7: {  	s21 =	sadd.s32 $0x128400, s3;
	s1 =	sshll.u32 s8, $0x4;
	s7 =	smul.u32 $0x2780, s0  }
0x8: {  	s9 =	ssub.s32 $0x2, s8;
	s12 =	smul.u32 $0x50000, s0;
	s29 =	sshll.u32 s0, $0x6  }
0x9: {  	s30 =	smul.u32 $0x4F000, s0;
	p3 =	seq.s32 s8, $0x1;
	s5 =	sor.u32 s0, s1  }
0xa: {  	s1 =	rddreg [dreg:$0x3];
	_ =	strace $0x80000047;
	s26 =	sshrl.u32 s9, $0x1  }
0xb: {  	p1 =	seq.s32 @p3 s0, $0xF;
	p4 =	seq.s32 @!p3 s0, $0xF;
	s5 =	smul.u32 $0x280, s5  }
0xc: {  	s6 =	sadd.s32 s6, s11;
	s13 =	sadd.s32 s7, s11;
	s14 =	ssub.s32 s9, s26  }
0xd: {  	s28 =	sshrl.u32 s12, $0x2;
	s31 =	sshrl.u32 s30, $0x2;
	s9 =	sadd.s32 $0x59680, s11  }
0xe: {  	p0 =	por !p1, !p3;
	p1 =	por p1, !p3;
	p2 =	por !p4, p3  }
0xf: {  	p3 =	por p4, p3;
	s15 =	sadd.s32 s28, s3;
	s22 =	sadd.s32 s31, s3  }
0x10: {  	s8 =	sadd.s32 $0x34600, s13;
	s12 =	smax.u32 s14, $0x1;
	s14 =	simm.s32 $0x3  }
0x11: {  	s19 =	sshrl.u32 @!p0 s21, $0x3;
	s21 =	sshrl.u32 @!p2 s21, $0x3;
	s10 =	sadd.s32 s5, s11  }
0x12: {  	s5 =	sadd.s32 $0xC600, s6;
	s6 =	sor.u32 $0x1C03, s29;
	s11 =	sadd.s32 $0x80880, s11  }
0x13: {  	s20 =	sshrl.u32 @!p1 s22, $0x3;
	s22 =	sshrl.u32 @!p3 s22, $0x3;
	s7 =	sadd.s32 $0x2600, s10  }
0x14: {  	s10 =	sadd.s32 $0x5B800, s13;
	s13 =	sshrl.u32 s15, $0x3;
	s15 =	simm.s32 $0x1400  }
.LBB2_1:
0x15: {  	[spmem:s13], [sflag:s6] =	dma.local [hbm:s5], $0x2800  }
0x16: {  	_ =	swait.ge [sflag:s14], $0x2800  }
0x17: {  	[sflag:s14] =	ssyncset.done $0x0  }
0x18: {  	[sflag:s14] =	ssyncadd.s32 $0xFFFFD800  }
0x19: {  	[tilespmem:s15], [sflag:$0x3] =	stream.linear.gather [hbm4b:s2+s4], $0x4000, $0x38;
	[tilespmem:$0x19400] =	vst v63  }
0x1a: {  	_ =	swait.ge [sflag:s14], $0x4000  }
0x1b: {  	[sflag:s14] =	ssyncset.done $0x0  }
0x1c: {  	[sflag:s14] =	ssyncadd.s32 $0xFFFFC000  }
0x1d: {  	[tilespmem:s4], [sflag:$0x3] =	stream.linear.gather [hbm4b:s7+s4], $0x1400, $0x38;
	[tilespmem:$0x19400] =	vst v63  }
0x1e: {  	_ =	swait.ge [sflag:s14], $0x1400  }
0x1f: {  	[sflag:s14] =	ssyncset.done $0x0  }
0x20: {  	[sflag:s14] =	ssyncadd.s32 $0xFFFFEC00  }
0x21: {  	[bflag:$0x0] =	sbarrier.arrive $0xFFFF  }
0x22: {  	[spmem:s3] =	stream.indirect.scatter.add.f32 [tilespmem:s15], [sflag:$0x1], $0x80, s4, s16, $0xb8;
	[tilespmem:$0x19400] =	vst v63  }
0x23: {  	_ = 	snop  }
0x24: {  	[spmem:s3] =	stream.indirect.scatter.add.f32 [tilespmem:s15], [sflag:$0x2], $0x80, s16, s16, $0xb8;
	[tilespmem:$0x19400] =	vst v63  }
0x25: {  	_ =	swait.ge [sflag:s17], $0x4000  }
0x26: {  	[sflag:s17] =	ssyncset.done $0x0  }
0x27: {  	s24 =	simm.s32 $0x100;
	[sflag:s17] =	ssyncadd.s32 $0xFFFFC000  }
0x28: {  	[spmem:s3] =	stream.indirect.scatter.add.f32 [tilespmem:s15], [sflag:$0x1], $0x80, s24, s16, $0xb8;
	[tilespmem:$0x19400] =	vst v63  }
0x29: {  	_ =	swait.ge [sflag:s18], $0x4000  }
0x2a: {  	[sflag:s18] =	ssyncset.done $0x0  }
0x2b: {  	s25 =	simm.s32 $0x180;
	s24 =	simm.s32 $0xFFFFB800;
	[sflag:s18] =	ssyncadd.s32 $0xFFFFC000  }
.LBB2_2:
0x2c: {  	[spmem:s3] =	stream.indirect.scatter.add.f32 [tilespmem:s15], [sflag:$0x2], $0x80, s25, s16, $0xb8;
	[tilespmem:$0x19400] =	vst v63  }
0x2d: {  	s25 =	smov.u32 s24  }
0x2e: {  	p4 =	sne.s32 s24, $0xFFFFFC00;
	s24 =	sadd.s32 $0x400, s24;
	_ =	swait.ge [sflag:s17], $0x4000  }
0x2f: {  	s25 =	sshra.s32 s25, $0x2;
	[sflag:s17] =	ssyncset.done $0x0  }
.Ltmp0:
0x30: {  	s26 =	sadd.s32 $0x1400, s25;
	[sflag:s17] =	ssyncadd.s32 $0xFFFFC000;
	(pc) =	sbr.rel @p4 .LBB2_2-.Ltmp0, $4  }
0x31: {  	[spmem:s3] =	stream.indirect.scatter.add.f32 [tilespmem:s15], [sflag:$0x1], $0x80, s26, s16, $0xb8;
	[tilespmem:$0x19400] =	vst v63  }
0x32: {  	_ =	swait.ge [sflag:s18], $0x4000  }
0x33: {  	[sflag:s18] =	ssyncset.done $0x0  }
0x34: {  	s25 =	sadd.s32 $0x1480, s25;
	[sflag:s18] =	ssyncadd.s32 $0xFFFFC000  }
0x35: {  	[spmem:s3] =	stream.indirect.scatter.add.f32 [tilespmem:s15], [sflag:$0x2], $0x80, s25, s16, $0xb8;
	[tilespmem:$0x19400] =	vst v63  }
0x36: {  	_ =	swait.ge [sflag:s17], $0x4000  }
0x37: {  	[sflag:s17] =	ssyncset.done $0x0  }
0x38: {  	[sflag:s17] =	ssyncadd.s32 $0xFFFFC000  }
0x39: {  	_ =	swait.ge [sflag:s18], $0x4000  }
0x3a: {  	[sflag:s18] =	ssyncset.done $0x0  }
0x3b: {  	[sflag:s18] =	ssyncadd.s32 $0xFFFFC000  }
0x3c: {  	s24 =	simm.s32 @!p0 $0x3;
	[bflag:$0x0] =	sbarrier.arrive $0xFFFF  }
0x3d: {  	[hbm:s11], [sflag:s6] =	dma.local @!p0 [spmem:s19], $0x2080  }
0x3e: {  	_ =	swait.ge @!p0 [sflag:s24], $0x2080  }
0x3f: {  	[sflag:s24] =	ssyncset.done @!p0 $0x0  }
0x40: {  	[sflag:s24] =	ssyncadd.s32 @!p0 $0xFFFFDF80;
	s24 =	simm.s32 @!p1 $0x3  }
0x41: {  	[hbm:s10], [sflag:s6] =	dma.local @!p1 [spmem:s20], $0x2780  }
0x42: {  	_ =	swait.ge @!p1 [sflag:s24], $0x2780  }
0x43: {  	[sflag:s24] =	ssyncset.done @!p1 $0x0  }
0x44: {  	[sflag:s24] =	ssyncadd.s32 @!p1 $0xFFFFD880;
	s24 =	simm.s32 @!p2 $0x3  }
0x45: {  	[hbm:s9], [sflag:s6] =	dma.local @!p2 [spmem:s21], $0x2080  }
0x46: {  	s23 =	sadd.s32 $0x1, s23;
	_ =	swait.ge @!p2 [sflag:s24], $0x2080  }
0x47: {  	p4 =	sne.s32 s23, s12;
	[sflag:s24] =	ssyncset.done @!p2 $0x0  }
.Ltmp1:
0x48: {  	[sflag:s24] =	ssyncadd.s32 @!p2 $0xFFFFDF80;
	s24 =	simm.s32 @!p3 $0x3;
	(pc) =	sbr.rel @p4 .LBB2_1-.Ltmp1, $4  }
0x49: {  	[hbm:s8], [sflag:s6] =	dma.local @!p3 [spmem:s22], $0x2780  }
0x4a: {  	_ =	swait.ge @!p3 [sflag:s24], $0x2780  }
0x4b: {  	[sflag:s24] =	ssyncset.done @!p3 $0x0  }
0x4c: {  	[sflag:s24] =	ssyncadd.s32 @!p3 $0xFFFFD880  }
0x4d: {  	_ =	sfence.sel $0x180000  }
0x4e: {  	[bflag:$0x0] =	sbarrier.arrive $0xFFFF  }
0x4f: {  	p0 =	sne.s32 s0, $0x0;
	_ =	strace $0x90000047  }
0x50: {  	s0 =	sadd.s32 @!p0 $0x100000, s1;
	[bflag:$0x2] =	sbarrier.arrive $0xFFFF  }
0x51: {  	[sflag:s0] =	ssyncadd.tile.s32 @!p0 $0x1;
	_ =	shalt  }
.Lfunc_end2:
_tile_overlayer_lowered:
.L_overlay_start_2:
0x52: {  	(tag) =	ssettag $0x2  }
0x53: {  	s0 =	rddreg [dreg:$0x0];
	s2 =	stileid.u32  }
0x54: {  	s1 =	rddreg [dreg:$0x1];
	p0 =	sne.s32 s2, $0x0  }
0x55: {  	s3 =	rddreg [dreg:$0x2];
	[bflag:$0x3] =	sbarrier.arrive $0xFFFF;
	s2 =	simm.s32 @!p0 $0x1C03  }
0x56: {  	[timem:s3], [sflag:s2] =	dma.local @!p0 [hbm:s0], s1  }
0x57: {  	s0 =	simm.s32 @!p0 $0x3  }
0x58: {  	_ =	swait.ge @!p0 [sflag:s0], s1  }
0x59: {  	s1 =	ssub.s32 @!p0 $0x0, s1;
	[sflag:s0] =	ssyncset.done @!p0 $0x0  }
0x5a: {  	[sflag:s0] =	ssyncadd.s32 @!p0 s1  }
0x5b: {  	[bflag:$0x3] =	sbarrier.arrive $0xFFFF  }
0x5c: {  	_ =	shalt  }

</sc_bundles>
